<compile_context>
chip_gen: v7x
topology: tpu7x:2x2x1
jax: 0.10.2.dev20260603
libtpu: 0.0.44.dev20260713+nightly
codegen_flags: <defaults>
</compile_context>

<pallas_src>
import functools

import jax
import jax.numpy as jnp
from jax import lax
from jax.experimental import pallas as pl
from jax.experimental.pallas import tpu as pltpu
from jax.experimental.pallas import tpu_sc as plsc

F32 = jnp.float32
I32 = jnp.int32

NC = 2
NS = 16
NW = NC * NS
CH = 128
NR = 10240
RPT = NR // NS


def _mesh():
    return plsc.VectorSubcoreMesh(
        core_axis_name="c", subcore_axis_name="s", num_cores=NC, num_subcores=NS
    )


def _zero_rows(buf, nrows, width):
    zv = jnp.zeros((16,), F32)

    def row(i, _):
        for q in range(width // 16):
            buf[i, pl.ds(q * 16, 16)] = zv
        return 0

    lax.fori_loop(0, nrows, row, 0)


def _make_agg(k_per_w, dw):
    mesh = _mesh()
    nbuf = 2
    nphase = 2
    kidx = k_per_w // nphase
    ngroups = kidx // nbuf
    assert ngroups * nbuf * nphase == k_per_w
    scratch = [
        pltpu.VMEM((kidx, CH), I32),
        pltpu.VMEM((kidx, CH), I32),
    ]
    scratch += [pltpu.VMEM((CH, dw), F32) for _ in range(nbuf)]
    scratch.append(pltpu.VMEM_SHARED((NR, dw), F32))
    scratch += [pltpu.SemaphoreType.DMA for _ in range(nbuf)]

    @functools.partial(
        pl.kernel,
        out_type=jax.ShapeDtypeStruct((NC * NR, dw), F32),
        mesh=mesh,
        scratch_types=scratch,
    )
    def agg(u, srcr, dstr, out, *rest):
        idx_s, idx_d = rest[0], rest[1]
        rows = rest[2 : 2 + nbuf]
        acc = rest[2 + nbuf]
        sems = rest[3 + nbuf : 3 + 2 * nbuf]
        c = lax.axis_index("c")
        t = lax.axis_index("s")
        w = c * NS + t
        _zero_rows(rows[0], CH, dw)
        for p in range(RPT // CH):
            pltpu.sync_copy(rows[0], acc.at[pl.ds(t * RPT + p * CH, CH)])
        plsc.subcore_barrier()

        for ph in range(nphase):
            base = w * k_per_w + ph * kidx
            pltpu.sync_copy(srcr.at[pl.ds(base, kidx)], idx_s)
            pltpu.sync_copy(dstr.at[pl.ds(base, kidx)], idx_d)

            for b in range(nbuf):
                pltpu.async_copy(u.at[idx_s.at[b]], rows[b], sems[b])

            def group(g, _):
                for b in range(nbuf):
                    e = g * nbuf + b
                    pltpu.make_async_copy(
                        u.at[pl.ds(0, CH)], rows[b], sems[b]
                    ).wait()
                    pltpu.sync_copy(rows[b], acc.at[idx_d.at[e]], add=True)

                    @pl.when(g + 1 < ngroups)
                    def _():
                        pltpu.async_copy(u.at[idx_s.at[e + nbuf]], rows[b], sems[b])

                return 0

            lax.fori_loop(0, ngroups, group, 0)

        plsc.subcore_barrier()
        for p in range(RPT // CH):
            r0 = t * RPT + p * CH
            pltpu.sync_copy(acc.at[pl.ds(r0, CH)], rows[0])
            pltpu.sync_copy(rows[0], out.at[pl.ds(c * NR + r0, CH)])

    return agg


def _make_deg(k_per_w):
    mesh = _mesh()

    @functools.partial(
        pl.kernel,
        out_type=jax.ShapeDtypeStruct((NC * NR,), F32),
        mesh=mesh,
        scratch_types=[
            pltpu.VMEM((k_per_w, CH), I32),
            pltpu.VMEM((CH,), F32),
            pltpu.VMEM_SHARED((NR,), F32),
        ],
    )
    def deg(dstr, out, idx_d, ones, acc):
        c = lax.axis_index("c")
        t = lax.axis_index("s")
        w = c * NS + t
        zv = jnp.zeros((16,), F32)
        for q in range(CH // 16):
            ones[pl.ds(q * 16, 16)] = zv
        for p in range(RPT // CH):
            pltpu.sync_copy(ones, acc.at[pl.ds(t * RPT + p * CH, CH)])
        ov = jnp.ones((16,), F32)
        for q in range(CH // 16):
            ones[pl.ds(q * 16, 16)] = ov
        plsc.subcore_barrier()
        pltpu.sync_copy(dstr.at[pl.ds(w * k_per_w, k_per_w)], idx_d)

        def step(j, _):
            pltpu.sync_copy(ones, acc.at[idx_d.at[j]], add=True)
            return 0

        lax.fori_loop(0, k_per_w, step, 0)
        plsc.subcore_barrier()
        for p in range(RPT // CH):
            r0 = t * RPT + p * CH
            pltpu.sync_copy(acc.at[pl.ds(r0, CH)], ones)
            pltpu.sync_copy(ones, out.at[pl.ds(c * NR + r0, CH)])

    return deg




def _mm_body(x_ref, w_ref, o_ref):
    o_ref[...] = jnp.dot(x_ref[...], w_ref[...], preferred_element_type=F32)


def _scale_body(h_ref, da_ref, db_ref, u_ref, s_ref):
    s = lax.rsqrt(da_ref[...] + db_ref[...] + 1.0)
    s_ref[...] = s
    u_ref[...] = h_ref[...] * s


def _mid_body(aa_ref, ab_ref, u1_ref, s_ref, b1_ref, o_ref):
    h1 = (aa_ref[...] + ab_ref[...] + u1_ref[...]) * s_ref[...] + b1_ref[...]
    h1 = jnp.where(h1 >= 0, h1, 0.2 * h1)
    o_ref[...] = h1 * s_ref[...]


def _fin_body(qa_ref, qb_ref, v_ref, s_ref, w2_ref, b2_ref, o_ref):
    t = (qa_ref[...] + qb_ref[...] + v_ref[...]) * s_ref[...]
    o = jnp.dot(t, w2_ref[...], preferred_element_type=F32)
    o_ref[...] = o[:, 0:3] + b2_ref[...]


def kernel(x, edge_index, W1, b1, W2, b2):
    n, d_in = x.shape
    d_hid = W1.shape[1]
    d2 = 16
    e = edge_index.shape[1]
    k_per_w = -(-(-(-e // (NW * CH))) // 8) * 8
    ep = NW * CH * k_per_w

    src = edge_index[0].astype(I32)
    dst = edge_index[1].astype(I32)
    src_rows = jnp.concatenate([src, jnp.zeros((ep - e,), I32)]).reshape(-1, CH)
    dst_rows = jnp.concatenate([dst, jnp.full((ep - e,), n, I32)]).reshape(-1, CH)

    w2p = jnp.pad(W2, ((0, 0), (0, d2 - W2.shape[1])))
    b1r = b1.reshape(1, d_hid)
    b2r = b2.reshape(1, 3)

    degf = _make_deg(k_per_w)(dst_rows)

    h = pl.pallas_call(
        _mm_body, out_shape=jax.ShapeDtypeStruct((n, d_hid), F32)
    )(x, W1)

    u1, s = pl.pallas_call(
        _scale_body,
        out_shape=(
            jax.ShapeDtypeStruct((n, d_hid), F32),
            jax.ShapeDtypeStruct((n, 1), F32),
        ),
    )(h, degf[:n].reshape(n, 1), degf[NR : NR + n].reshape(n, 1))

    agg1 = _make_agg(k_per_w, d_hid)(u1, src_rows, dst_rows)

    v = pl.pallas_call(
        _mid_body, out_shape=jax.ShapeDtypeStruct((n, d_hid), F32)
    )(agg1[:n], agg1[NR : NR + n], u1, s, b1r)

    q = _make_agg(k_per_w, d_hid)(v, src_rows, dst_rows)

    out = pl.pallas_call(
        _fin_body, out_shape=jax.ShapeDtypeStruct((n, 3), F32)
    )(q[:n], q[NR : NR + n], v, s, w2p, b2r)
    return out

# --- scband reference (transcript-rebuilt; emitter-appended) ---
"""Pipeline reference for scband-deformation-gnn-65841848647821 (READ-ONLY COPY).

The authoritative reference and input builder live on the scoring server;
editing this copy changes nothing except your own understanding.
"""

import jax, jax.numpy as jnp
import numpy as np

N = 10000
E = 320000
D_IN = 128
D_HID = 128
D_OUT = 3


def setup_inputs(seed: int = 0) -> dict:
    key = jax.random.key(seed)
    ks = jax.random.split(key, 5)
    x = jax.random.normal(ks[0], (N, D_IN), dtype=jnp.float32)
    edge_index = jax.random.randint(ks[1], (2, E), 0, N).astype(jnp.int64)
    W1 = jax.random.normal(ks[2], (D_IN, D_HID), dtype=jnp.float32) * (1.0 / np.sqrt(D_IN))
    b1 = jnp.zeros((D_HID,), dtype=jnp.float32)
    W2 = jax.random.normal(ks[3], (D_HID, D_OUT), dtype=jnp.float32) * (1.0 / np.sqrt(D_HID))
    b2 = jnp.zeros((D_OUT,), dtype=jnp.float32)
    return {"x": x, "edge_index": edge_index, "W1": W1, "b1": b1, "W2": W2, "b2": b2}


def _gcn_conv(x, edge_index, W, b):
    # PyG-style GCNConv: add self-loops, symmetric normalization, linear transform, scatter-add aggregation
    n = x.shape[0]
    loop = jnp.arange(n, dtype=edge_index.dtype)
    src = jnp.concatenate([edge_index[0], loop])
    dst = jnp.concatenate([edge_index[1], loop])
    deg = jnp.zeros((n,), dtype=x.dtype).at[dst].add(1.0)
    deg_inv_sqrt = jnp.where(deg > 0, 1.0 / jnp.sqrt(deg), 0.0)
    norm = deg_inv_sqrt[src] * deg_inv_sqrt[dst]
    h = x @ W
    msg = h[src] * norm[:, None]
    out = jnp.zeros((n, h.shape[1]), dtype=x.dtype).at[dst].add(msg)
    return out + b


def reference(x, edge_index, W1, b1, W2, b2):
    # layer 0: GCNConv(128 -> 128) + leaky_relu(0.2)
    h = _gcn_conv(x, edge_index, W1, b1)
    h = jax.nn.leaky_relu(h, negative_slope=0.2)
    # layer 1 (final): GCNConv(128 -> 3), final_activation='None' -> identity
    out = _gcn_conv(h, edge_index, W2, b2)
    return out

if __name__ == "__main__":
    import jax
    _d = setup_inputs()
    print(jax.jit(kernel)(*tuple(_d.values())))

</pallas_src>

<mosaic_0001>
#map = affine_map<(d0, d1) -> (0, 0)>
#map1 = affine_map<(d0, d1) -> (0)>
module attributes {stable_mosaic.version = 14 : i64} {
  func.func @deg(%arg0: i32, %arg1: i32, %arg2: memref<2560x128xi32, #tpu.memory_space<hbm>>, %arg3: memref<20480xf32, #tpu.memory_space<hbm>>, %arg4: memref<80x128xi32, #tpu.memory_space<vmem>>, %arg5: memref<128xf32, #tpu.memory_space<vmem>>, %arg6: memref<10240xf32, #tpu.memory_space<vmem_shared>>) attributes {dimension_semantics = [#tpu.dimension_semantics<core_parallel>, #tpu.dimension_semantics<subcore_parallel>], iteration_bounds = array<i64: 2, 16>, scalar_prefetch = 0 : i64, scratch_operands = 3 : i64, tpu.core_type = #tpu.core_type<sc_vector_subcore>, window_params = [{transform_indices = #map}, {transform_indices = #map1}]} {
    %mul3A = arith.constant 16 : i32
    %mul3A_0 = arith.muli %arg0, %mul3A : i32
    %add3A = arith.addi %mul3A_0, %arg1 : i32
    %broadcast_in_dim3A = arith.constant 0.000000e+00 : f32
    %broadcast_in_dim3A_1 = vector.broadcast %broadcast_in_dim3A : f32 to vector<16xf32>
    %swap3A = arith.constant 0 : index
    %swap3A_2 = tpu.vector_load %arg5[%swap3A] {strides = array<i32>} : memref<128xf32, #tpu.memory_space<vmem>>, vector<16xf32>,
    %swap3A_3 = vector.shape_cast %swap3A_2 : vector<16xf32> to vector<16xf32>
    %swap3A_4 = vector.shape_cast %broadcast_in_dim3A_1 : vector<16xf32> to vector<16xf32>
    tpu.vector_store %arg5[%swap3A], %swap3A_4 {strides = array<i32>} : memref<128xf32, #tpu.memory_space<vmem>>, vector<16xf32>,
    %swap3A_5 = arith.constant 16 : index
    %swap3A_6 = tpu.vector_load %arg5[%swap3A_5] {strides = array<i32>} : memref<128xf32, #tpu.memory_space<vmem>>, vector<16xf32>,
    %swap3A_7 = vector.shape_cast %swap3A_6 : vector<16xf32> to vector<16xf32>
    %swap3A_8 = vector.shape_cast %broadcast_in_dim3A_1 : vector<16xf32> to vector<16xf32>
    tpu.vector_store %arg5[%swap3A_5], %swap3A_8 {strides = array<i32>} : memref<128xf32, #tpu.memory_space<vmem>>, vector<16xf32>,
    %swap3A_9 = arith.constant 32 : index
    %swap3A_10 = tpu.vector_load %arg5[%swap3A_9] {strides = array<i32>} : memref<128xf32, #tpu.memory_space<vmem>>, vector<16xf32>,
    %swap3A_11 = vector.shape_cast %swap3A_10 : vector<16xf32> to vector<16xf32>
    %swap3A_12 = vector.shape_cast %broadcast_in_dim3A_1 : vector<16xf32> to vector<16xf32>
    tpu.vector_store %arg5[%swap3A_9], %swap3A_12 {strides = array<i32>} : memref<128xf32, #tpu.memory_space<vmem>>, vector<16xf32>,
    %swap3A_13 = arith.constant 48 : index
    %swap3A_14 = tpu.vector_load %arg5[%swap3A_13] {strides = array<i32>} : memref<128xf32, #tpu.memory_space<vmem>>, vector<16xf32>,
    %swap3A_15 = vector.shape_cast %swap3A_14 : vector<16xf32> to vector<16xf32>
    %swap3A_16 = vector.shape_cast %broadcast_in_dim3A_1 : vector<16xf32> to vector<16xf32>
    tpu.vector_store %arg5[%swap3A_13], %swap3A_16 {strides = array<i32>} : memref<128xf32, #tpu.memory_space<vmem>>, vector<16xf32>,
    %swap3A_17 = arith.constant 64 : index
    %swap3A_18 = tpu.vector_load %arg5[%swap3A_17] {strides = array<i32>} : memref<128xf32, #tpu.memory_space<vmem>>, vector<16xf32>,
    %swap3A_19 = vector.shape_cast %swap3A_18 : vector<16xf32> to vector<16xf32>
    %swap3A_20 = vector.shape_cast %broadcast_in_dim3A_1 : vector<16xf32> to vector<16xf32>
    tpu.vector_store %arg5[%swap3A_17], %swap3A_20 {strides = array<i32>} : memref<128xf32, #tpu.memory_space<vmem>>, vector<16xf32>,
    %swap3A_21 = arith.constant 80 : index
    %swap3A_22 = tpu.vector_load %arg5[%swap3A_21] {strides = array<i32>} : memref<128xf32, #tpu.memory_space<vmem>>, vector<16xf32>,
    %swap3A_23 = vector.shape_cast %swap3A_22 : vector<16xf32> to vector<16xf32>
    %swap3A_24 = vector.shape_cast %broadcast_in_dim3A_1 : vector<16xf32> to vector<16xf32>
    tpu.vector_store %arg5[%swap3A_21], %swap3A_24 {strides = array<i32>} : memref<128xf32, #tpu.memory_space<vmem>>, vector<16xf32>,
    %swap3A_25 = arith.constant 96 : index
    %swap3A_26 = tpu.vector_load %arg5[%swap3A_25] {strides = array<i32>} : memref<128xf32, #tpu.memory_space<vmem>>, vector<16xf32>,
    %swap3A_27 = vector.shape_cast %swap3A_26 : vector<16xf32> to vector<16xf32>
    %swap3A_28 = vector.shape_cast %broadcast_in_dim3A_1 : vector<16xf32> to vector<16xf32>
    tpu.vector_store %arg5[%swap3A_25], %swap3A_28 {strides = array<i32>} : memref<128xf32, #tpu.memory_space<vmem>>, vector<16xf32>,
    %swap3A_29 = arith.constant 112 : index
    %swap3A_30 = tpu.vector_load %arg5[%swap3A_29] {strides = array<i32>} : memref<128xf32, #tpu.memory_space<vmem>>, vector<16xf32>,
    %swap3A_31 = vector.shape_cast %swap3A_30 : vector<16xf32> to vector<16xf32>
    %swap3A_32 = vector.shape_cast %broadcast_in_dim3A_1 : vector<16xf32> to vector<16xf32>
    tpu.vector_store %arg5[%swap3A_29], %swap3A_32 {strides = array<i32>} : memref<128xf32, #tpu.memory_space<vmem>>, vector<16xf32>,
    %mul3A_33 = arith.constant 640 : i32
    %mul3A_34 = arith.muli %arg1, %mul3A_33 : i32
    %add3A_35 = arith.constant 0 : i32
    %add3A_36 = arith.addi %mul3A_34, %add3A_35 : i32
    "tpu.region"() ({
      %run_scoped3A = tpu.sem_alloc : memref<!tpu.dma_semaphore, #tpu.memory_space<semaphore_mem>>
      %dma_start3A = tpu.memref_slice %arg6[%add3A_36] : memref<10240xf32, #tpu.memory_space<vmem_shared>> -> memref<128xf32, #tpu.memory_space<vmem_shared>>
      %dma_start3A_131 = tpu.memref_slice %arg6[%add3A_36] : memref<10240xf32, #tpu.memory_space<vmem_shared>> -> memref<128xf32, #tpu.memory_space<vmem_shared>>
      tpu.enqueue_dma source(%arg5 : memref<128xf32, #tpu.memory_space<vmem>>) target(%dma_start3A_131 : memref<128xf32, #tpu.memory_space<vmem_shared>>) target_semaphore(%run_scoped3A : memref<!tpu.dma_semaphore, #tpu.memory_space<semaphore_mem>>)
      %dma_wait3A = tpu.memref_slice %arg6[%add3A_36] : memref<10240xf32, #tpu.memory_space<vmem_shared>> -> memref<128xf32, #tpu.memory_space<vmem_shared>>
      %dma_wait3A_132 = tpu.memref_slice %arg6[%add3A_36] : memref<10240xf32, #tpu.memory_space<vmem_shared>> -> memref<128xf32, #tpu.memory_space<vmem_shared>>
      tpu.wait_dma2 semaphore(%run_scoped3A : memref<!tpu.dma_semaphore, #tpu.memory_space<semaphore_mem>>) src(%arg5 : memref<128xf32, #tpu.memory_space<vmem>>) dst(%dma_wait3A_132 : memref<128xf32, #tpu.memory_space<vmem_shared>>)
      tpu.yield
    }) : () -> ()
    %mul3A_37 = arith.constant 640 : i32
    %mul3A_38 = arith.muli %arg1, %mul3A_37 : i32
    %add3A_39 = arith.constant 128 : i32
    %add3A_40 = arith.addi %mul3A_38, %add3A_39 : i32
    "tpu.region"() ({
      %run_scoped3A = tpu.sem_alloc : memref<!tpu.dma_semaphore, #tpu.memory_space<semaphore_mem>>
      %dma_start3A = tpu.memref_slice %arg6[%add3A_40] : memref<10240xf32, #tpu.memory_space<vmem_shared>> -> memref<128xf32, #tpu.memory_space<vmem_shared>>
      %dma_start3A_131 = tpu.memref_slice %arg6[%add3A_40] : memref<10240xf32, #tpu.memory_space<vmem_shared>> -> memref<128xf32, #tpu.memory_space<vmem_shared>>
      tpu.enqueue_dma source(%arg5 : memref<128xf32, #tpu.memory_space<vmem>>) target(%dma_start3A_131 : memref<128xf32, #tpu.memory_space<vmem_shared>>) target_semaphore(%run_scoped3A : memref<!tpu.dma_semaphore, #tpu.memory_space<semaphore_mem>>)
      %dma_wait3A = tpu.memref_slice %arg6[%add3A_40] : memref<10240xf32, #tpu.memory_space<vmem_shared>> -> memref<128xf32, #tpu.memory_space<vmem_shared>>
      %dma_wait3A_132 = tpu.memref_slice %arg6[%add3A_40] : memref<10240xf32, #tpu.memory_space<vmem_shared>> -> memref<128xf32, #tpu.memory_space<vmem_shared>>
      tpu.wait_dma2 semaphore(%run_scoped3A : memref<!tpu.dma_semaphore, #tpu.memory_space<semaphore_mem>>) src(%arg5 : memref<128xf32, #tpu.memory_space<vmem>>) dst(%dma_wait3A_132 : memref<128xf32, #tpu.memory_space<vmem_shared>>)
      tpu.yield
    }) : () -> ()
    %mul3A_41 = arith.constant 640 : i32
    %mul3A_42 = arith.muli %arg1, %mul3A_41 : i32
    %add3A_43 = arith.constant 256 : i32
    %add3A_44 = arith.addi %mul3A_42, %add3A_43 : i32
    "tpu.region"() ({
      %run_scoped3A = tpu.sem_alloc : memref<!tpu.dma_semaphore, #tpu.memory_space<semaphore_mem>>
      %dma_start3A = tpu.memref_slice %arg6[%add3A_44] : memref<10240xf32, #tpu.memory_space<vmem_shared>> -> memref<128xf32, #tpu.memory_space<vmem_shared>>
      %dma_start3A_131 = tpu.memref_slice %arg6[%add3A_44] : memref<10240xf32, #tpu.memory_space<vmem_shared>> -> memref<128xf32, #tpu.memory_space<vmem_shared>>
      tpu.enqueue_dma source(%arg5 : memref<128xf32, #tpu.memory_space<vmem>>) target(%dma_start3A_131 : memref<128xf32, #tpu.memory_space<vmem_shared>>) target_semaphore(%run_scoped3A : memref<!tpu.dma_semaphore, #tpu.memory_space<semaphore_mem>>)
      %dma_wait3A = tpu.memref_slice %arg6[%add3A_44] : memref<10240xf32, #tpu.memory_space<vmem_shared>> -> memref<128xf32, #tpu.memory_space<vmem_shared>>
      %dma_wait3A_132 = tpu.memref_slice %arg6[%add3A_44] : memref<10240xf32, #tpu.memory_space<vmem_shared>> -> memref<128xf32, #tpu.memory_space<vmem_shared>>
      tpu.wait_dma2 semaphore(%run_scoped3A : memref<!tpu.dma_semaphore, #tpu.memory_space<semaphore_mem>>) src(%arg5 : memref<128xf32, #tpu.memory_space<vmem>>) dst(%dma_wait3A_132 : memref<128xf32, #tpu.memory_space<vmem_shared>>)
      tpu.yield
    }) : () -> ()
    %mul3A_45 = arith.constant 640 : i32
    %mul3A_46 = arith.muli %arg1, %mul3A_45 : i32
    %add3A_47 = arith.constant 384 : i32
    %add3A_48 = arith.addi %mul3A_46, %add3A_47 : i32
    "tpu.region"() ({
      %run_scoped3A = tpu.sem_alloc : memref<!tpu.dma_semaphore, #tpu.memory_space<semaphore_mem>>
      %dma_start3A = tpu.memref_slice %arg6[%add3A_48] : memref<10240xf32, #tpu.memory_space<vmem_shared>> -> memref<128xf32, #tpu.memory_space<vmem_shared>>
      %dma_start3A_131 = tpu.memref_slice %arg6[%add3A_48] : memref<10240xf32, #tpu.memory_space<vmem_shared>> -> memref<128xf32, #tpu.memory_space<vmem_shared>>
      tpu.enqueue_dma source(%arg5 : memref<128xf32, #tpu.memory_space<vmem>>) target(%dma_start3A_131 : memref<128xf32, #tpu.memory_space<vmem_shared>>) target_semaphore(%run_scoped3A : memref<!tpu.dma_semaphore, #tpu.memory_space<semaphore_mem>>)
      %dma_wait3A = tpu.memref_slice %arg6[%add3A_48] : memref<10240xf32, #tpu.memory_space<vmem_shared>> -> memref<128xf32, #tpu.memory_space<vmem_shared>>
      %dma_wait3A_132 = tpu.memref_slice %arg6[%add3A_48] : memref<10240xf32, #tpu.memory_space<vmem_shared>> -> memref<128xf32, #tpu.memory_space<vmem_shared>>
      tpu.wait_dma2 semaphore(%run_scoped3A : memref<!tpu.dma_semaphore, #tpu.memory_space<semaphore_mem>>) src(%arg5 : memref<128xf32, #tpu.memory_space<vmem>>) dst(%dma_wait3A_132 : memref<128xf32, #tpu.memory_space<vmem_shared>>)
      tpu.yield
    }) : () -> ()
    %mul3A_49 = arith.constant 640 : i32
    %mul3A_50 = arith.muli %arg1, %mul3A_49 : i32
    %add3A_51 = arith.constant 512 : i32
    %add3A_52 = arith.addi %mul3A_50, %add3A_51 : i32
    "tpu.region"() ({
      %run_scoped3A = tpu.sem_alloc : memref<!tpu.dma_semaphore, #tpu.memory_space<semaphore_mem>>
      %dma_start3A = tpu.memref_slice %arg6[%add3A_52] : memref<10240xf32, #tpu.memory_space<vmem_shared>> -> memref<128xf32, #tpu.memory_space<vmem_shared>>
      %dma_start3A_131 = tpu.memref_slice %arg6[%add3A_52] : memref<10240xf32, #tpu.memory_space<vmem_shared>> -> memref<128xf32, #tpu.memory_space<vmem_shared>>
      tpu.enqueue_dma source(%arg5 : memref<128xf32, #tpu.memory_space<vmem>>) target(%dma_start3A_131 : memref<128xf32, #tpu.memory_space<vmem_shared>>) target_semaphore(%run_scoped3A : memref<!tpu.dma_semaphore, #tpu.memory_space<semaphore_mem>>)
      %dma_wait3A = tpu.memref_slice %arg6[%add3A_52] : memref<10240xf32, #tpu.memory_space<vmem_shared>> -> memref<128xf32, #tpu.memory_space<vmem_shared>>
      %dma_wait3A_132 = tpu.memref_slice %arg6[%add3A_52] : memref<10240xf32, #tpu.memory_space<vmem_shared>> -> memref<128xf32, #tpu.memory_space<vmem_shared>>
      tpu.wait_dma2 semaphore(%run_scoped3A : memref<!tpu.dma_semaphore, #tpu.memory_space<semaphore_mem>>) src(%arg5 : memref<128xf32, #tpu.memory_space<vmem>>) dst(%dma_wait3A_132 : memref<128xf32, #tpu.memory_space<vmem_shared>>)
      tpu.yield
    }) : () -> ()
    %broadcast_in_dim3A_53 = arith.constant 1.000000e+00 : f32
    %broadcast_in_dim3A_54 = vector.broadcast %broadcast_in_dim3A_53 : f32 to vector<16xf32>
    %swap3A_55 = arith.constant 0 : index
    %swap3A_56 = tpu.vector_load %arg5[%swap3A_55] {strides = array<i32>} : memref<128xf32, #tpu.memory_space<vmem>>, vector<16xf32>,
    %swap3A_57 = vector.shape_cast %swap3A_56 : vector<16xf32> to vector<16xf32>
    %swap3A_58 = vector.shape_cast %broadcast_in_dim3A_54 : vector<16xf32> to vector<16xf32>
    tpu.vector_store %arg5[%swap3A_55], %swap3A_58 {strides = array<i32>} : memref<128xf32, #tpu.memory_space<vmem>>, vector<16xf32>,
    %swap3A_59 = arith.constant 16 : index
    %swap3A_60 = tpu.vector_load %arg5[%swap3A_59] {strides = array<i32>} : memref<128xf32, #tpu.memory_space<vmem>>, vector<16xf32>,
    %swap3A_61 = vector.shape_cast %swap3A_60 : vector<16xf32> to vector<16xf32>
    %swap3A_62 = vector.shape_cast %broadcast_in_dim3A_54 : vector<16xf32> to vector<16xf32>
    tpu.vector_store %arg5[%swap3A_59], %swap3A_62 {strides = array<i32>} : memref<128xf32, #tpu.memory_space<vmem>>, vector<16xf32>,
    %swap3A_63 = arith.constant 32 : index
    %swap3A_64 = tpu.vector_load %arg5[%swap3A_63] {strides = array<i32>} : memref<128xf32, #tpu.memory_space<vmem>>, vector<16xf32>,
    %swap3A_65 = vector.shape_cast %swap3A_64 : vector<16xf32> to vector<16xf32>
    %swap3A_66 = vector.shape_cast %broadcast_in_dim3A_54 : vector<16xf32> to vector<16xf32>
    tpu.vector_store %arg5[%swap3A_63], %swap3A_66 {strides = array<i32>} : memref<128xf32, #tpu.memory_space<vmem>>, vector<16xf32>,
    %swap3A_67 = arith.constant 48 : index
    %swap3A_68 = tpu.vector_load %arg5[%swap3A_67] {strides = array<i32>} : memref<128xf32, #tpu.memory_space<vmem>>, vector<16xf32>,
    %swap3A_69 = vector.shape_cast %swap3A_68 : vector<16xf32> to vector<16xf32>
    %swap3A_70 = vector.shape_cast %broadcast_in_dim3A_54 : vector<16xf32> to vector<16xf32>
    tpu.vector_store %arg5[%swap3A_67], %swap3A_70 {strides = array<i32>} : memref<128xf32, #tpu.memory_space<vmem>>, vector<16xf32>,
    %swap3A_71 = arith.constant 64 : index
    %swap3A_72 = tpu.vector_load %arg5[%swap3A_71] {strides = array<i32>} : memref<128xf32, #tpu.memory_space<vmem>>, vector<16xf32>,
    %swap3A_73 = vector.shape_cast %swap3A_72 : vector<16xf32> to vector<16xf32>
    %swap3A_74 = vector.shape_cast %broadcast_in_dim3A_54 : vector<16xf32> to vector<16xf32>
    tpu.vector_store %arg5[%swap3A_71], %swap3A_74 {strides = array<i32>} : memref<128xf32, #tpu.memory_space<vmem>>, vector<16xf32>,
    %swap3A_75 = arith.constant 80 : index
    %swap3A_76 = tpu.vector_load %arg5[%swap3A_75] {strides = array<i32>} : memref<128xf32, #tpu.memory_space<vmem>>, vector<16xf32>,
    %swap3A_77 = vector.shape_cast %swap3A_76 : vector<16xf32> to vector<16xf32>
    %swap3A_78 = vector.shape_cast %broadcast_in_dim3A_54 : vector<16xf32> to vector<16xf32>
    tpu.vector_store %arg5[%swap3A_75], %swap3A_78 {strides = array<i32>} : memref<128xf32, #tpu.memory_space<vmem>>, vector<16xf32>,
    %swap3A_79 = arith.constant 96 : index
    %swap3A_80 = tpu.vector_load %arg5[%swap3A_79] {strides = array<i32>} : memref<128xf32, #tpu.memory_space<vmem>>, vector<16xf32>,
    %swap3A_81 = vector.shape_cast %swap3A_80 : vector<16xf32> to vector<16xf32>
    %swap3A_82 = vector.shape_cast %broadcast_in_dim3A_54 : vector<16xf32> to vector<16xf32>
    tpu.vector_store %arg5[%swap3A_79], %swap3A_82 {strides = array<i32>} : memref<128xf32, #tpu.memory_space<vmem>>, vector<16xf32>,
    %swap3A_83 = arith.constant 112 : index
    %swap3A_84 = tpu.vector_load %arg5[%swap3A_83] {strides = array<i32>} : memref<128xf32, #tpu.memory_space<vmem>>, vector<16xf32>,
    %swap3A_85 = vector.shape_cast %swap3A_84 : vector<16xf32> to vector<16xf32>
    %swap3A_86 = vector.shape_cast %broadcast_in_dim3A_54 : vector<16xf32> to vector<16xf32>
    tpu.vector_store %arg5[%swap3A_83], %swap3A_86 {strides = array<i32>} : memref<128xf32, #tpu.memory_space<vmem>>, vector<16xf32>,
    %barrier3A = arith.constant 0 : index
    tpu.barrier barrier_id(%barrier3A)
    %mul3A_87 = arith.constant 80 : i32
    %mul3A_88 = arith.muli %add3A, %mul3A_87 : i32
    "tpu.region"() ({
      %run_scoped3A = tpu.sem_alloc : memref<!tpu.dma_semaphore, #tpu.memory_space<semaphore_mem>>
      %dma_start3A = arith.constant 0 : i32
      %dma_start3A_131 = tpu.memref_slice %arg2[%mul3A_88, %dma_start3A] : memref<2560x128xi32, #tpu.memory_space<hbm>> -> memref<80x128xi32, #tpu.memory_space<hbm>>
      %dma_start3A_132 = arith.constant 0 : i32
      %dma_start3A_133 = tpu.memref_slice %arg2[%mul3A_88, %dma_start3A_132] : memref<2560x128xi32, #tpu.memory_space<hbm>> -> memref<80x128xi32, #tpu.memory_space<hbm>>
      tpu.enqueue_dma source(%dma_start3A_133 : memref<80x128xi32, #tpu.memory_space<hbm>>) target(%arg4 : memref<80x128xi32, #tpu.memory_space<vmem>>) target_semaphore(%run_scoped3A : memref<!tpu.dma_semaphore, #tpu.memory_space<semaphore_mem>>)
      %dma_wait3A = arith.constant 0 : i32
      %dma_wait3A_134 = tpu.memref_slice %arg2[%mul3A_88, %dma_wait3A] : memref<2560x128xi32, #tpu.memory_space<hbm>> -> memref<80x128xi32, #tpu.memory_space<hbm>>
      %dma_wait3A_135 = arith.constant 0 : i32
      %dma_wait3A_136 = tpu.memref_slice %arg2[%mul3A_88, %dma_wait3A_135] : memref<2560x128xi32, #tpu.memory_space<hbm>> -> memref<80x128xi32, #tpu.memory_space<hbm>>
      tpu.wait_dma2 semaphore(%run_scoped3A : memref<!tpu.dma_semaphore, #tpu.memory_space<semaphore_mem>>) src(%dma_wait3A_136 : memref<80x128xi32, #tpu.memory_space<hbm>>) dst(%arg4 : memref<80x128xi32, #tpu.memory_space<vmem>>)
      tpu.yield
    }) : () -> ()
    %scan3A = arith.constant 0 : i32
    %scan3A_89 = arith.constant 0 : i32
    %scan3A_90 = arith.constant 80 : i32
    %scan3A_91 = arith.addi %scan3A_89, %scan3A_90 : i32
    %scan3A_92 = arith.constant 1 : i32
    %scan3A_93 = scf.for %scan3A_131 = %scan3A_89 to %scan3A_91 step %scan3A_92 iter_args(%scan3A_132 = %scan3A) -> (i32)  : i32 {
      "tpu.region"() ({
        %run_scoped3A = tpu.sem_alloc : memref<!tpu.dma_semaphore, #tpu.memory_space<semaphore_mem>>
        %dma_start3A = arith.constant 0 : i32
        %dma_start3A_134 = tpu.memref_slice %arg4[%scan3A_131, %dma_start3A] : memref<80x128xi32, #tpu.memory_space<vmem>> -> memref<1x128xi32, #tpu.memory_space<vmem>>
        %dma_start3A_135 = tpu.memref_squeeze %dma_start3A_134 : memref<1x128xi32, #tpu.memory_space<vmem>> -> memref<128xi32, #tpu.memory_space<vmem>>
        %dma_start3A_136 = arith.constant 0 : i32
        %dma_start3A_137 = tpu.memref_slice %arg6[%dma_start3A_136] : memref<10240xf32, #tpu.memory_space<vmem_shared>> -> memref<10240xf32, #tpu.memory_space<vmem_shared>>
        tpu.enqueue_indirect_dma source(%arg5 : memref<128xf32, #tpu.memory_space<vmem>>) target(%dma_start3A_137 : memref<10240xf32, #tpu.memory_space<vmem_shared>>) offsets(%dma_start3A_135 : memref<128xi32, #tpu.memory_space<vmem>>) semaphore(%run_scoped3A : memref<!tpu.dma_semaphore, #tpu.memory_space<semaphore_mem>>) {add = true}
        %dma_wait3A = arith.constant 0 : i32
        %dma_wait3A_138 = tpu.memref_slice %arg4[%scan3A_131, %dma_wait3A] : memref<80x128xi32, #tpu.memory_space<vmem>> -> memref<1x128xi32, #tpu.memory_space<vmem>>
        %dma_wait3A_139 = tpu.memref_squeeze %dma_wait3A_138 : memref<1x128xi32, #tpu.memory_space<vmem>> -> memref<128xi32, #tpu.memory_space<vmem>>
        %dma_wait3A_140 = arith.constant 0 : i32
        %dma_wait3A_141 = tpu.memref_slice %arg6[%dma_wait3A_140] : memref<10240xf32, #tpu.memory_space<vmem_shared>> -> memref<10240xf32, #tpu.memory_space<vmem_shared>>
        tpu.wait_indirect_dma semaphore(%run_scoped3A : memref<!tpu.dma_semaphore, #tpu.memory_space<semaphore_mem>>) src(%arg5 : memref<128xf32, #tpu.memory_space<vmem>>) dst(%dma_wait3A_141 : memref<10240xf32, #tpu.memory_space<vmem_shared>>)
        tpu.yield
      }) : () -> ()
      %scan3A_133 = arith.constant 0 : i32
      scf.yield %scan3A_133 : i32
    }
    %scan3A_94 = arith.constant 80 : i32
    %barrier3A_95 = arith.constant 0 : index
    tpu.barrier barrier_id(%barrier3A_95)
    %mul3A_96 = arith.constant 640 : i32
    %mul3A_97 = arith.muli %arg1, %mul3A_96 : i32
    %add3A_98 = arith.constant 0 : i32
    %add3A_99 = arith.addi %mul3A_97, %add3A_98 : i32
    "tpu.region"() ({
      %run_scoped3A = tpu.sem_alloc : memref<!tpu.dma_semaphore, #tpu.memory_space<semaphore_mem>>
      %dma_start3A = tpu.memref_slice %arg6[%add3A_99] : memref<10240xf32, #tpu.memory_space<vmem_shared>> -> memref<128xf32, #tpu.memory_space<vmem_shared>>
      %dma_start3A_131 = tpu.memref_slice %arg6[%add3A_99] : memref<10240xf32, #tpu.memory_space<vmem_shared>> -> memref<128xf32, #tpu.memory_space<vmem_shared>>
      tpu.enqueue_dma source(%dma_start3A_131 : memref<128xf32, #tpu.memory_space<vmem_shared>>) target(%arg5 : memref<128xf32, #tpu.memory_space<vmem>>) target_semaphore(%run_scoped3A : memref<!tpu.dma_semaphore, #tpu.memory_space<semaphore_mem>>)
      %dma_wait3A = tpu.memref_slice %arg6[%add3A_99] : memref<10240xf32, #tpu.memory_space<vmem_shared>> -> memref<128xf32, #tpu.memory_space<vmem_shared>>
      %dma_wait3A_132 = tpu.memref_slice %arg6[%add3A_99] : memref<10240xf32, #tpu.memory_space<vmem_shared>> -> memref<128xf32, #tpu.memory_space<vmem_shared>>
      tpu.wait_dma2 semaphore(%run_scoped3A : memref<!tpu.dma_semaphore, #tpu.memory_space<semaphore_mem>>) src(%dma_wait3A_132 : memref<128xf32, #tpu.memory_space<vmem_shared>>) dst(%arg5 : memref<128xf32, #tpu.memory_space<vmem>>)
      tpu.yield
    }) : () -> ()
    %mul3A_100 = arith.constant 10240 : i32
    %mul3A_101 = arith.muli %arg0, %mul3A_100 : i32
    %add3A_102 = arith.addi %mul3A_101, %add3A_99 : i32
    "tpu.region"() ({
      %run_scoped3A = tpu.sem_alloc : memref<!tpu.dma_semaphore, #tpu.memory_space<semaphore_mem>>
      %dma_start3A = tpu.memref_slice %arg3[%add3A_102] : memref<20480xf32, #tpu.memory_space<hbm>> -> memref<128xf32, #tpu.memory_space<hbm>>
      %dma_start3A_131 = tpu.memref_slice %arg3[%add3A_102] : memref<20480xf32, #tpu.memory_space<hbm>> -> memref<128xf32, #tpu.memory_space<hbm>>
      tpu.enqueue_dma source(%arg5 : memref<128xf32, #tpu.memory_space<vmem>>) target(%dma_start3A_131 : memref<128xf32, #tpu.memory_space<hbm>>) target_semaphore(%run_scoped3A : memref<!tpu.dma_semaphore, #tpu.memory_space<semaphore_mem>>)
      %dma_wait3A = tpu.memref_slice %arg3[%add3A_102] : memref<20480xf32, #tpu.memory_space<hbm>> -> memref<128xf32, #tpu.memory_space<hbm>>
      %dma_wait3A_132 = tpu.memref_slice %arg3[%add3A_102] : memref<20480xf32, #tpu.memory_space<hbm>> -> memref<128xf32, #tpu.memory_space<hbm>>
      tpu.wait_dma2 semaphore(%run_scoped3A : memref<!tpu.dma_semaphore, #tpu.memory_space<semaphore_mem>>) src(%arg5 : memref<128xf32, #tpu.memory_space<vmem>>) dst(%dma_wait3A_132 : memref<128xf32, #tpu.memory_space<hbm>>)
      tpu.yield
    }) : () -> ()
    %mul3A_103 = arith.constant 640 : i32
    %mul3A_104 = arith.muli %arg1, %mul3A_103 : i32
    %add3A_105 = arith.constant 128 : i32
    %add3A_106 = arith.addi %mul3A_104, %add3A_105 : i32
    "tpu.region"() ({
      %run_scoped3A = tpu.sem_alloc : memref<!tpu.dma_semaphore, #tpu.memory_space<semaphore_mem>>
      %dma_start3A = tpu.memref_slice %arg6[%add3A_106] : memref<10240xf32, #tpu.memory_space<vmem_shared>> -> memref<128xf32, #tpu.memory_space<vmem_shared>>
      %dma_start3A_131 = tpu.memref_slice %arg6[%add3A_106] : memref<10240xf32, #tpu.memory_space<vmem_shared>> -> memref<128xf32, #tpu.memory_space<vmem_shared>>
      tpu.enqueue_dma source(%dma_start3A_131 : memref<128xf32, #tpu.memory_space<vmem_shared>>) target(%arg5 : memref<128xf32, #tpu.memory_space<vmem>>) target_semaphore(%run_scoped3A : memref<!tpu.dma_semaphore, #tpu.memory_space<semaphore_mem>>)
      %dma_wait3A = tpu.memref_slice %arg6[%add3A_106] : memref<10240xf32, #tpu.memory_space<vmem_shared>> -> memref<128xf32, #tpu.memory_space<vmem_shared>>
      %dma_wait3A_132 = tpu.memref_slice %arg6[%add3A_106] : memref<10240xf32, #tpu.memory_space<vmem_shared>> -> memref<128xf32, #tpu.memory_space<vmem_shared>>
      tpu.wait_dma2 semaphore(%run_scoped3A : memref<!tpu.dma_semaphore, #tpu.memory_space<semaphore_mem>>) src(%dma_wait3A_132 : memref<128xf32, #tpu.memory_space<vmem_shared>>) dst(%arg5 : memref<128xf32, #tpu.memory_space<vmem>>)
      tpu.yield
    }) : () -> ()
    %mul3A_107 = arith.constant 10240 : i32
    %mul3A_108 = arith.muli %arg0, %mul3A_107 : i32
    %add3A_109 = arith.addi %mul3A_108, %add3A_106 : i32
    "tpu.region"() ({
      %run_scoped3A = tpu.sem_alloc : memref<!tpu.dma_semaphore, #tpu.memory_space<semaphore_mem>>
      %dma_start3A = tpu.memref_slice %arg3[%add3A_109] : memref<20480xf32, #tpu.memory_space<hbm>> -> memref<128xf32, #tpu.memory_space<hbm>>
      %dma_start3A_131 = tpu.memref_slice %arg3[%add3A_109] : memref<20480xf32, #tpu.memory_space<hbm>> -> memref<128xf32, #tpu.memory_space<hbm>>
      tpu.enqueue_dma source(%arg5 : memref<128xf32, #tpu.memory_space<vmem>>) target(%dma_start3A_131 : memref<128xf32, #tpu.memory_space<hbm>>) target_semaphore(%run_scoped3A : memref<!tpu.dma_semaphore, #tpu.memory_space<semaphore_mem>>)
      %dma_wait3A = tpu.memref_slice %arg3[%add3A_109] : memref<20480xf32, #tpu.memory_space<hbm>> -> memref<128xf32, #tpu.memory_space<hbm>>
      %dma_wait3A_132 = tpu.memref_slice %arg3[%add3A_109] : memref<20480xf32, #tpu.memory_space<hbm>> -> memref<128xf32, #tpu.memory_space<hbm>>
      tpu.wait_dma2 semaphore(%run_scoped3A : memref<!tpu.dma_semaphore, #tpu.memory_space<semaphore_mem>>) src(%arg5 : memref<128xf32, #tpu.memory_space<vmem>>) dst(%dma_wait3A_132 : memref<128xf32, #tpu.memory_space<hbm>>)
      tpu.yield
    }) : () -> ()
    %mul3A_110 = arith.constant 640 : i32
    %mul3A_111 = arith.muli %arg1, %mul3A_110 : i32
    %add3A_112 = arith.constant 256 : i32
    %add3A_113 = arith.addi %mul3A_111, %add3A_112 : i32
    "tpu.region"() ({
      %run_scoped3A = tpu.sem_alloc : memref<!tpu.dma_semaphore, #tpu.memory_space<semaphore_mem>>
      %dma_start3A = tpu.memref_slice %arg6[%add3A_113] : memref<10240xf32, #tpu.memory_space<vmem_shared>> -> memref<128xf32, #tpu.memory_space<vmem_shared>>
      %dma_start3A_131 = tpu.memref_slice %arg6[%add3A_113] : memref<10240xf32, #tpu.memory_space<vmem_shared>> -> memref<128xf32, #tpu.memory_space<vmem_shared>>
      tpu.enqueue_dma source(%dma_start3A_131 : memref<128xf32, #tpu.memory_space<vmem_shared>>) target(%arg5 : memref<128xf32, #tpu.memory_space<vmem>>) target_semaphore(%run_scoped3A : memref<!tpu.dma_semaphore, #tpu.memory_space<semaphore_mem>>)
      %dma_wait3A = tpu.memref_slice %arg6[%add3A_113] : memref<10240xf32, #tpu.memory_space<vmem_shared>> -> memref<128xf32, #tpu.memory_space<vmem_shared>>
      %dma_wait3A_132 = tpu.memref_slice %arg6[%add3A_113] : memref<10240xf32, #tpu.memory_space<vmem_shared>> -> memref<128xf32, #tpu.memory_space<vmem_shared>>
      tpu.wait_dma2 semaphore(%run_scoped3A : memref<!tpu.dma_semaphore, #tpu.memory_space<semaphore_mem>>) src(%dma_wait3A_132 : memref<128xf32, #tpu.memory_space<vmem_shared>>) dst(%arg5 : memref<128xf32, #tpu.memory_space<vmem>>)
      tpu.yield
    }) : () -> ()
    %mul3A_114 = arith.constant 10240 : i32
    %mul3A_115 = arith.muli %arg0, %mul3A_114 : i32
    %add3A_116 = arith.addi %mul3A_115, %add3A_113 : i32
    "tpu.region"() ({
      %run_scoped3A = tpu.sem_alloc : memref<!tpu.dma_semaphore, #tpu.memory_space<semaphore_mem>>
      %dma_start3A = tpu.memref_slice %arg3[%add3A_116] : memref<20480xf32, #tpu.memory_space<hbm>> -> memref<128xf32, #tpu.memory_space<hbm>>
      %dma_start3A_131 = tpu.memref_slice %arg3[%add3A_116] : memref<20480xf32, #tpu.memory_space<hbm>> -> memref<128xf32, #tpu.memory_space<hbm>>
      tpu.enqueue_dma source(%arg5 : memref<128xf32, #tpu.memory_space<vmem>>) target(%dma_start3A_131 : memref<128xf32, #tpu.memory_space<hbm>>) target_semaphore(%run_scoped3A : memref<!tpu.dma_semaphore, #tpu.memory_space<semaphore_mem>>)
      %dma_wait3A = tpu.memref_slice %arg3[%add3A_116] : memref<20480xf32, #tpu.memory_space<hbm>> -> memref<128xf32, #tpu.memory_space<hbm>>
      %dma_wait3A_132 = tpu.memref_slice %arg3[%add3A_116] : memref<20480xf32, #tpu.memory_space<hbm>> -> memref<128xf32, #tpu.memory_space<hbm>>
      tpu.wait_dma2 semaphore(%run_scoped3A : memref<!tpu.dma_semaphore, #tpu.memory_space<semaphore_mem>>) src(%arg5 : memref<128xf32, #tpu.memory_space<vmem>>) dst(%dma_wait3A_132 : memref<128xf32, #tpu.memory_space<hbm>>)
      tpu.yield
    }) : () -> ()
    %mul3A_117 = arith.constant 640 : i32
    %mul3A_118 = arith.muli %arg1, %mul3A_117 : i32
    %add3A_119 = arith.constant 384 : i32
    %add3A_120 = arith.addi %mul3A_118, %add3A_119 : i32
    "tpu.region"() ({
      %run_scoped3A = tpu.sem_alloc : memref<!tpu.dma_semaphore, #tpu.memory_space<semaphore_mem>>
      %dma_start3A = tpu.memref_slice %arg6[%add3A_120] : memref<10240xf32, #tpu.memory_space<vmem_shared>> -> memref<128xf32, #tpu.memory_space<vmem_shared>>
      %dma_start3A_131 = tpu.memref_slice %arg6[%add3A_120] : memref<10240xf32, #tpu.memory_space<vmem_shared>> -> memref<128xf32, #tpu.memory_space<vmem_shared>>
      tpu.enqueue_dma source(%dma_start3A_131 : memref<128xf32, #tpu.memory_space<vmem_shared>>) target(%arg5 : memref<128xf32, #tpu.memory_space<vmem>>) target_semaphore(%run_scoped3A : memref<!tpu.dma_semaphore, #tpu.memory_space<semaphore_mem>>)
      %dma_wait3A = tpu.memref_slice %arg6[%add3A_120] : memref<10240xf32, #tpu.memory_space<vmem_shared>> -> memref<128xf32, #tpu.memory_space<vmem_shared>>
      %dma_wait3A_132 = tpu.memref_slice %arg6[%add3A_120] : memref<10240xf32, #tpu.memory_space<vmem_shared>> -> memref<128xf32, #tpu.memory_space<vmem_shared>>
      tpu.wait_dma2 semaphore(%run_scoped3A : memref<!tpu.dma_semaphore, #tpu.memory_space<semaphore_mem>>) src(%dma_wait3A_132 : memref<128xf32, #tpu.memory_space<vmem_shared>>) dst(%arg5 : memref<128xf32, #tpu.memory_space<vmem>>)
      tpu.yield
    }) : () -> ()
    %mul3A_121 = arith.constant 10240 : i32
    %mul3A_122 = arith.muli %arg0, %mul3A_121 : i32
    %add3A_123 = arith.addi %mul3A_122, %add3A_120 : i32
    "tpu.region"() ({
      %run_scoped3A = tpu.sem_alloc : memref<!tpu.dma_semaphore, #tpu.memory_space<semaphore_mem>>
      %dma_start3A = tpu.memref_slice %arg3[%add3A_123] : memref<20480xf32, #tpu.memory_space<hbm>> -> memref<128xf32, #tpu.memory_space<hbm>>
      %dma_start3A_131 = tpu.memref_slice %arg3[%add3A_123] : memref<20480xf32, #tpu.memory_space<hbm>> -> memref<128xf32, #tpu.memory_space<hbm>>
      tpu.enqueue_dma source(%arg5 : memref<128xf32, #tpu.memory_space<vmem>>) target(%dma_start3A_131 : memref<128xf32, #tpu.memory_space<hbm>>) target_semaphore(%run_scoped3A : memref<!tpu.dma_semaphore, #tpu.memory_space<semaphore_mem>>)
      %dma_wait3A = tpu.memref_slice %arg3[%add3A_123] : memref<20480xf32, #tpu.memory_space<hbm>> -> memref<128xf32, #tpu.memory_space<hbm>>
      %dma_wait3A_132 = tpu.memref_slice %arg3[%add3A_123] : memref<20480xf32, #tpu.memory_space<hbm>> -> memref<128xf32, #tpu.memory_space<hbm>>
      tpu.wait_dma2 semaphore(%run_scoped3A : memref<!tpu.dma_semaphore, #tpu.memory_space<semaphore_mem>>) src(%arg5 : memref<128xf32, #tpu.memory_space<vmem>>) dst(%dma_wait3A_132 : memref<128xf32, #tpu.memory_space<hbm>>)
      tpu.yield
    }) : () -> ()
    %mul3A_124 = arith.constant 640 : i32
    %mul3A_125 = arith.muli %arg1, %mul3A_124 : i32
    %add3A_126 = arith.constant 512 : i32
    %add3A_127 = arith.addi %mul3A_125, %add3A_126 : i32
    "tpu.region"() ({
      %run_scoped3A = tpu.sem_alloc : memref<!tpu.dma_semaphore, #tpu.memory_space<semaphore_mem>>
      %dma_start3A = tpu.memref_slice %arg6[%add3A_127] : memref<10240xf32, #tpu.memory_space<vmem_shared>> -> memref<128xf32, #tpu.memory_space<vmem_shared>>
      %dma_start3A_131 = tpu.memref_slice %arg6[%add3A_127] : memref<10240xf32, #tpu.memory_space<vmem_shared>> -> memref<128xf32, #tpu.memory_space<vmem_shared>>
      tpu.enqueue_dma source(%dma_start3A_131 : memref<128xf32, #tpu.memory_space<vmem_shared>>) target(%arg5 : memref<128xf32, #tpu.memory_space<vmem>>) target_semaphore(%run_scoped3A : memref<!tpu.dma_semaphore, #tpu.memory_space<semaphore_mem>>)
      %dma_wait3A = tpu.memref_slice %arg6[%add3A_127] : memref<10240xf32, #tpu.memory_space<vmem_shared>> -> memref<128xf32, #tpu.memory_space<vmem_shared>>
      %dma_wait3A_132 = tpu.memref_slice %arg6[%add3A_127] : memref<10240xf32, #tpu.memory_space<vmem_shared>> -> memref<128xf32, #tpu.memory_space<vmem_shared>>
      tpu.wait_dma2 semaphore(%run_scoped3A : memref<!tpu.dma_semaphore, #tpu.memory_space<semaphore_mem>>) src(%dma_wait3A_132 : memref<128xf32, #tpu.memory_space<vmem_shared>>) dst(%arg5 : memref<128xf32, #tpu.memory_space<vmem>>)
      tpu.yield
    }) : () -> ()
    %mul3A_128 = arith.constant 10240 : i32
    %mul3A_129 = arith.muli %arg0, %mul3A_128 : i32
    %add3A_130 = arith.addi %mul3A_129, %add3A_127 : i32
    "tpu.region"() ({
      %run_scoped3A = tpu.sem_alloc : memref<!tpu.dma_semaphore, #tpu.memory_space<semaphore_mem>>
      %dma_start3A = tpu.memref_slice %arg3[%add3A_130] : memref<20480xf32, #tpu.memory_space<hbm>> -> memref<128xf32, #tpu.memory_space<hbm>>
      %dma_start3A_131 = tpu.memref_slice %arg3[%add3A_130] : memref<20480xf32, #tpu.memory_space<hbm>> -> memref<128xf32, #tpu.memory_space<hbm>>
      tpu.enqueue_dma source(%arg5 : memref<128xf32, #tpu.memory_space<vmem>>) target(%dma_start3A_131 : memref<128xf32, #tpu.memory_space<hbm>>) target_semaphore(%run_scoped3A : memref<!tpu.dma_semaphore, #tpu.memory_space<semaphore_mem>>)
      %dma_wait3A = tpu.memref_slice %arg3[%add3A_130] : memref<20480xf32, #tpu.memory_space<hbm>> -> memref<128xf32, #tpu.memory_space<hbm>>
      %dma_wait3A_132 = tpu.memref_slice %arg3[%add3A_130] : memref<20480xf32, #tpu.memory_space<hbm>> -> memref<128xf32, #tpu.memory_space<hbm>>
      tpu.wait_dma2 semaphore(%run_scoped3A : memref<!tpu.dma_semaphore, #tpu.memory_space<semaphore_mem>>) src(%arg5 : memref<128xf32, #tpu.memory_space<vmem>>) dst(%dma_wait3A_132 : memref<128xf32, #tpu.memory_space<hbm>>)
      tpu.yield
    }) : () -> ()
    return
  }
}

#map = affine_map<(d0, d1) -> (0, 0)>
module attributes {stable_mosaic.version = 14 : i64} {
  func.func @agg(%arg0: i32, %arg1: i32, %arg2: memref<10000x128xf32, #tpu.memory_space<hbm>>, %arg3: memref<2560x128xi32, #tpu.memory_space<hbm>>, %arg4: memref<2560x128xi32, #tpu.memory_space<hbm>>, %arg5: memref<20480x128xf32, #tpu.memory_space<hbm>>, %arg6: memref<40x128xi32, #tpu.memory_space<vmem>>, %arg7: memref<40x128xi32, #tpu.memory_space<vmem>>, %arg8: memref<128x128xf32, #tpu.memory_space<vmem>>, %arg9: memref<128x128xf32, #tpu.memory_space<vmem>>, %arg10: memref<10240x128xf32, #tpu.memory_space<vmem_shared>>, %arg11: memref<!tpu.dma_semaphore, #tpu.memory_space<semaphore_mem>>, %arg12: memref<!tpu.dma_semaphore, #tpu.memory_space<semaphore_mem>>) attributes {dimension_semantics = [#tpu.dimension_semantics<core_parallel>, #tpu.dimension_semantics<subcore_parallel>], iteration_bounds = array<i64: 2, 16>, scalar_prefetch = 0 : i64, scratch_operands = 7 : i64, tpu.core_type = #tpu.core_type<sc_vector_subcore>, window_params = [{transform_indices = #map}, {transform_indices = #map}, {transform_indices = #map}, {transform_indices = #map}]} {
    %mul3A = arith.constant 16 : i32
    %mul3A_0 = arith.muli %arg0, %mul3A : i32
    %add3A = arith.addi %mul3A_0, %arg1 : i32
    %broadcast_in_dim3A = arith.constant 0.000000e+00 : f32
    %broadcast_in_dim3A_1 = vector.broadcast %broadcast_in_dim3A : f32 to vector<16xf32>
    %scan3A = arith.constant 0 : i32
    %scan3A_2 = arith.constant 0 : i32
    %scan3A_3 = arith.constant 128 : i32
    %scan3A_4 = arith.addi %scan3A_2, %scan3A_3 : i32
    %scan3A_5 = arith.constant 1 : i32
    %scan3A_6 = scf.for %scan3A_113 = %scan3A_2 to %scan3A_4 step %scan3A_5 iter_args(%scan3A_114 = %scan3A) -> (i32)  : i32 {
      %swap3A = arith.index_cast %scan3A_113 : i32 to index
      %swap3A_115 = arith.constant 0 : index
      %swap3A_116 = tpu.vector_load %arg8[%swap3A, %swap3A_115] {strides = array<i32>} : memref<128x128xf32, #tpu.memory_space<vmem>>, vector<1x16xf32>,
      %swap3A_117 = vector.shape_cast %swap3A_116 : vector<1x16xf32> to vector<16xf32>
      %swap3A_118 = vector.shape_cast %broadcast_in_dim3A_1 : vector<16xf32> to vector<1x16xf32>
      tpu.vector_store %arg8[%swap3A, %swap3A_115], %swap3A_118 {strides = array<i32>} : memref<128x128xf32, #tpu.memory_space<vmem>>, vector<1x16xf32>,
      %swap3A_119 = arith.index_cast %scan3A_113 : i32 to index
      %swap3A_120 = arith.constant 16 : index
      %swap3A_121 = tpu.vector_load %arg8[%swap3A_119, %swap3A_120] {strides = array<i32>} : memref<128x128xf32, #tpu.memory_space<vmem>>, vector<1x16xf32>,
      %swap3A_122 = vector.shape_cast %swap3A_121 : vector<1x16xf32> to vector<16xf32>
      %swap3A_123 = vector.shape_cast %broadcast_in_dim3A_1 : vector<16xf32> to vector<1x16xf32>
      tpu.vector_store %arg8[%swap3A_119, %swap3A_120], %swap3A_123 {strides = array<i32>} : memref<128x128xf32, #tpu.memory_space<vmem>>, vector<1x16xf32>,
      %swap3A_124 = arith.index_cast %scan3A_113 : i32 to index
      %swap3A_125 = arith.constant 32 : index
      %swap3A_126 = tpu.vector_load %arg8[%swap3A_124, %swap3A_125] {strides = array<i32>} : memref<128x128xf32, #tpu.memory_space<vmem>>, vector<1x16xf32>,
      %swap3A_127 = vector.shape_cast %swap3A_126 : vector<1x16xf32> to vector<16xf32>
      %swap3A_128 = vector.shape_cast %broadcast_in_dim3A_1 : vector<16xf32> to vector<1x16xf32>
      tpu.vector_store %arg8[%swap3A_124, %swap3A_125], %swap3A_128 {strides = array<i32>} : memref<128x128xf32, #tpu.memory_space<vmem>>, vector<1x16xf32>,
      %swap3A_129 = arith.index_cast %scan3A_113 : i32 to index
      %swap3A_130 = arith.constant 48 : index
      %swap3A_131 = tpu.vector_load %arg8[%swap3A_129, %swap3A_130] {strides = array<i32>} : memref<128x128xf32, #tpu.memory_space<vmem>>, vector<1x16xf32>,
      %swap3A_132 = vector.shape_cast %swap3A_131 : vector<1x16xf32> to vector<16xf32>
      %swap3A_133 = vector.shape_cast %broadcast_in_dim3A_1 : vector<16xf32> to vector<1x16xf32>
      tpu.vector_store %arg8[%swap3A_129, %swap3A_130], %swap3A_133 {strides = array<i32>} : memref<128x128xf32, #tpu.memory_space<vmem>>, vector<1x16xf32>,
      %swap3A_134 = arith.index_cast %scan3A_113 : i32 to index
      %swap3A_135 = arith.constant 64 : index
      %swap3A_136 = tpu.vector_load %arg8[%swap3A_134, %swap3A_135] {strides = array<i32>} : memref<128x128xf32, #tpu.memory_space<vmem>>, vector<1x16xf32>,
      %swap3A_137 = vector.shape_cast %swap3A_136 : vector<1x16xf32> to vector<16xf32>
      %swap3A_138 = vector.shape_cast %broadcast_in_dim3A_1 : vector<16xf32> to vector<1x16xf32>
      tpu.vector_store %arg8[%swap3A_134, %swap3A_135], %swap3A_138 {strides = array<i32>} : memref<128x128xf32, #tpu.memory_space<vmem>>, vector<1x16xf32>,
      %swap3A_139 = arith.index_cast %scan3A_113 : i32 to index
      %swap3A_140 = arith.constant 80 : index
      %swap3A_141 = tpu.vector_load %arg8[%swap3A_139, %swap3A_140] {strides = array<i32>} : memref<128x128xf32, #tpu.memory_space<vmem>>, vector<1x16xf32>,
      %swap3A_142 = vector.shape_cast %swap3A_141 : vector<1x16xf32> to vector<16xf32>
      %swap3A_143 = vector.shape_cast %broadcast_in_dim3A_1 : vector<16xf32> to vector<1x16xf32>
      tpu.vector_store %arg8[%swap3A_139, %swap3A_140], %swap3A_143 {strides = array<i32>} : memref<128x128xf32, #tpu.memory_space<vmem>>, vector<1x16xf32>,
      %swap3A_144 = arith.index_cast %scan3A_113 : i32 to index
      %swap3A_145 = arith.constant 96 : index
      %swap3A_146 = tpu.vector_load %arg8[%swap3A_144, %swap3A_145] {strides = array<i32>} : memref<128x128xf32, #tpu.memory_space<vmem>>, vector<1x16xf32>,
      %swap3A_147 = vector.shape_cast %swap3A_146 : vector<1x16xf32> to vector<16xf32>
      %swap3A_148 = vector.shape_cast %broadcast_in_dim3A_1 : vector<16xf32> to vector<1x16xf32>
      tpu.vector_store %arg8[%swap3A_144, %swap3A_145], %swap3A_148 {strides = array<i32>} : memref<128x128xf32, #tpu.memory_space<vmem>>, vector<1x16xf32>,
      %swap3A_149 = arith.index_cast %scan3A_113 : i32 to index
      %swap3A_150 = arith.constant 112 : index
      %swap3A_151 = tpu.vector_load %arg8[%swap3A_149, %swap3A_150] {strides = array<i32>} : memref<128x128xf32, #tpu.memory_space<vmem>>, vector<1x16xf32>,
      %swap3A_152 = vector.shape_cast %swap3A_151 : vector<1x16xf32> to vector<16xf32>
      %swap3A_153 = vector.shape_cast %broadcast_in_dim3A_1 : vector<16xf32> to vector<1x16xf32>
      tpu.vector_store %arg8[%swap3A_149, %swap3A_150], %swap3A_153 {strides = array<i32>} : memref<128x128xf32, #tpu.memory_space<vmem>>, vector<1x16xf32>,
      %scan3A_154 = arith.constant 0 : i32
      scf.yield %scan3A_154 : i32
    }
    %scan3A_7 = arith.constant 128 : i32
    %mul3A_8 = arith.constant 640 : i32
    %mul3A_9 = arith.muli %arg1, %mul3A_8 : i32
    %add3A_10 = arith.constant 0 : i32
    %add3A_11 = arith.addi %mul3A_9, %add3A_10 : i32
    "tpu.region"() ({
      %run_scoped3A = tpu.sem_alloc : memref<!tpu.dma_semaphore, #tpu.memory_space<semaphore_mem>>
      %dma_start3A_113 = arith.constant 0 : i32
      %dma_start3A_114 = tpu.memref_slice %arg10[%add3A_11, %dma_start3A_113] : memref<10240x128xf32, #tpu.memory_space<vmem_shared>> -> memref<128x128xf32, #tpu.memory_space<vmem_shared>>
      %dma_start3A_115 = arith.constant 0 : i32
      %dma_start3A_116 = tpu.memref_slice %arg10[%add3A_11, %dma_start3A_115] : memref<10240x128xf32, #tpu.memory_space<vmem_shared>> -> memref<128x128xf32, #tpu.memory_space<vmem_shared>>
      tpu.enqueue_dma source(%arg8 : memref<128x128xf32, #tpu.memory_space<vmem>>) target(%dma_start3A_116 : memref<128x128xf32, #tpu.memory_space<vmem_shared>>) target_semaphore(%run_scoped3A : memref<!tpu.dma_semaphore, #tpu.memory_space<semaphore_mem>>)
      %dma_wait3A = arith.constant 0 : i32
      %dma_wait3A_117 = tpu.memref_slice %arg10[%add3A_11, %dma_wait3A] : memref<10240x128xf32, #tpu.memory_space<vmem_shared>> -> memref<128x128xf32, #tpu.memory_space<vmem_shared>>
      %dma_wait3A_118 = arith.constant 0 : i32
      %dma_wait3A_119 = tpu.memref_slice %arg10[%add3A_11, %dma_wait3A_118] : memref<10240x128xf32, #tpu.memory_space<vmem_shared>> -> memref<128x128xf32, #tpu.memory_space<vmem_shared>>
      tpu.wait_dma2 semaphore(%run_scoped3A : memref<!tpu.dma_semaphore, #tpu.memory_space<semaphore_mem>>) src(%arg8 : memref<128x128xf32, #tpu.memory_space<vmem>>) dst(%dma_wait3A_119 : memref<128x128xf32, #tpu.memory_space<vmem_shared>>)
      tpu.yield
    }) : () -> ()
    %mul3A_12 = arith.constant 640 : i32
    %mul3A_13 = arith.muli %arg1, %mul3A_12 : i32
    %add3A_14 = arith.constant 128 : i32
    %add3A_15 = arith.addi %mul3A_13, %add3A_14 : i32
    "tpu.region"() ({
      %run_scoped3A = tpu.sem_alloc : memref<!tpu.dma_semaphore, #tpu.memory_space<semaphore_mem>>
      %dma_start3A_113 = arith.constant 0 : i32
      %dma_start3A_114 = tpu.memref_slice %arg10[%add3A_15, %dma_start3A_113] : memref<10240x128xf32, #tpu.memory_space<vmem_shared>> -> memref<128x128xf32, #tpu.memory_space<vmem_shared>>
      %dma_start3A_115 = arith.constant 0 : i32
      %dma_start3A_116 = tpu.memref_slice %arg10[%add3A_15, %dma_start3A_115] : memref<10240x128xf32, #tpu.memory_space<vmem_shared>> -> memref<128x128xf32, #tpu.memory_space<vmem_shared>>
      tpu.enqueue_dma source(%arg8 : memref<128x128xf32, #tpu.memory_space<vmem>>) target(%dma_start3A_116 : memref<128x128xf32, #tpu.memory_space<vmem_shared>>) target_semaphore(%run_scoped3A : memref<!tpu.dma_semaphore, #tpu.memory_space<semaphore_mem>>)
      %dma_wait3A = arith.constant 0 : i32
      %dma_wait3A_117 = tpu.memref_slice %arg10[%add3A_15, %dma_wait3A] : memref<10240x128xf32, #tpu.memory_space<vmem_shared>> -> memref<128x128xf32, #tpu.memory_space<vmem_shared>>
      %dma_wait3A_118 = arith.constant 0 : i32
      %dma_wait3A_119 = tpu.memref_slice %arg10[%add3A_15, %dma_wait3A_118] : memref<10240x128xf32, #tpu.memory_space<vmem_shared>> -> memref<128x128xf32, #tpu.memory_space<vmem_shared>>
      tpu.wait_dma2 semaphore(%run_scoped3A : memref<!tpu.dma_semaphore, #tpu.memory_space<semaphore_mem>>) src(%arg8 : memref<128x128xf32, #tpu.memory_space<vmem>>) dst(%dma_wait3A_119 : memref<128x128xf32, #tpu.memory_space<vmem_shared>>)
      tpu.yield
    }) : () -> ()
    %mul3A_16 = arith.constant 640 : i32
    %mul3A_17 = arith.muli %arg1, %mul3A_16 : i32
    %add3A_18 = arith.constant 256 : i32
    %add3A_19 = arith.addi %mul3A_17, %add3A_18 : i32
    "tpu.region"() ({
      %run_scoped3A = tpu.sem_alloc : memref<!tpu.dma_semaphore, #tpu.memory_space<semaphore_mem>>
      %dma_start3A_113 = arith.constant 0 : i32
      %dma_start3A_114 = tpu.memref_slice %arg10[%add3A_19, %dma_start3A_113] : memref<10240x128xf32, #tpu.memory_space<vmem_shared>> -> memref<128x128xf32, #tpu.memory_space<vmem_shared>>
      %dma_start3A_115 = arith.constant 0 : i32
      %dma_start3A_116 = tpu.memref_slice %arg10[%add3A_19, %dma_start3A_115] : memref<10240x128xf32, #tpu.memory_space<vmem_shared>> -> memref<128x128xf32, #tpu.memory_space<vmem_shared>>
      tpu.enqueue_dma source(%arg8 : memref<128x128xf32, #tpu.memory_space<vmem>>) target(%dma_start3A_116 : memref<128x128xf32, #tpu.memory_space<vmem_shared>>) target_semaphore(%run_scoped3A : memref<!tpu.dma_semaphore, #tpu.memory_space<semaphore_mem>>)
      %dma_wait3A = arith.constant 0 : i32
      %dma_wait3A_117 = tpu.memref_slice %arg10[%add3A_19, %dma_wait3A] : memref<10240x128xf32, #tpu.memory_space<vmem_shared>> -> memref<128x128xf32, #tpu.memory_space<vmem_shared>>
      %dma_wait3A_118 = arith.constant 0 : i32
      %dma_wait3A_119 = tpu.memref_slice %arg10[%add3A_19, %dma_wait3A_118] : memref<10240x128xf32, #tpu.memory_space<vmem_shared>> -> memref<128x128xf32, #tpu.memory_space<vmem_shared>>
      tpu.wait_dma2 semaphore(%run_scoped3A : memref<!tpu.dma_semaphore, #tpu.memory_space<semaphore_mem>>) src(%arg8 : memref<128x128xf32, #tpu.memory_space<vmem>>) dst(%dma_wait3A_119 : memref<128x128xf32, #tpu.memory_space<vmem_shared>>)
      tpu.yield
    }) : () -> ()
    %mul3A_20 = arith.constant 640 : i32
    %mul3A_21 = arith.muli %arg1, %mul3A_20 : i32
    %add3A_22 = arith.constant 384 : i32
    %add3A_23 = arith.addi %mul3A_21, %add3A_22 : i32
    "tpu.region"() ({
      %run_scoped3A = tpu.sem_alloc : memref<!tpu.dma_semaphore, #tpu.memory_space<semaphore_mem>>
      %dma_start3A_113 = arith.constant 0 : i32
      %dma_start3A_114 = tpu.memref_slice %arg10[%add3A_23, %dma_start3A_113] : memref<10240x128xf32, #tpu.memory_space<vmem_shared>> -> memref<128x128xf32, #tpu.memory_space<vmem_shared>>
      %dma_start3A_115 = arith.constant 0 : i32
      %dma_start3A_116 = tpu.memref_slice %arg10[%add3A_23, %dma_start3A_115] : memref<10240x128xf32, #tpu.memory_space<vmem_shared>> -> memref<128x128xf32, #tpu.memory_space<vmem_shared>>
      tpu.enqueue_dma source(%arg8 : memref<128x128xf32, #tpu.memory_space<vmem>>) target(%dma_start3A_116 : memref<128x128xf32, #tpu.memory_space<vmem_shared>>) target_semaphore(%run_scoped3A : memref<!tpu.dma_semaphore, #tpu.memory_space<semaphore_mem>>)
      %dma_wait3A = arith.constant 0 : i32
      %dma_wait3A_117 = tpu.memref_slice %arg10[%add3A_23, %dma_wait3A] : memref<10240x128xf32, #tpu.memory_space<vmem_shared>> -> memref<128x128xf32, #tpu.memory_space<vmem_shared>>
      %dma_wait3A_118 = arith.constant 0 : i32
      %dma_wait3A_119 = tpu.memref_slice %arg10[%add3A_23, %dma_wait3A_118] : memref<10240x128xf32, #tpu.memory_space<vmem_shared>> -> memref<128x128xf32, #tpu.memory_space<vmem_shared>>
      tpu.wait_dma2 semaphore(%run_scoped3A : memref<!tpu.dma_semaphore, #tpu.memory_space<semaphore_mem>>) src(%arg8 : memref<128x128xf32, #tpu.memory_space<vmem>>) dst(%dma_wait3A_119 : memref<128x128xf32, #tpu.memory_space<vmem_shared>>)
      tpu.yield
    }) : () -> ()
    %mul3A_24 = arith.constant 640 : i32
    %mul3A_25 = arith.muli %arg1, %mul3A_24 : i32
    %add3A_26 = arith.constant 512 : i32
    %add3A_27 = arith.addi %mul3A_25, %add3A_26 : i32
    "tpu.region"() ({
      %run_scoped3A = tpu.sem_alloc : memref<!tpu.dma_semaphore, #tpu.memory_space<semaphore_mem>>
      %dma_start3A_113 = arith.constant 0 : i32
      %dma_start3A_114 = tpu.memref_slice %arg10[%add3A_27, %dma_start3A_113] : memref<10240x128xf32, #tpu.memory_space<vmem_shared>> -> memref<128x128xf32, #tpu.memory_space<vmem_shared>>
      %dma_start3A_115 = arith.constant 0 : i32
      %dma_start3A_116 = tpu.memref_slice %arg10[%add3A_27, %dma_start3A_115] : memref<10240x128xf32, #tpu.memory_space<vmem_shared>> -> memref<128x128xf32, #tpu.memory_space<vmem_shared>>
      tpu.enqueue_dma source(%arg8 : memref<128x128xf32, #tpu.memory_space<vmem>>) target(%dma_start3A_116 : memref<128x128xf32, #tpu.memory_space<vmem_shared>>) target_semaphore(%run_scoped3A : memref<!tpu.dma_semaphore, #tpu.memory_space<semaphore_mem>>)
      %dma_wait3A = arith.constant 0 : i32
      %dma_wait3A_117 = tpu.memref_slice %arg10[%add3A_27, %dma_wait3A] : memref<10240x128xf32, #tpu.memory_space<vmem_shared>> -> memref<128x128xf32, #tpu.memory_space<vmem_shared>>
      %dma_wait3A_118 = arith.constant 0 : i32
      %dma_wait3A_119 = tpu.memref_slice %arg10[%add3A_27, %dma_wait3A_118] : memref<10240x128xf32, #tpu.memory_space<vmem_shared>> -> memref<128x128xf32, #tpu.memory_space<vmem_shared>>
      tpu.wait_dma2 semaphore(%run_scoped3A : memref<!tpu.dma_semaphore, #tpu.memory_space<semaphore_mem>>) src(%arg8 : memref<128x128xf32, #tpu.memory_space<vmem>>) dst(%dma_wait3A_119 : memref<128x128xf32, #tpu.memory_space<vmem_shared>>)
      tpu.yield
    }) : () -> ()
    %barrier3A = arith.constant 0 : index
    tpu.barrier barrier_id(%barrier3A)
    %mul3A_28 = arith.constant 80 : i32
    %mul3A_29 = arith.muli %add3A, %mul3A_28 : i32
    %add3A_30 = arith.constant 0 : i32
    %add3A_31 = arith.addi %mul3A_29, %add3A_30 : i32
    "tpu.region"() ({
      %run_scoped3A = tpu.sem_alloc : memref<!tpu.dma_semaphore, #tpu.memory_space<semaphore_mem>>
      %dma_start3A_113 = arith.constant 0 : i32
      %dma_start3A_114 = tpu.memref_slice %arg3[%add3A_31, %dma_start3A_113] : memref<2560x128xi32, #tpu.memory_space<hbm>> -> memref<40x128xi32, #tpu.memory_space<hbm>>
      %dma_start3A_115 = arith.constant 0 : i32
      %dma_start3A_116 = tpu.memref_slice %arg3[%add3A_31, %dma_start3A_115] : memref<2560x128xi32, #tpu.memory_space<hbm>> -> memref<40x128xi32, #tpu.memory_space<hbm>>
      tpu.enqueue_dma source(%dma_start3A_116 : memref<40x128xi32, #tpu.memory_space<hbm>>) target(%arg6 : memref<40x128xi32, #tpu.memory_space<vmem>>) target_semaphore(%run_scoped3A : memref<!tpu.dma_semaphore, #tpu.memory_space<semaphore_mem>>)
      %dma_wait3A = arith.constant 0 : i32
      %dma_wait3A_117 = tpu.memref_slice %arg3[%add3A_31, %dma_wait3A] : memref<2560x128xi32, #tpu.memory_space<hbm>> -> memref<40x128xi32, #tpu.memory_space<hbm>>
      %dma_wait3A_118 = arith.constant 0 : i32
      %dma_wait3A_119 = tpu.memref_slice %arg3[%add3A_31, %dma_wait3A_118] : memref<2560x128xi32, #tpu.memory_space<hbm>> -> memref<40x128xi32, #tpu.memory_space<hbm>>
      tpu.wait_dma2 semaphore(%run_scoped3A : memref<!tpu.dma_semaphore, #tpu.memory_space<semaphore_mem>>) src(%dma_wait3A_119 : memref<40x128xi32, #tpu.memory_space<hbm>>) dst(%arg6 : memref<40x128xi32, #tpu.memory_space<vmem>>)
      tpu.yield
    }) : () -> ()
    "tpu.region"() ({
      %run_scoped3A = tpu.sem_alloc : memref<!tpu.dma_semaphore, #tpu.memory_space<semaphore_mem>>
      %dma_start3A_113 = arith.constant 0 : i32
      %dma_start3A_114 = tpu.memref_slice %arg4[%add3A_31, %dma_start3A_113] : memref<2560x128xi32, #tpu.memory_space<hbm>> -> memref<40x128xi32, #tpu.memory_space<hbm>>
      %dma_start3A_115 = arith.constant 0 : i32
      %dma_start3A_116 = tpu.memref_slice %arg4[%add3A_31, %dma_start3A_115] : memref<2560x128xi32, #tpu.memory_space<hbm>> -> memref<40x128xi32, #tpu.memory_space<hbm>>
      tpu.enqueue_dma source(%dma_start3A_116 : memref<40x128xi32, #tpu.memory_space<hbm>>) target(%arg7 : memref<40x128xi32, #tpu.memory_space<vmem>>) target_semaphore(%run_scoped3A : memref<!tpu.dma_semaphore, #tpu.memory_space<semaphore_mem>>)
      %dma_wait3A = arith.constant 0 : i32
      %dma_wait3A_117 = tpu.memref_slice %arg4[%add3A_31, %dma_wait3A] : memref<2560x128xi32, #tpu.memory_space<hbm>> -> memref<40x128xi32, #tpu.memory_space<hbm>>
      %dma_wait3A_118 = arith.constant 0 : i32
      %dma_wait3A_119 = tpu.memref_slice %arg4[%add3A_31, %dma_wait3A_118] : memref<2560x128xi32, #tpu.memory_space<hbm>> -> memref<40x128xi32, #tpu.memory_space<hbm>>
      tpu.wait_dma2 semaphore(%run_scoped3A : memref<!tpu.dma_semaphore, #tpu.memory_space<semaphore_mem>>) src(%dma_wait3A_119 : memref<40x128xi32, #tpu.memory_space<hbm>>) dst(%arg7 : memref<40x128xi32, #tpu.memory_space<vmem>>)
      tpu.yield
    }) : () -> ()
    %dma_start3A = arith.constant 0 : i32
    %dma_start3A_32 = arith.constant 0 : i32
    %dma_start3A_33 = tpu.memref_slice %arg6[%dma_start3A, %dma_start3A_32] : memref<40x128xi32, #tpu.memory_space<vmem>> -> memref<1x128xi32, #tpu.memory_space<vmem>>
    %dma_start3A_34 = tpu.memref_squeeze %dma_start3A_33 : memref<1x128xi32, #tpu.memory_space<vmem>> -> memref<128xi32, #tpu.memory_space<vmem>>
    %dma_start3A_35 = arith.constant 0 : i32
    %dma_start3A_36 = arith.constant 0 : i32
    %dma_start3A_37 = tpu.memref_slice %arg2[%dma_start3A_35, %dma_start3A_36] : memref<10000x128xf32, #tpu.memory_space<hbm>> -> memref<10000x128xf32, #tpu.memory_space<hbm>>
    tpu.enqueue_indirect_dma source(%dma_start3A_37 : memref<10000x128xf32, #tpu.memory_space<hbm>>) target(%arg8 : memref<128x128xf32, #tpu.memory_space<vmem>>) offsets(%dma_start3A_34 : memref<128xi32, #tpu.memory_space<vmem>>) semaphore(%arg11 : memref<!tpu.dma_semaphore, #tpu.memory_space<semaphore_mem>>)
    %dma_start3A_38 = arith.constant 1 : i32
    %dma_start3A_39 = arith.constant 0 : i32
    %dma_start3A_40 = tpu.memref_slice %arg6[%dma_start3A_38, %dma_start3A_39] : memref<40x128xi32, #tpu.memory_space<vmem>> -> memref<1x128xi32, #tpu.memory_space<vmem>>
    %dma_start3A_41 = tpu.memref_squeeze %dma_start3A_40 : memref<1x128xi32, #tpu.memory_space<vmem>> -> memref<128xi32, #tpu.memory_space<vmem>>
    %dma_start3A_42 = arith.constant 0 : i32
    %dma_start3A_43 = arith.constant 0 : i32
    %dma_start3A_44 = tpu.memref_slice %arg2[%dma_start3A_42, %dma_start3A_43] : memref<10000x128xf32, #tpu.memory_space<hbm>> -> memref<10000x128xf32, #tpu.memory_space<hbm>>
    tpu.enqueue_indirect_dma source(%dma_start3A_44 : memref<10000x128xf32, #tpu.memory_space<hbm>>) target(%arg9 : memref<128x128xf32, #tpu.memory_space<vmem>>) offsets(%dma_start3A_41 : memref<128xi32, #tpu.memory_space<vmem>>) semaphore(%arg12 : memref<!tpu.dma_semaphore, #tpu.memory_space<semaphore_mem>>)
    %scan3A_45 = arith.constant 0 : i32
    %scan3A_46 = arith.constant 0 : i32
    %scan3A_47 = arith.constant 20 : i32
    %scan3A_48 = arith.addi %scan3A_46, %scan3A_47 : i32
    %scan3A_49 = arith.constant 1 : i32
    %scan3A_50 = scf.for %scan3A_113 = %scan3A_46 to %scan3A_48 step %scan3A_49 iter_args(%scan3A_114 = %scan3A_45) -> (i32)  : i32 {
      %mul3A_115 = arith.constant 2 : i32
      %mul3A_116 = arith.muli %scan3A_113, %mul3A_115 : i32
      %add3A_117 = arith.constant 0 : i32
      %add3A_118 = arith.addi %mul3A_116, %add3A_117 : i32
      %dma_wait3A = arith.constant 0 : i32
      %dma_wait3A_119 = arith.constant 0 : i32
      %dma_wait3A_120 = tpu.memref_slice %arg2[%dma_wait3A, %dma_wait3A_119] : memref<10000x128xf32, #tpu.memory_space<hbm>> -> memref<128x128xf32, #tpu.memory_space<hbm>>
      %dma_wait3A_121 = arith.constant 0 : i32
      %dma_wait3A_122 = arith.constant 0 : i32
      %dma_wait3A_123 = tpu.memref_slice %arg2[%dma_wait3A_121, %dma_wait3A_122] : memref<10000x128xf32, #tpu.memory_space<hbm>> -> memref<128x128xf32, #tpu.memory_space<hbm>>
      tpu.wait_dma2 semaphore(%arg11 : memref<!tpu.dma_semaphore, #tpu.memory_space<semaphore_mem>>) src(%dma_wait3A_123 : memref<128x128xf32, #tpu.memory_space<hbm>>) dst(%arg8 : memref<128x128xf32, #tpu.memory_space<vmem>>)
      "tpu.region"() ({
        %run_scoped3A = tpu.sem_alloc : memref<!tpu.dma_semaphore, #tpu.memory_space<semaphore_mem>>
        %dma_start3A_146 = arith.constant 0 : i32
        %dma_start3A_147 = tpu.memref_slice %arg7[%add3A_118, %dma_start3A_146] : memref<40x128xi32, #tpu.memory_space<vmem>> -> memref<1x128xi32, #tpu.memory_space<vmem>>
        %dma_start3A_148 = tpu.memref_squeeze %dma_start3A_147 : memref<1x128xi32, #tpu.memory_space<vmem>> -> memref<128xi32, #tpu.memory_space<vmem>>
        %dma_start3A_149 = arith.constant 0 : i32
        %dma_start3A_150 = arith.constant 0 : i32
        %dma_start3A_151 = tpu.memref_slice %arg10[%dma_start3A_149, %dma_start3A_150] : memref<10240x128xf32, #tpu.memory_space<vmem_shared>> -> memref<10240x128xf32, #tpu.memory_space<vmem_shared>>
        tpu.enqueue_indirect_dma source(%arg8 : memref<128x128xf32, #tpu.memory_space<vmem>>) target(%dma_start3A_151 : memref<10240x128xf32, #tpu.memory_space<vmem_shared>>) offsets(%dma_start3A_148 : memref<128xi32, #tpu.memory_space<vmem>>) semaphore(%run_scoped3A : memref<!tpu.dma_semaphore, #tpu.memory_space<semaphore_mem>>) {add = true}
        %dma_wait3A_152 = arith.constant 0 : i32
        %dma_wait3A_153 = tpu.memref_slice %arg7[%add3A_118, %dma_wait3A_152] : memref<40x128xi32, #tpu.memory_space<vmem>> -> memref<1x128xi32, #tpu.memory_space<vmem>>
        %dma_wait3A_154 = tpu.memref_squeeze %dma_wait3A_153 : memref<1x128xi32, #tpu.memory_space<vmem>> -> memref<128xi32, #tpu.memory_space<vmem>>
        %dma_wait3A_155 = arith.constant 0 : i32
        %dma_wait3A_156 = arith.constant 0 : i32
        %dma_wait3A_157 = tpu.memref_slice %arg10[%dma_wait3A_155, %dma_wait3A_156] : memref<10240x128xf32, #tpu.memory_space<vmem_shared>> -> memref<10240x128xf32, #tpu.memory_space<vmem_shared>>
        tpu.wait_indirect_dma semaphore(%run_scoped3A : memref<!tpu.dma_semaphore, #tpu.memory_space<semaphore_mem>>) src(%arg8 : memref<128x128xf32, #tpu.memory_space<vmem>>) dst(%dma_wait3A_157 : memref<10240x128xf32, #tpu.memory_space<vmem_shared>>)
        tpu.yield
      }) : () -> ()
      %add3A_124 = arith.constant 1 : i32
      %add3A_125 = arith.addi %scan3A_113, %add3A_124 : i32
      %lt3A = arith.constant 20 : i32
      %lt3A_126 = arith.cmpi slt, %add3A_125, %lt3A : i32
      %convert_element_type3A = arith.extui %lt3A_126 : i1 to i32
      %cond3A = arith.constant 0 : i32
      %cond3A_127 = arith.cmpi ne, %convert_element_type3A, %cond3A : i32
      scf.if %cond3A_127 {
        %add3A_146 = arith.constant 2 : i32
        %add3A_147 = arith.addi %add3A_118, %add3A_146 : i32
        %dma_start3A_148 = arith.constant 0 : i32
        %dma_start3A_149 = tpu.memref_slice %arg6[%add3A_147, %dma_start3A_148] : memref<40x128xi32, #tpu.memory_space<vmem>> -> memref<1x128xi32, #tpu.memory_space<vmem>>
        %dma_start3A_150 = tpu.memref_squeeze %dma_start3A_149 : memref<1x128xi32, #tpu.memory_space<vmem>> -> memref<128xi32, #tpu.memory_space<vmem>>
        %dma_start3A_151 = arith.constant 0 : i32
        %dma_start3A_152 = arith.constant 0 : i32
        %dma_start3A_153 = tpu.memref_slice %arg2[%dma_start3A_151, %dma_start3A_152] : memref<10000x128xf32, #tpu.memory_space<hbm>> -> memref<10000x128xf32, #tpu.memory_space<hbm>>
        tpu.enqueue_indirect_dma source(%dma_start3A_153 : memref<10000x128xf32, #tpu.memory_space<hbm>>) target(%arg8 : memref<128x128xf32, #tpu.memory_space<vmem>>) offsets(%dma_start3A_150 : memref<128xi32, #tpu.memory_space<vmem>>) semaphore(%arg11 : memref<!tpu.dma_semaphore, #tpu.memory_space<semaphore_mem>>)
      } else {
      }
      %mul3A_128 = arith.constant 2 : i32
      %mul3A_129 = arith.muli %scan3A_113, %mul3A_128 : i32
      %add3A_130 = arith.constant 1 : i32
      %add3A_131 = arith.addi %mul3A_129, %add3A_130 : i32
      %dma_wait3A_132 = arith.constant 0 : i32
      %dma_wait3A_133 = arith.constant 0 : i32
      %dma_wait3A_134 = tpu.memref_slice %arg2[%dma_wait3A_132, %dma_wait3A_133] : memref<10000x128xf32, #tpu.memory_space<hbm>> -> memref<128x128xf32, #tpu.memory_space<hbm>>
      %dma_wait3A_135 = arith.constant 0 : i32
      %dma_wait3A_136 = arith.constant 0 : i32
      %dma_wait3A_137 = tpu.memref_slice %arg2[%dma_wait3A_135, %dma_wait3A_136] : memref<10000x128xf32, #tpu.memory_space<hbm>> -> memref<128x128xf32, #tpu.memory_space<hbm>>
      tpu.wait_dma2 semaphore(%arg12 : memref<!tpu.dma_semaphore, #tpu.memory_space<semaphore_mem>>) src(%dma_wait3A_137 : memref<128x128xf32, #tpu.memory_space<hbm>>) dst(%arg9 : memref<128x128xf32, #tpu.memory_space<vmem>>)
      "tpu.region"() ({
        %run_scoped3A = tpu.sem_alloc : memref<!tpu.dma_semaphore, #tpu.memory_space<semaphore_mem>>
        %dma_start3A_146 = arith.constant 0 : i32
        %dma_start3A_147 = tpu.memref_slice %arg7[%add3A_131, %dma_start3A_146] : memref<40x128xi32, #tpu.memory_space<vmem>> -> memref<1x128xi32, #tpu.memory_space<vmem>>
        %dma_start3A_148 = tpu.memref_squeeze %dma_start3A_147 : memref<1x128xi32, #tpu.memory_space<vmem>> -> memref<128xi32, #tpu.memory_space<vmem>>
        %dma_start3A_149 = arith.constant 0 : i32
        %dma_start3A_150 = arith.constant 0 : i32
        %dma_start3A_151 = tpu.memref_slice %arg10[%dma_start3A_149, %dma_start3A_150] : memref<10240x128xf32, #tpu.memory_space<vmem_shared>> -> memref<10240x128xf32, #tpu.memory_space<vmem_shared>>
        tpu.enqueue_indirect_dma source(%arg9 : memref<128x128xf32, #tpu.memory_space<vmem>>) target(%dma_start3A_151 : memref<10240x128xf32, #tpu.memory_space<vmem_shared>>) offsets(%dma_start3A_148 : memref<128xi32, #tpu.memory_space<vmem>>) semaphore(%run_scoped3A : memref<!tpu.dma_semaphore, #tpu.memory_space<semaphore_mem>>) {add = true}
        %dma_wait3A_152 = arith.constant 0 : i32
        %dma_wait3A_153 = tpu.memref_slice %arg7[%add3A_131, %dma_wait3A_152] : memref<40x128xi32, #tpu.memory_space<vmem>> -> memref<1x128xi32, #tpu.memory_space<vmem>>
        %dma_wait3A_154 = tpu.memref_squeeze %dma_wait3A_153 : memref<1x128xi32, #tpu.memory_space<vmem>> -> memref<128xi32, #tpu.memory_space<vmem>>
        %dma_wait3A_155 = arith.constant 0 : i32
        %dma_wait3A_156 = arith.constant 0 : i32
        %dma_wait3A_157 = tpu.memref_slice %arg10[%dma_wait3A_155, %dma_wait3A_156] : memref<10240x128xf32, #tpu.memory_space<vmem_shared>> -> memref<10240x128xf32, #tpu.memory_space<vmem_shared>>
        tpu.wait_indirect_dma semaphore(%run_scoped3A : memref<!tpu.dma_semaphore, #tpu.memory_space<semaphore_mem>>) src(%arg9 : memref<128x128xf32, #tpu.memory_space<vmem>>) dst(%dma_wait3A_157 : memref<10240x128xf32, #tpu.memory_space<vmem_shared>>)
        tpu.yield
      }) : () -> ()
      %add3A_138 = arith.constant 1 : i32
      %add3A_139 = arith.addi %scan3A_113, %add3A_138 : i32
      %lt3A_140 = arith.constant 20 : i32
      %lt3A_141 = arith.cmpi slt, %add3A_139, %lt3A_140 : i32
      %convert_element_type3A_142 = arith.extui %lt3A_141 : i1 to i32
      %cond3A_143 = arith.constant 0 : i32
      %cond3A_144 = arith.cmpi ne, %convert_element_type3A_142, %cond3A_143 : i32
      scf.if %cond3A_144 {
        %add3A_146 = arith.constant 2 : i32
        %add3A_147 = arith.addi %add3A_131, %add3A_146 : i32
        %dma_start3A_148 = arith.constant 0 : i32
        %dma_start3A_149 = tpu.memref_slice %arg6[%add3A_147, %dma_start3A_148] : memref<40x128xi32, #tpu.memory_space<vmem>> -> memref<1x128xi32, #tpu.memory_space<vmem>>
        %dma_start3A_150 = tpu.memref_squeeze %dma_start3A_149 : memref<1x128xi32, #tpu.memory_space<vmem>> -> memref<128xi32, #tpu.memory_space<vmem>>
        %dma_start3A_151 = arith.constant 0 : i32
        %dma_start3A_152 = arith.constant 0 : i32
        %dma_start3A_153 = tpu.memref_slice %arg2[%dma_start3A_151, %dma_start3A_152] : memref<10000x128xf32, #tpu.memory_space<hbm>> -> memref<10000x128xf32, #tpu.memory_space<hbm>>
        tpu.enqueue_indirect_dma source(%dma_start3A_153 : memref<10000x128xf32, #tpu.memory_space<hbm>>) target(%arg9 : memref<128x128xf32, #tpu.memory_space<vmem>>) offsets(%dma_start3A_150 : memref<128xi32, #tpu.memory_space<vmem>>) semaphore(%arg12 : memref<!tpu.dma_semaphore, #tpu.memory_space<semaphore_mem>>)
      } else {
      }
      %scan3A_145 = arith.constant 0 : i32
      scf.yield %scan3A_145 : i32
    }
    %scan3A_51 = arith.constant 20 : i32
    %mul3A_52 = arith.constant 80 : i32
    %mul3A_53 = arith.muli %add3A, %mul3A_52 : i32
    %add3A_54 = arith.constant 40 : i32
    %add3A_55 = arith.addi %mul3A_53, %add3A_54 : i32
    "tpu.region"() ({
      %run_scoped3A = tpu.sem_alloc : memref<!tpu.dma_semaphore, #tpu.memory_space<semaphore_mem>>
      %dma_start3A_113 = arith.constant 0 : i32
      %dma_start3A_114 = tpu.memref_slice %arg3[%add3A_55, %dma_start3A_113] : memref<2560x128xi32, #tpu.memory_space<hbm>> -> memref<40x128xi32, #tpu.memory_space<hbm>>
      %dma_start3A_115 = arith.constant 0 : i32
      %dma_start3A_116 = tpu.memref_slice %arg3[%add3A_55, %dma_start3A_115] : memref<2560x128xi32, #tpu.memory_space<hbm>> -> memref<40x128xi32, #tpu.memory_space<hbm>>
      tpu.enqueue_dma source(%dma_start3A_116 : memref<40x128xi32, #tpu.memory_space<hbm>>) target(%arg6 : memref<40x128xi32, #tpu.memory_space<vmem>>) target_semaphore(%run_scoped3A : memref<!tpu.dma_semaphore, #tpu.memory_space<semaphore_mem>>)
      %dma_wait3A = arith.constant 0 : i32
      %dma_wait3A_117 = tpu.memref_slice %arg3[%add3A_55, %dma_wait3A] : memref<2560x128xi32, #tpu.memory_space<hbm>> -> memref<40x128xi32, #tpu.memory_space<hbm>>
      %dma_wait3A_118 = arith.constant 0 : i32
      %dma_wait3A_119 = tpu.memref_slice %arg3[%add3A_55, %dma_wait3A_118] : memref<2560x128xi32, #tpu.memory_space<hbm>> -> memref<40x128xi32, #tpu.memory_space<hbm>>
      tpu.wait_dma2 semaphore(%run_scoped3A : memref<!tpu.dma_semaphore, #tpu.memory_space<semaphore_mem>>) src(%dma_wait3A_119 : memref<40x128xi32, #tpu.memory_space<hbm>>) dst(%arg6 : memref<40x128xi32, #tpu.memory_space<vmem>>)
      tpu.yield
    }) : () -> ()
    "tpu.region"() ({
      %run_scoped3A = tpu.sem_alloc : memref<!tpu.dma_semaphore, #tpu.memory_space<semaphore_mem>>
      %dma_start3A_113 = arith.constant 0 : i32
      %dma_start3A_114 = tpu.memref_slice %arg4[%add3A_55, %dma_start3A_113] : memref<2560x128xi32, #tpu.memory_space<hbm>> -> memref<40x128xi32, #tpu.memory_space<hbm>>
      %dma_start3A_115 = arith.constant 0 : i32
      %dma_start3A_116 = tpu.memref_slice %arg4[%add3A_55, %dma_start3A_115] : memref<2560x128xi32, #tpu.memory_space<hbm>> -> memref<40x128xi32, #tpu.memory_space<hbm>>
      tpu.enqueue_dma source(%dma_start3A_116 : memref<40x128xi32, #tpu.memory_space<hbm>>) target(%arg7 : memref<40x128xi32, #tpu.memory_space<vmem>>) target_semaphore(%run_scoped3A : memref<!tpu.dma_semaphore, #tpu.memory_space<semaphore_mem>>)
      %dma_wait3A = arith.constant 0 : i32
      %dma_wait3A_117 = tpu.memref_slice %arg4[%add3A_55, %dma_wait3A] : memref<2560x128xi32, #tpu.memory_space<hbm>> -> memref<40x128xi32, #tpu.memory_space<hbm>>
      %dma_wait3A_118 = arith.constant 0 : i32
      %dma_wait3A_119 = tpu.memref_slice %arg4[%add3A_55, %dma_wait3A_118] : memref<2560x128xi32, #tpu.memory_space<hbm>> -> memref<40x128xi32, #tpu.memory_space<hbm>>
      tpu.wait_dma2 semaphore(%run_scoped3A : memref<!tpu.dma_semaphore, #tpu.memory_space<semaphore_mem>>) src(%dma_wait3A_119 : memref<40x128xi32, #tpu.memory_space<hbm>>) dst(%arg7 : memref<40x128xi32, #tpu.memory_space<vmem>>)
      tpu.yield
    }) : () -> ()
    %dma_start3A_56 = arith.constant 0 : i32
    %dma_start3A_57 = arith.constant 0 : i32
    %dma_start3A_58 = tpu.memref_slice %arg6[%dma_start3A_56, %dma_start3A_57] : memref<40x128xi32, #tpu.memory_space<vmem>> -> memref<1x128xi32, #tpu.memory_space<vmem>>
    %dma_start3A_59 = tpu.memref_squeeze %dma_start3A_58 : memref<1x128xi32, #tpu.memory_space<vmem>> -> memref<128xi32, #tpu.memory_space<vmem>>
    %dma_start3A_60 = arith.constant 0 : i32
    %dma_start3A_61 = arith.constant 0 : i32
    %dma_start3A_62 = tpu.memref_slice %arg2[%dma_start3A_60, %dma_start3A_61] : memref<10000x128xf32, #tpu.memory_space<hbm>> -> memref<10000x128xf32, #tpu.memory_space<hbm>>
    tpu.enqueue_indirect_dma source(%dma_start3A_62 : memref<10000x128xf32, #tpu.memory_space<hbm>>) target(%arg8 : memref<128x128xf32, #tpu.memory_space<vmem>>) offsets(%dma_start3A_59 : memref<128xi32, #tpu.memory_space<vmem>>) semaphore(%arg11 : memref<!tpu.dma_semaphore, #tpu.memory_space<semaphore_mem>>)
    %dma_start3A_63 = arith.constant 1 : i32
    %dma_start3A_64 = arith.constant 0 : i32
    %dma_start3A_65 = tpu.memref_slice %arg6[%dma_start3A_63, %dma_start3A_64] : memref<40x128xi32, #tpu.memory_space<vmem>> -> memref<1x128xi32, #tpu.memory_space<vmem>>
    %dma_start3A_66 = tpu.memref_squeeze %dma_start3A_65 : memref<1x128xi32, #tpu.memory_space<vmem>> -> memref<128xi32, #tpu.memory_space<vmem>>
    %dma_start3A_67 = arith.constant 0 : i32
    %dma_start3A_68 = arith.constant 0 : i32
    %dma_start3A_69 = tpu.memref_slice %arg2[%dma_start3A_67, %dma_start3A_68] : memref<10000x128xf32, #tpu.memory_space<hbm>> -> memref<10000x128xf32, #tpu.memory_space<hbm>>
    tpu.enqueue_indirect_dma source(%dma_start3A_69 : memref<10000x128xf32, #tpu.memory_space<hbm>>) target(%arg9 : memref<128x128xf32, #tpu.memory_space<vmem>>) offsets(%dma_start3A_66 : memref<128xi32, #tpu.memory_space<vmem>>) semaphore(%arg12 : memref<!tpu.dma_semaphore, #tpu.memory_space<semaphore_mem>>)
    %scan3A_70 = arith.constant 0 : i32
    %scan3A_71 = arith.constant 0 : i32
    %scan3A_72 = arith.constant 20 : i32
    %scan3A_73 = arith.addi %scan3A_71, %scan3A_72 : i32
    %scan3A_74 = arith.constant 1 : i32
    %scan3A_75 = scf.for %scan3A_113 = %scan3A_71 to %scan3A_73 step %scan3A_74 iter_args(%scan3A_114 = %scan3A_70) -> (i32)  : i32 {
      %mul3A_115 = arith.constant 2 : i32
      %mul3A_116 = arith.muli %scan3A_113, %mul3A_115 : i32
      %add3A_117 = arith.constant 0 : i32
      %add3A_118 = arith.addi %mul3A_116, %add3A_117 : i32
      %dma_wait3A = arith.constant 0 : i32
      %dma_wait3A_119 = arith.constant 0 : i32
      %dma_wait3A_120 = tpu.memref_slice %arg2[%dma_wait3A, %dma_wait3A_119] : memref<10000x128xf32, #tpu.memory_space<hbm>> -> memref<128x128xf32, #tpu.memory_space<hbm>>
      %dma_wait3A_121 = arith.constant 0 : i32
      %dma_wait3A_122 = arith.constant 0 : i32
      %dma_wait3A_123 = tpu.memref_slice %arg2[%dma_wait3A_121, %dma_wait3A_122] : memref<10000x128xf32, #tpu.memory_space<hbm>> -> memref<128x128xf32, #tpu.memory_space<hbm>>
      tpu.wait_dma2 semaphore(%arg11 : memref<!tpu.dma_semaphore, #tpu.memory_space<semaphore_mem>>) src(%dma_wait3A_123 : memref<128x128xf32, #tpu.memory_space<hbm>>) dst(%arg8 : memref<128x128xf32, #tpu.memory_space<vmem>>)
      "tpu.region"() ({
        %run_scoped3A = tpu.sem_alloc : memref<!tpu.dma_semaphore, #tpu.memory_space<semaphore_mem>>
        %dma_start3A_146 = arith.constant 0 : i32
        %dma_start3A_147 = tpu.memref_slice %arg7[%add3A_118, %dma_start3A_146] : memref<40x128xi32, #tpu.memory_space<vmem>> -> memref<1x128xi32, #tpu.memory_space<vmem>>
        %dma_start3A_148 = tpu.memref_squeeze %dma_start3A_147 : memref<1x128xi32, #tpu.memory_space<vmem>> -> memref<128xi32, #tpu.memory_space<vmem>>
        %dma_start3A_149 = arith.constant 0 : i32
        %dma_start3A_150 = arith.constant 0 : i32
        %dma_start3A_151 = tpu.memref_slice %arg10[%dma_start3A_149, %dma_start3A_150] : memref<10240x128xf32, #tpu.memory_space<vmem_shared>> -> memref<10240x128xf32, #tpu.memory_space<vmem_shared>>
        tpu.enqueue_indirect_dma source(%arg8 : memref<128x128xf32, #tpu.memory_space<vmem>>) target(%dma_start3A_151 : memref<10240x128xf32, #tpu.memory_space<vmem_shared>>) offsets(%dma_start3A_148 : memref<128xi32, #tpu.memory_space<vmem>>) semaphore(%run_scoped3A : memref<!tpu.dma_semaphore, #tpu.memory_space<semaphore_mem>>) {add = true}
        %dma_wait3A_152 = arith.constant 0 : i32
        %dma_wait3A_153 = tpu.memref_slice %arg7[%add3A_118, %dma_wait3A_152] : memref<40x128xi32, #tpu.memory_space<vmem>> -> memref<1x128xi32, #tpu.memory_space<vmem>>
        %dma_wait3A_154 = tpu.memref_squeeze %dma_wait3A_153 : memref<1x128xi32, #tpu.memory_space<vmem>> -> memref<128xi32, #tpu.memory_space<vmem>>
        %dma_wait3A_155 = arith.constant 0 : i32
        %dma_wait3A_156 = arith.constant 0 : i32
        %dma_wait3A_157 = tpu.memref_slice %arg10[%dma_wait3A_155, %dma_wait3A_156] : memref<10240x128xf32, #tpu.memory_space<vmem_shared>> -> memref<10240x128xf32, #tpu.memory_space<vmem_shared>>
        tpu.wait_indirect_dma semaphore(%run_scoped3A : memref<!tpu.dma_semaphore, #tpu.memory_space<semaphore_mem>>) src(%arg8 : memref<128x128xf32, #tpu.memory_space<vmem>>) dst(%dma_wait3A_157 : memref<10240x128xf32, #tpu.memory_space<vmem_shared>>)
        tpu.yield
      }) : () -> ()
      %add3A_124 = arith.constant 1 : i32
      %add3A_125 = arith.addi %scan3A_113, %add3A_124 : i32
      %lt3A = arith.constant 20 : i32
      %lt3A_126 = arith.cmpi slt, %add3A_125, %lt3A : i32
      %convert_element_type3A = arith.extui %lt3A_126 : i1 to i32
      %cond3A = arith.constant 0 : i32
      %cond3A_127 = arith.cmpi ne, %convert_element_type3A, %cond3A : i32
      scf.if %cond3A_127 {
        %add3A_146 = arith.constant 2 : i32
        %add3A_147 = arith.addi %add3A_118, %add3A_146 : i32
        %dma_start3A_148 = arith.constant 0 : i32
        %dma_start3A_149 = tpu.memref_slice %arg6[%add3A_147, %dma_start3A_148] : memref<40x128xi32, #tpu.memory_space<vmem>> -> memref<1x128xi32, #tpu.memory_space<vmem>>
        %dma_start3A_150 = tpu.memref_squeeze %dma_start3A_149 : memref<1x128xi32, #tpu.memory_space<vmem>> -> memref<128xi32, #tpu.memory_space<vmem>>
        %dma_start3A_151 = arith.constant 0 : i32
        %dma_start3A_152 = arith.constant 0 : i32
        %dma_start3A_153 = tpu.memref_slice %arg2[%dma_start3A_151, %dma_start3A_152] : memref<10000x128xf32, #tpu.memory_space<hbm>> -> memref<10000x128xf32, #tpu.memory_space<hbm>>
        tpu.enqueue_indirect_dma source(%dma_start3A_153 : memref<10000x128xf32, #tpu.memory_space<hbm>>) target(%arg8 : memref<128x128xf32, #tpu.memory_space<vmem>>) offsets(%dma_start3A_150 : memref<128xi32, #tpu.memory_space<vmem>>) semaphore(%arg11 : memref<!tpu.dma_semaphore, #tpu.memory_space<semaphore_mem>>)
      } else {
      }
      %mul3A_128 = arith.constant 2 : i32
      %mul3A_129 = arith.muli %scan3A_113, %mul3A_128 : i32
      %add3A_130 = arith.constant 1 : i32
      %add3A_131 = arith.addi %mul3A_129, %add3A_130 : i32
      %dma_wait3A_132 = arith.constant 0 : i32
      %dma_wait3A_133 = arith.constant 0 : i32
      %dma_wait3A_134 = tpu.memref_slice %arg2[%dma_wait3A_132, %dma_wait3A_133] : memref<10000x128xf32, #tpu.memory_space<hbm>> -> memref<128x128xf32, #tpu.memory_space<hbm>>
      %dma_wait3A_135 = arith.constant 0 : i32
      %dma_wait3A_136 = arith.constant 0 : i32
      %dma_wait3A_137 = tpu.memref_slice %arg2[%dma_wait3A_135, %dma_wait3A_136] : memref<10000x128xf32, #tpu.memory_space<hbm>> -> memref<128x128xf32, #tpu.memory_space<hbm>>
      tpu.wait_dma2 semaphore(%arg12 : memref<!tpu.dma_semaphore, #tpu.memory_space<semaphore_mem>>) src(%dma_wait3A_137 : memref<128x128xf32, #tpu.memory_space<hbm>>) dst(%arg9 : memref<128x128xf32, #tpu.memory_space<vmem>>)
      "tpu.region"() ({
        %run_scoped3A = tpu.sem_alloc : memref<!tpu.dma_semaphore, #tpu.memory_space<semaphore_mem>>
        %dma_start3A_146 = arith.constant 0 : i32
        %dma_start3A_147 = tpu.memref_slice %arg7[%add3A_131, %dma_start3A_146] : memref<40x128xi32, #tpu.memory_space<vmem>> -> memref<1x128xi32, #tpu.memory_space<vmem>>
        %dma_start3A_148 = tpu.memref_squeeze %dma_start3A_147 : memref<1x128xi32, #tpu.memory_space<vmem>> -> memref<128xi32, #tpu.memory_space<vmem>>
        %dma_start3A_149 = arith.constant 0 : i32
        %dma_start3A_150 = arith.constant 0 : i32
        %dma_start3A_151 = tpu.memref_slice %arg10[%dma_start3A_149, %dma_start3A_150] : memref<10240x128xf32, #tpu.memory_space<vmem_shared>> -> memref<10240x128xf32, #tpu.memory_space<vmem_shared>>
        tpu.enqueue_indirect_dma source(%arg9 : memref<128x128xf32, #tpu.memory_space<vmem>>) target(%dma_start3A_151 : memref<10240x128xf32, #tpu.memory_space<vmem_shared>>) offsets(%dma_start3A_148 : memref<128xi32, #tpu.memory_space<vmem>>) semaphore(%run_scoped3A : memref<!tpu.dma_semaphore, #tpu.memory_space<semaphore_mem>>) {add = true}
        %dma_wait3A_152 = arith.constant 0 : i32
        %dma_wait3A_153 = tpu.memref_slice %arg7[%add3A_131, %dma_wait3A_152] : memref<40x128xi32, #tpu.memory_space<vmem>> -> memref<1x128xi32, #tpu.memory_space<vmem>>
        %dma_wait3A_154 = tpu.memref_squeeze %dma_wait3A_153 : memref<1x128xi32, #tpu.memory_space<vmem>> -> memref<128xi32, #tpu.memory_space<vmem>>
        %dma_wait3A_155 = arith.constant 0 : i32
        %dma_wait3A_156 = arith.constant 0 : i32
        %dma_wait3A_157 = tpu.memref_slice %arg10[%dma_wait3A_155, %dma_wait3A_156] : memref<10240x128xf32, #tpu.memory_space<vmem_shared>> -> memref<10240x128xf32, #tpu.memory_space<vmem_shared>>
        tpu.wait_indirect_dma semaphore(%run_scoped3A : memref<!tpu.dma_semaphore, #tpu.memory_space<semaphore_mem>>) src(%arg9 : memref<128x128xf32, #tpu.memory_space<vmem>>) dst(%dma_wait3A_157 : memref<10240x128xf32, #tpu.memory_space<vmem_shared>>)
        tpu.yield
      }) : () -> ()
      %add3A_138 = arith.constant 1 : i32
      %add3A_139 = arith.addi %scan3A_113, %add3A_138 : i32
      %lt3A_140 = arith.constant 20 : i32
      %lt3A_141 = arith.cmpi slt, %add3A_139, %lt3A_140 : i32
      %convert_element_type3A_142 = arith.extui %lt3A_141 : i1 to i32
      %cond3A_143 = arith.constant 0 : i32
      %cond3A_144 = arith.cmpi ne, %convert_element_type3A_142, %cond3A_143 : i32
      scf.if %cond3A_144 {
        %add3A_146 = arith.constant 2 : i32
        %add3A_147 = arith.addi %add3A_131, %add3A_146 : i32
        %dma_start3A_148 = arith.constant 0 : i32
        %dma_start3A_149 = tpu.memref_slice %arg6[%add3A_147, %dma_start3A_148] : memref<40x128xi32, #tpu.memory_space<vmem>> -> memref<1x128xi32, #tpu.memory_space<vmem>>
        %dma_start3A_150 = tpu.memref_squeeze %dma_start3A_149 : memref<1x128xi32, #tpu.memory_space<vmem>> -> memref<128xi32, #tpu.memory_space<vmem>>
        %dma_start3A_151 = arith.constant 0 : i32
        %dma_start3A_152 = arith.constant 0 : i32
        %dma_start3A_153 = tpu.memref_slice %arg2[%dma_start3A_151, %dma_start3A_152] : memref<10000x128xf32, #tpu.memory_space<hbm>> -> memref<10000x128xf32, #tpu.memory_space<hbm>>
        tpu.enqueue_indirect_dma source(%dma_start3A_153 : memref<10000x128xf32, #tpu.memory_space<hbm>>) target(%arg9 : memref<128x128xf32, #tpu.memory_space<vmem>>) offsets(%dma_start3A_150 : memref<128xi32, #tpu.memory_space<vmem>>) semaphore(%arg12 : memref<!tpu.dma_semaphore, #tpu.memory_space<semaphore_mem>>)
      } else {
      }
      %scan3A_145 = arith.constant 0 : i32
      scf.yield %scan3A_145 : i32
    }
    %scan3A_76 = arith.constant 20 : i32
    %barrier3A_77 = arith.constant 0 : index
    tpu.barrier barrier_id(%barrier3A_77)
    %mul3A_78 = arith.constant 640 : i32
    %mul3A_79 = arith.muli %arg1, %mul3A_78 : i32
    %add3A_80 = arith.constant 0 : i32
    %add3A_81 = arith.addi %mul3A_79, %add3A_80 : i32
    "tpu.region"() ({
      %run_scoped3A = tpu.sem_alloc : memref<!tpu.dma_semaphore, #tpu.memory_space<semaphore_mem>>
      %dma_start3A_113 = arith.constant 0 : i32
      %dma_start3A_114 = tpu.memref_slice %arg10[%add3A_81, %dma_start3A_113] : memref<10240x128xf32, #tpu.memory_space<vmem_shared>> -> memref<128x128xf32, #tpu.memory_space<vmem_shared>>
      %dma_start3A_115 = arith.constant 0 : i32
      %dma_start3A_116 = tpu.memref_slice %arg10[%add3A_81, %dma_start3A_115] : memref<10240x128xf32, #tpu.memory_space<vmem_shared>> -> memref<128x128xf32, #tpu.memory_space<vmem_shared>>
      tpu.enqueue_dma source(%dma_start3A_116 : memref<128x128xf32, #tpu.memory_space<vmem_shared>>) target(%arg8 : memref<128x128xf32, #tpu.memory_space<vmem>>) target_semaphore(%run_scoped3A : memref<!tpu.dma_semaphore, #tpu.memory_space<semaphore_mem>>)
      %dma_wait3A = arith.constant 0 : i32
      %dma_wait3A_117 = tpu.memref_slice %arg10[%add3A_81, %dma_wait3A] : memref<10240x128xf32, #tpu.memory_space<vmem_shared>> -> memref<128x128xf32, #tpu.memory_space<vmem_shared>>
      %dma_wait3A_118 = arith.constant 0 : i32
      %dma_wait3A_119 = tpu.memref_slice %arg10[%add3A_81, %dma_wait3A_118] : memref<10240x128xf32, #tpu.memory_space<vmem_shared>> -> memref<128x128xf32, #tpu.memory_space<vmem_shared>>
      tpu.wait_dma2 semaphore(%run_scoped3A : memref<!tpu.dma_semaphore, #tpu.memory_space<semaphore_mem>>) src(%dma_wait3A_119 : memref<128x128xf32, #tpu.memory_space<vmem_shared>>) dst(%arg8 : memref<128x128xf32, #tpu.memory_space<vmem>>)
      tpu.yield
    }) : () -> ()
    %mul3A_82 = arith.constant 10240 : i32
    %mul3A_83 = arith.muli %arg0, %mul3A_82 : i32
    %add3A_84 = arith.addi %mul3A_83, %add3A_81 : i32
    "tpu.region"() ({
      %run_scoped3A = tpu.sem_alloc : memref<!tpu.dma_semaphore, #tpu.memory_space<semaphore_mem>>
      %dma_start3A_113 = arith.constant 0 : i32
      %dma_start3A_114 = tpu.memref_slice %arg5[%add3A_84, %dma_start3A_113] : memref<20480x128xf32, #tpu.memory_space<hbm>> -> memref<128x128xf32, #tpu.memory_space<hbm>>
      %dma_start3A_115 = arith.constant 0 : i32
      %dma_start3A_116 = tpu.memref_slice %arg5[%add3A_84, %dma_start3A_115] : memref<20480x128xf32, #tpu.memory_space<hbm>> -> memref<128x128xf32, #tpu.memory_space<hbm>>
      tpu.enqueue_dma source(%arg8 : memref<128x128xf32, #tpu.memory_space<vmem>>) target(%dma_start3A_116 : memref<128x128xf32, #tpu.memory_space<hbm>>) target_semaphore(%run_scoped3A : memref<!tpu.dma_semaphore, #tpu.memory_space<semaphore_mem>>)
      %dma_wait3A = arith.constant 0 : i32
      %dma_wait3A_117 = tpu.memref_slice %arg5[%add3A_84, %dma_wait3A] : memref<20480x128xf32, #tpu.memory_space<hbm>> -> memref<128x128xf32, #tpu.memory_space<hbm>>
      %dma_wait3A_118 = arith.constant 0 : i32
      %dma_wait3A_119 = tpu.memref_slice %arg5[%add3A_84, %dma_wait3A_118] : memref<20480x128xf32, #tpu.memory_space<hbm>> -> memref<128x128xf32, #tpu.memory_space<hbm>>
      tpu.wait_dma2 semaphore(%run_scoped3A : memref<!tpu.dma_semaphore, #tpu.memory_space<semaphore_mem>>) src(%arg8 : memref<128x128xf32, #tpu.memory_space<vmem>>) dst(%dma_wait3A_119 : memref<128x128xf32, #tpu.memory_space<hbm>>)
      tpu.yield
    }) : () -> ()
    %mul3A_85 = arith.constant 640 : i32
    %mul3A_86 = arith.muli %arg1, %mul3A_85 : i32
    %add3A_87 = arith.constant 128 : i32
    %add3A_88 = arith.addi %mul3A_86, %add3A_87 : i32
    "tpu.region"() ({
      %run_scoped3A = tpu.sem_alloc : memref<!tpu.dma_semaphore, #tpu.memory_space<semaphore_mem>>
      %dma_start3A_113 = arith.constant 0 : i32
      %dma_start3A_114 = tpu.memref_slice %arg10[%add3A_88, %dma_start3A_113] : memref<10240x128xf32, #tpu.memory_space<vmem_shared>> -> memref<128x128xf32, #tpu.memory_space<vmem_shared>>
      %dma_start3A_115 = arith.constant 0 : i32
      %dma_start3A_116 = tpu.memref_slice %arg10[%add3A_88, %dma_start3A_115] : memref<10240x128xf32, #tpu.memory_space<vmem_shared>> -> memref<128x128xf32, #tpu.memory_space<vmem_shared>>
      tpu.enqueue_dma source(%dma_start3A_116 : memref<128x128xf32, #tpu.memory_space<vmem_shared>>) target(%arg8 : memref<128x128xf32, #tpu.memory_space<vmem>>) target_semaphore(%run_scoped3A : memref<!tpu.dma_semaphore, #tpu.memory_space<semaphore_mem>>)
      %dma_wait3A = arith.constant 0 : i32
      %dma_wait3A_117 = tpu.memref_slice %arg10[%add3A_88, %dma_wait3A] : memref<10240x128xf32, #tpu.memory_space<vmem_shared>> -> memref<128x128xf32, #tpu.memory_space<vmem_shared>>
      %dma_wait3A_118 = arith.constant 0 : i32
      %dma_wait3A_119 = tpu.memref_slice %arg10[%add3A_88, %dma_wait3A_118] : memref<10240x128xf32, #tpu.memory_space<vmem_shared>> -> memref<128x128xf32, #tpu.memory_space<vmem_shared>>
      tpu.wait_dma2 semaphore(%run_scoped3A : memref<!tpu.dma_semaphore, #tpu.memory_space<semaphore_mem>>) src(%dma_wait3A_119 : memref<128x128xf32, #tpu.memory_space<vmem_shared>>) dst(%arg8 : memref<128x128xf32, #tpu.memory_space<vmem>>)
      tpu.yield
    }) : () -> ()
    %mul3A_89 = arith.constant 10240 : i32
    %mul3A_90 = arith.muli %arg0, %mul3A_89 : i32
    %add3A_91 = arith.addi %mul3A_90, %add3A_88 : i32
    "tpu.region"() ({
      %run_scoped3A = tpu.sem_alloc : memref<!tpu.dma_semaphore, #tpu.memory_space<semaphore_mem>>
      %dma_start3A_113 = arith.constant 0 : i32
      %dma_start3A_114 = tpu.memref_slice %arg5[%add3A_91, %dma_start3A_113] : memref<20480x128xf32, #tpu.memory_space<hbm>> -> memref<128x128xf32, #tpu.memory_space<hbm>>
      %dma_start3A_115 = arith.constant 0 : i32
      %dma_start3A_116 = tpu.memref_slice %arg5[%add3A_91, %dma_start3A_115] : memref<20480x128xf32, #tpu.memory_space<hbm>> -> memref<128x128xf32, #tpu.memory_space<hbm>>
      tpu.enqueue_dma source(%arg8 : memref<128x128xf32, #tpu.memory_space<vmem>>) target(%dma_start3A_116 : memref<128x128xf32, #tpu.memory_space<hbm>>) target_semaphore(%run_scoped3A : memref<!tpu.dma_semaphore, #tpu.memory_space<semaphore_mem>>)
      %dma_wait3A = arith.constant 0 : i32
      %dma_wait3A_117 = tpu.memref_slice %arg5[%add3A_91, %dma_wait3A] : memref<20480x128xf32, #tpu.memory_space<hbm>> -> memref<128x128xf32, #tpu.memory_space<hbm>>
      %dma_wait3A_118 = arith.constant 0 : i32
      %dma_wait3A_119 = tpu.memref_slice %arg5[%add3A_91, %dma_wait3A_118] : memref<20480x128xf32, #tpu.memory_space<hbm>> -> memref<128x128xf32, #tpu.memory_space<hbm>>
      tpu.wait_dma2 semaphore(%run_scoped3A : memref<!tpu.dma_semaphore, #tpu.memory_space<semaphore_mem>>) src(%arg8 : memref<128x128xf32, #tpu.memory_space<vmem>>) dst(%dma_wait3A_119 : memref<128x128xf32, #tpu.memory_space<hbm>>)
      tpu.yield
    }) : () -> ()
    %mul3A_92 = arith.constant 640 : i32
    %mul3A_93 = arith.muli %arg1, %mul3A_92 : i32
    %add3A_94 = arith.constant 256 : i32
    %add3A_95 = arith.addi %mul3A_93, %add3A_94 : i32
    "tpu.region"() ({
      %run_scoped3A = tpu.sem_alloc : memref<!tpu.dma_semaphore, #tpu.memory_space<semaphore_mem>>
      %dma_start3A_113 = arith.constant 0 : i32
      %dma_start3A_114 = tpu.memref_slice %arg10[%add3A_95, %dma_start3A_113] : memref<10240x128xf32, #tpu.memory_space<vmem_shared>> -> memref<128x128xf32, #tpu.memory_space<vmem_shared>>
      %dma_start3A_115 = arith.constant 0 : i32
      %dma_start3A_116 = tpu.memref_slice %arg10[%add3A_95, %dma_start3A_115] : memref<10240x128xf32, #tpu.memory_space<vmem_shared>> -> memref<128x128xf32, #tpu.memory_space<vmem_shared>>
      tpu.enqueue_dma source(%dma_start3A_116 : memref<128x128xf32, #tpu.memory_space<vmem_shared>>) target(%arg8 : memref<128x128xf32, #tpu.memory_space<vmem>>) target_semaphore(%run_scoped3A : memref<!tpu.dma_semaphore, #tpu.memory_space<semaphore_mem>>)
      %dma_wait3A = arith.constant 0 : i32
      %dma_wait3A_117 = tpu.memref_slice %arg10[%add3A_95, %dma_wait3A] : memref<10240x128xf32, #tpu.memory_space<vmem_shared>> -> memref<128x128xf32, #tpu.memory_space<vmem_shared>>
      %dma_wait3A_118 = arith.constant 0 : i32
      %dma_wait3A_119 = tpu.memref_slice %arg10[%add3A_95, %dma_wait3A_118] : memref<10240x128xf32, #tpu.memory_space<vmem_shared>> -> memref<128x128xf32, #tpu.memory_space<vmem_shared>>
      tpu.wait_dma2 semaphore(%run_scoped3A : memref<!tpu.dma_semaphore, #tpu.memory_space<semaphore_mem>>) src(%dma_wait3A_119 : memref<128x128xf32, #tpu.memory_space<vmem_shared>>) dst(%arg8 : memref<128x128xf32, #tpu.memory_space<vmem>>)
      tpu.yield
    }) : () -> ()
    %mul3A_96 = arith.constant 10240 : i32
    %mul3A_97 = arith.muli %arg0, %mul3A_96 : i32
    %add3A_98 = arith.addi %mul3A_97, %add3A_95 : i32
    "tpu.region"() ({
      %run_scoped3A = tpu.sem_alloc : memref<!tpu.dma_semaphore, #tpu.memory_space<semaphore_mem>>
      %dma_start3A_113 = arith.constant 0 : i32
      %dma_start3A_114 = tpu.memref_slice %arg5[%add3A_98, %dma_start3A_113] : memref<20480x128xf32, #tpu.memory_space<hbm>> -> memref<128x128xf32, #tpu.memory_space<hbm>>
      %dma_start3A_115 = arith.constant 0 : i32
      %dma_start3A_116 = tpu.memref_slice %arg5[%add3A_98, %dma_start3A_115] : memref<20480x128xf32, #tpu.memory_space<hbm>> -> memref<128x128xf32, #tpu.memory_space<hbm>>
      tpu.enqueue_dma source(%arg8 : memref<128x128xf32, #tpu.memory_space<vmem>>) target(%dma_start3A_116 : memref<128x128xf32, #tpu.memory_space<hbm>>) target_semaphore(%run_scoped3A : memref<!tpu.dma_semaphore, #tpu.memory_space<semaphore_mem>>)
      %dma_wait3A = arith.constant 0 : i32
      %dma_wait3A_117 = tpu.memref_slice %arg5[%add3A_98, %dma_wait3A] : memref<20480x128xf32, #tpu.memory_space<hbm>> -> memref<128x128xf32, #tpu.memory_space<hbm>>
      %dma_wait3A_118 = arith.constant 0 : i32
      %dma_wait3A_119 = tpu.memref_slice %arg5[%add3A_98, %dma_wait3A_118] : memref<20480x128xf32, #tpu.memory_space<hbm>> -> memref<128x128xf32, #tpu.memory_space<hbm>>
      tpu.wait_dma2 semaphore(%run_scoped3A : memref<!tpu.dma_semaphore, #tpu.memory_space<semaphore_mem>>) src(%arg8 : memref<128x128xf32, #tpu.memory_space<vmem>>) dst(%dma_wait3A_119 : memref<128x128xf32, #tpu.memory_space<hbm>>)
      tpu.yield
    }) : () -> ()
    %mul3A_99 = arith.constant 640 : i32
    %mul3A_100 = arith.muli %arg1, %mul3A_99 : i32
    %add3A_101 = arith.constant 384 : i32
    %add3A_102 = arith.addi %mul3A_100, %add3A_101 : i32
    "tpu.region"() ({
      %run_scoped3A = tpu.sem_alloc : memref<!tpu.dma_semaphore, #tpu.memory_space<semaphore_mem>>
      %dma_start3A_113 = arith.constant 0 : i32
      %dma_start3A_114 = tpu.memref_slice %arg10[%add3A_102, %dma_start3A_113] : memref<10240x128xf32, #tpu.memory_space<vmem_shared>> -> memref<128x128xf32, #tpu.memory_space<vmem_shared>>
      %dma_start3A_115 = arith.constant 0 : i32
      %dma_start3A_116 = tpu.memref_slice %arg10[%add3A_102, %dma_start3A_115] : memref<10240x128xf32, #tpu.memory_space<vmem_shared>> -> memref<128x128xf32, #tpu.memory_space<vmem_shared>>
      tpu.enqueue_dma source(%dma_start3A_116 : memref<128x128xf32, #tpu.memory_space<vmem_shared>>) target(%arg8 : memref<128x128xf32, #tpu.memory_space<vmem>>) target_semaphore(%run_scoped3A : memref<!tpu.dma_semaphore, #tpu.memory_space<semaphore_mem>>)
      %dma_wait3A = arith.constant 0 : i32
      %dma_wait3A_117 = tpu.memref_slice %arg10[%add3A_102, %dma_wait3A] : memref<10240x128xf32, #tpu.memory_space<vmem_shared>> -> memref<128x128xf32, #tpu.memory_space<vmem_shared>>
      %dma_wait3A_118 = arith.constant 0 : i32
      %dma_wait3A_119 = tpu.memref_slice %arg10[%add3A_102, %dma_wait3A_118] : memref<10240x128xf32, #tpu.memory_space<vmem_shared>> -> memref<128x128xf32, #tpu.memory_space<vmem_shared>>
      tpu.wait_dma2 semaphore(%run_scoped3A : memref<!tpu.dma_semaphore, #tpu.memory_space<semaphore_mem>>) src(%dma_wait3A_119 : memref<128x128xf32, #tpu.memory_space<vmem_shared>>) dst(%arg8 : memref<128x128xf32, #tpu.memory_space<vmem>>)
      tpu.yield
    }) : () -> ()
    %mul3A_103 = arith.constant 10240 : i32
    %mul3A_104 = arith.muli %arg0, %mul3A_103 : i32
    %add3A_105 = arith.addi %mul3A_104, %add3A_102 : i32
    "tpu.region"() ({
      %run_scoped3A = tpu.sem_alloc : memref<!tpu.dma_semaphore, #tpu.memory_space<semaphore_mem>>
      %dma_start3A_113 = arith.constant 0 : i32
      %dma_start3A_114 = tpu.memref_slice %arg5[%add3A_105, %dma_start3A_113] : memref<20480x128xf32, #tpu.memory_space<hbm>> -> memref<128x128xf32, #tpu.memory_space<hbm>>
      %dma_start3A_115 = arith.constant 0 : i32
      %dma_start3A_116 = tpu.memref_slice %arg5[%add3A_105, %dma_start3A_115] : memref<20480x128xf32, #tpu.memory_space<hbm>> -> memref<128x128xf32, #tpu.memory_space<hbm>>
      tpu.enqueue_dma source(%arg8 : memref<128x128xf32, #tpu.memory_space<vmem>>) target(%dma_start3A_116 : memref<128x128xf32, #tpu.memory_space<hbm>>) target_semaphore(%run_scoped3A : memref<!tpu.dma_semaphore, #tpu.memory_space<semaphore_mem>>)
      %dma_wait3A = arith.constant 0 : i32
      %dma_wait3A_117 = tpu.memref_slice %arg5[%add3A_105, %dma_wait3A] : memref<20480x128xf32, #tpu.memory_space<hbm>> -> memref<128x128xf32, #tpu.memory_space<hbm>>
      %dma_wait3A_118 = arith.constant 0 : i32
      %dma_wait3A_119 = tpu.memref_slice %arg5[%add3A_105, %dma_wait3A_118] : memref<20480x128xf32, #tpu.memory_space<hbm>> -> memref<128x128xf32, #tpu.memory_space<hbm>>
      tpu.wait_dma2 semaphore(%run_scoped3A : memref<!tpu.dma_semaphore, #tpu.memory_space<semaphore_mem>>) src(%arg8 : memref<128x128xf32, #tpu.memory_space<vmem>>) dst(%dma_wait3A_119 : memref<128x128xf32, #tpu.memory_space<hbm>>)
      tpu.yield
    }) : () -> ()
    %mul3A_106 = arith.constant 640 : i32
    %mul3A_107 = arith.muli %arg1, %mul3A_106 : i32
    %add3A_108 = arith.constant 512 : i32
    %add3A_109 = arith.addi %mul3A_107, %add3A_108 : i32
    "tpu.region"() ({
      %run_scoped3A = tpu.sem_alloc : memref<!tpu.dma_semaphore, #tpu.memory_space<semaphore_mem>>
      %dma_start3A_113 = arith.constant 0 : i32
      %dma_start3A_114 = tpu.memref_slice %arg10[%add3A_109, %dma_start3A_113] : memref<10240x128xf32, #tpu.memory_space<vmem_shared>> -> memref<128x128xf32, #tpu.memory_space<vmem_shared>>
      %dma_start3A_115 = arith.constant 0 : i32
      %dma_start3A_116 = tpu.memref_slice %arg10[%add3A_109, %dma_start3A_115] : memref<10240x128xf32, #tpu.memory_space<vmem_shared>> -> memref<128x128xf32, #tpu.memory_space<vmem_shared>>
      tpu.enqueue_dma source(%dma_start3A_116 : memref<128x128xf32, #tpu.memory_space<vmem_shared>>) target(%arg8 : memref<128x128xf32, #tpu.memory_space<vmem>>) target_semaphore(%run_scoped3A : memref<!tpu.dma_semaphore, #tpu.memory_space<semaphore_mem>>)
      %dma_wait3A = arith.constant 0 : i32
      %dma_wait3A_117 = tpu.memref_slice %arg10[%add3A_109, %dma_wait3A] : memref<10240x128xf32, #tpu.memory_space<vmem_shared>> -> memref<128x128xf32, #tpu.memory_space<vmem_shared>>
      %dma_wait3A_118 = arith.constant 0 : i32
      %dma_wait3A_119 = tpu.memref_slice %arg10[%add3A_109, %dma_wait3A_118] : memref<10240x128xf32, #tpu.memory_space<vmem_shared>> -> memref<128x128xf32, #tpu.memory_space<vmem_shared>>
      tpu.wait_dma2 semaphore(%run_scoped3A : memref<!tpu.dma_semaphore, #tpu.memory_space<semaphore_mem>>) src(%dma_wait3A_119 : memref<128x128xf32, #tpu.memory_space<vmem_shared>>) dst(%arg8 : memref<128x128xf32, #tpu.memory_space<vmem>>)
      tpu.yield
    }) : () -> ()
    %mul3A_110 = arith.constant 10240 : i32
    %mul3A_111 = arith.muli %arg0, %mul3A_110 : i32
    %add3A_112 = arith.addi %mul3A_111, %add3A_109 : i32
    "tpu.region"() ({
      %run_scoped3A = tpu.sem_alloc : memref<!tpu.dma_semaphore, #tpu.memory_space<semaphore_mem>>
      %dma_start3A_113 = arith.constant 0 : i32
      %dma_start3A_114 = tpu.memref_slice %arg5[%add3A_112, %dma_start3A_113] : memref<20480x128xf32, #tpu.memory_space<hbm>> -> memref<128x128xf32, #tpu.memory_space<hbm>>
      %dma_start3A_115 = arith.constant 0 : i32
      %dma_start3A_116 = tpu.memref_slice %arg5[%add3A_112, %dma_start3A_115] : memref<20480x128xf32, #tpu.memory_space<hbm>> -> memref<128x128xf32, #tpu.memory_space<hbm>>
      tpu.enqueue_dma source(%arg8 : memref<128x128xf32, #tpu.memory_space<vmem>>) target(%dma_start3A_116 : memref<128x128xf32, #tpu.memory_space<hbm>>) target_semaphore(%run_scoped3A : memref<!tpu.dma_semaphore, #tpu.memory_space<semaphore_mem>>)
      %dma_wait3A = arith.constant 0 : i32
      %dma_wait3A_117 = tpu.memref_slice %arg5[%add3A_112, %dma_wait3A] : memref<20480x128xf32, #tpu.memory_space<hbm>> -> memref<128x128xf32, #tpu.memory_space<hbm>>
      %dma_wait3A_118 = arith.constant 0 : i32
      %dma_wait3A_119 = tpu.memref_slice %arg5[%add3A_112, %dma_wait3A_118] : memref<20480x128xf32, #tpu.memory_space<hbm>> -> memref<128x128xf32, #tpu.memory_space<hbm>>
      tpu.wait_dma2 semaphore(%run_scoped3A : memref<!tpu.dma_semaphore, #tpu.memory_space<semaphore_mem>>) src(%arg8 : memref<128x128xf32, #tpu.memory_space<vmem>>) dst(%dma_wait3A_119 : memref<128x128xf32, #tpu.memory_space<hbm>>)
      tpu.yield
    }) : () -> ()
    return
  }
}

#map = affine_map<(d0, d1) -> (0, 0)>
module attributes {stable_mosaic.version = 14 : i64} {
  func.func @agg(%arg0: i32, %arg1: i32, %arg2: memref<10000x128xf32, #tpu.memory_space<hbm>>, %arg3: memref<2560x128xi32, #tpu.memory_space<hbm>>, %arg4: memref<2560x128xi32, #tpu.memory_space<hbm>>, %arg5: memref<20480x128xf32, #tpu.memory_space<hbm>>, %arg6: memref<40x128xi32, #tpu.memory_space<vmem>>, %arg7: memref<40x128xi32, #tpu.memory_space<vmem>>, %arg8: memref<128x128xf32, #tpu.memory_space<vmem>>, %arg9: memref<128x128xf32, #tpu.memory_space<vmem>>, %arg10: memref<10240x128xf32, #tpu.memory_space<vmem_shared>>, %arg11: memref<!tpu.dma_semaphore, #tpu.memory_space<semaphore_mem>>, %arg12: memref<!tpu.dma_semaphore, #tpu.memory_space<semaphore_mem>>) attributes {dimension_semantics = [#tpu.dimension_semantics<core_parallel>, #tpu.dimension_semantics<subcore_parallel>], iteration_bounds = array<i64: 2, 16>, scalar_prefetch = 0 : i64, scratch_operands = 7 : i64, tpu.core_type = #tpu.core_type<sc_vector_subcore>, window_params = [{transform_indices = #map}, {transform_indices = #map}, {transform_indices = #map}, {transform_indices = #map}]} {
    %mul3A = arith.constant 16 : i32
    %mul3A_0 = arith.muli %arg0, %mul3A : i32
    %add3A = arith.addi %mul3A_0, %arg1 : i32
    %broadcast_in_dim3A = arith.constant 0.000000e+00 : f32
    %broadcast_in_dim3A_1 = vector.broadcast %broadcast_in_dim3A : f32 to vector<16xf32>
    %scan3A = arith.constant 0 : i32
    %scan3A_2 = arith.constant 0 : i32
    %scan3A_3 = arith.constant 128 : i32
    %scan3A_4 = arith.addi %scan3A_2, %scan3A_3 : i32
    %scan3A_5 = arith.constant 1 : i32
    %scan3A_6 = scf.for %scan3A_113 = %scan3A_2 to %scan3A_4 step %scan3A_5 iter_args(%scan3A_114 = %scan3A) -> (i32)  : i32 {
      %swap3A = arith.index_cast %scan3A_113 : i32 to index
      %swap3A_115 = arith.constant 0 : index
      %swap3A_116 = tpu.vector_load %arg8[%swap3A, %swap3A_115] {strides = array<i32>} : memref<128x128xf32, #tpu.memory_space<vmem>>, vector<1x16xf32>,
      %swap3A_117 = vector.shape_cast %swap3A_116 : vector<1x16xf32> to vector<16xf32>
      %swap3A_118 = vector.shape_cast %broadcast_in_dim3A_1 : vector<16xf32> to vector<1x16xf32>
      tpu.vector_store %arg8[%swap3A, %swap3A_115], %swap3A_118 {strides = array<i32>} : memref<128x128xf32, #tpu.memory_space<vmem>>, vector<1x16xf32>,
      %swap3A_119 = arith.index_cast %scan3A_113 : i32 to index
      %swap3A_120 = arith.constant 16 : index
      %swap3A_121 = tpu.vector_load %arg8[%swap3A_119, %swap3A_120] {strides = array<i32>} : memref<128x128xf32, #tpu.memory_space<vmem>>, vector<1x16xf32>,
      %swap3A_122 = vector.shape_cast %swap3A_121 : vector<1x16xf32> to vector<16xf32>
      %swap3A_123 = vector.shape_cast %broadcast_in_dim3A_1 : vector<16xf32> to vector<1x16xf32>
      tpu.vector_store %arg8[%swap3A_119, %swap3A_120], %swap3A_123 {strides = array<i32>} : memref<128x128xf32, #tpu.memory_space<vmem>>, vector<1x16xf32>,
      %swap3A_124 = arith.index_cast %scan3A_113 : i32 to index
      %swap3A_125 = arith.constant 32 : index
      %swap3A_126 = tpu.vector_load %arg8[%swap3A_124, %swap3A_125] {strides = array<i32>} : memref<128x128xf32, #tpu.memory_space<vmem>>, vector<1x16xf32>,
      %swap3A_127 = vector.shape_cast %swap3A_126 : vector<1x16xf32> to vector<16xf32>
      %swap3A_128 = vector.shape_cast %broadcast_in_dim3A_1 : vector<16xf32> to vector<1x16xf32>
      tpu.vector_store %arg8[%swap3A_124, %swap3A_125], %swap3A_128 {strides = array<i32>} : memref<128x128xf32, #tpu.memory_space<vmem>>, vector<1x16xf32>,
      %swap3A_129 = arith.index_cast %scan3A_113 : i32 to index
      %swap3A_130 = arith.constant 48 : index
      %swap3A_131 = tpu.vector_load %arg8[%swap3A_129, %swap3A_130] {strides = array<i32>} : memref<128x128xf32, #tpu.memory_space<vmem>>, vector<1x16xf32>,
      %swap3A_132 = vector.shape_cast %swap3A_131 : vector<1x16xf32> to vector<16xf32>
      %swap3A_133 = vector.shape_cast %broadcast_in_dim3A_1 : vector<16xf32> to vector<1x16xf32>
      tpu.vector_store %arg8[%swap3A_129, %swap3A_130], %swap3A_133 {strides = array<i32>} : memref<128x128xf32, #tpu.memory_space<vmem>>, vector<1x16xf32>,
      %swap3A_134 = arith.index_cast %scan3A_113 : i32 to index
      %swap3A_135 = arith.constant 64 : index
      %swap3A_136 = tpu.vector_load %arg8[%swap3A_134, %swap3A_135] {strides = array<i32>} : memref<128x128xf32, #tpu.memory_space<vmem>>, vector<1x16xf32>,
      %swap3A_137 = vector.shape_cast %swap3A_136 : vector<1x16xf32> to vector<16xf32>
      %swap3A_138 = vector.shape_cast %broadcast_in_dim3A_1 : vector<16xf32> to vector<1x16xf32>
      tpu.vector_store %arg8[%swap3A_134, %swap3A_135], %swap3A_138 {strides = array<i32>} : memref<128x128xf32, #tpu.memory_space<vmem>>, vector<1x16xf32>,
      %swap3A_139 = arith.index_cast %scan3A_113 : i32 to index
      %swap3A_140 = arith.constant 80 : index
      %swap3A_141 = tpu.vector_load %arg8[%swap3A_139, %swap3A_140] {strides = array<i32>} : memref<128x128xf32, #tpu.memory_space<vmem>>, vector<1x16xf32>,
      %swap3A_142 = vector.shape_cast %swap3A_141 : vector<1x16xf32> to vector<16xf32>
      %swap3A_143 = vector.shape_cast %broadcast_in_dim3A_1 : vector<16xf32> to vector<1x16xf32>
      tpu.vector_store %arg8[%swap3A_139, %swap3A_140], %swap3A_143 {strides = array<i32>} : memref<128x128xf32, #tpu.memory_space<vmem>>, vector<1x16xf32>,
      %swap3A_144 = arith.index_cast %scan3A_113 : i32 to index
      %swap3A_145 = arith.constant 96 : index
      %swap3A_146 = tpu.vector_load %arg8[%swap3A_144, %swap3A_145] {strides = array<i32>} : memref<128x128xf32, #tpu.memory_space<vmem>>, vector<1x16xf32>,
      %swap3A_147 = vector.shape_cast %swap3A_146 : vector<1x16xf32> to vector<16xf32>
      %swap3A_148 = vector.shape_cast %broadcast_in_dim3A_1 : vector<16xf32> to vector<1x16xf32>
      tpu.vector_store %arg8[%swap3A_144, %swap3A_145], %swap3A_148 {strides = array<i32>} : memref<128x128xf32, #tpu.memory_space<vmem>>, vector<1x16xf32>,
      %swap3A_149 = arith.index_cast %scan3A_113 : i32 to index
      %swap3A_150 = arith.constant 112 : index
      %swap3A_151 = tpu.vector_load %arg8[%swap3A_149, %swap3A_150] {strides = array<i32>} : memref<128x128xf32, #tpu.memory_space<vmem>>, vector<1x16xf32>,
      %swap3A_152 = vector.shape_cast %swap3A_151 : vector<1x16xf32> to vector<16xf32>
      %swap3A_153 = vector.shape_cast %broadcast_in_dim3A_1 : vector<16xf32> to vector<1x16xf32>
      tpu.vector_store %arg8[%swap3A_149, %swap3A_150], %swap3A_153 {strides = array<i32>} : memref<128x128xf32, #tpu.memory_space<vmem>>, vector<1x16xf32>,
      %scan3A_154 = arith.constant 0 : i32
      scf.yield %scan3A_154 : i32
    }
    %scan3A_7 = arith.constant 128 : i32
    %mul3A_8 = arith.constant 640 : i32
    %mul3A_9 = arith.muli %arg1, %mul3A_8 : i32
    %add3A_10 = arith.constant 0 : i32
    %add3A_11 = arith.addi %mul3A_9, %add3A_10 : i32
    "tpu.region"() ({
      %run_scoped3A = tpu.sem_alloc : memref<!tpu.dma_semaphore, #tpu.memory_space<semaphore_mem>>
      %dma_start3A_113 = arith.constant 0 : i32
      %dma_start3A_114 = tpu.memref_slice %arg10[%add3A_11, %dma_start3A_113] : memref<10240x128xf32, #tpu.memory_space<vmem_shared>> -> memref<128x128xf32, #tpu.memory_space<vmem_shared>>
      %dma_start3A_115 = arith.constant 0 : i32
      %dma_start3A_116 = tpu.memref_slice %arg10[%add3A_11, %dma_start3A_115] : memref<10240x128xf32, #tpu.memory_space<vmem_shared>> -> memref<128x128xf32, #tpu.memory_space<vmem_shared>>
      tpu.enqueue_dma source(%arg8 : memref<128x128xf32, #tpu.memory_space<vmem>>) target(%dma_start3A_116 : memref<128x128xf32, #tpu.memory_space<vmem_shared>>) target_semaphore(%run_scoped3A : memref<!tpu.dma_semaphore, #tpu.memory_space<semaphore_mem>>)
      %dma_wait3A = arith.constant 0 : i32
      %dma_wait3A_117 = tpu.memref_slice %arg10[%add3A_11, %dma_wait3A] : memref<10240x128xf32, #tpu.memory_space<vmem_shared>> -> memref<128x128xf32, #tpu.memory_space<vmem_shared>>
      %dma_wait3A_118 = arith.constant 0 : i32
      %dma_wait3A_119 = tpu.memref_slice %arg10[%add3A_11, %dma_wait3A_118] : memref<10240x128xf32, #tpu.memory_space<vmem_shared>> -> memref<128x128xf32, #tpu.memory_space<vmem_shared>>
      tpu.wait_dma2 semaphore(%run_scoped3A : memref<!tpu.dma_semaphore, #tpu.memory_space<semaphore_mem>>) src(%arg8 : memref<128x128xf32, #tpu.memory_space<vmem>>) dst(%dma_wait3A_119 : memref<128x128xf32, #tpu.memory_space<vmem_shared>>)
      tpu.yield
    }) : () -> ()
    %mul3A_12 = arith.constant 640 : i32
    %mul3A_13 = arith.muli %arg1, %mul3A_12 : i32
    %add3A_14 = arith.constant 128 : i32
    %add3A_15 = arith.addi %mul3A_13, %add3A_14 : i32
    "tpu.region"() ({
      %run_scoped3A = tpu.sem_alloc : memref<!tpu.dma_semaphore, #tpu.memory_space<semaphore_mem>>
      %dma_start3A_113 = arith.constant 0 : i32
      %dma_start3A_114 = tpu.memref_slice %arg10[%add3A_15, %dma_start3A_113] : memref<10240x128xf32, #tpu.memory_space<vmem_shared>> -> memref<128x128xf32, #tpu.memory_space<vmem_shared>>
      %dma_start3A_115 = arith.constant 0 : i32
      %dma_start3A_116 = tpu.memref_slice %arg10[%add3A_15, %dma_start3A_115] : memref<10240x128xf32, #tpu.memory_space<vmem_shared>> -> memref<128x128xf32, #tpu.memory_space<vmem_shared>>
      tpu.enqueue_dma source(%arg8 : memref<128x128xf32, #tpu.memory_space<vmem>>) target(%dma_start3A_116 : memref<128x128xf32, #tpu.memory_space<vmem_shared>>) target_semaphore(%run_scoped3A : memref<!tpu.dma_semaphore, #tpu.memory_space<semaphore_mem>>)
      %dma_wait3A = arith.constant 0 : i32
      %dma_wait3A_117 = tpu.memref_slice %arg10[%add3A_15, %dma_wait3A] : memref<10240x128xf32, #tpu.memory_space<vmem_shared>> -> memref<128x128xf32, #tpu.memory_space<vmem_shared>>
      %dma_wait3A_118 = arith.constant 0 : i32
      %dma_wait3A_119 = tpu.memref_slice %arg10[%add3A_15, %dma_wait3A_118] : memref<10240x128xf32, #tpu.memory_space<vmem_shared>> -> memref<128x128xf32, #tpu.memory_space<vmem_shared>>
      tpu.wait_dma2 semaphore(%run_scoped3A : memref<!tpu.dma_semaphore, #tpu.memory_space<semaphore_mem>>) src(%arg8 : memref<128x128xf32, #tpu.memory_space<vmem>>) dst(%dma_wait3A_119 : memref<128x128xf32, #tpu.memory_space<vmem_shared>>)
      tpu.yield
    }) : () -> ()
    %mul3A_16 = arith.constant 640 : i32
    %mul3A_17 = arith.muli %arg1, %mul3A_16 : i32
    %add3A_18 = arith.constant 256 : i32
    %add3A_19 = arith.addi %mul3A_17, %add3A_18 : i32
    "tpu.region"() ({
      %run_scoped3A = tpu.sem_alloc : memref<!tpu.dma_semaphore, #tpu.memory_space<semaphore_mem>>
      %dma_start3A_113 = arith.constant 0 : i32
      %dma_start3A_114 = tpu.memref_slice %arg10[%add3A_19, %dma_start3A_113] : memref<10240x128xf32, #tpu.memory_space<vmem_shared>> -> memref<128x128xf32, #tpu.memory_space<vmem_shared>>
      %dma_start3A_115 = arith.constant 0 : i32
      %dma_start3A_116 = tpu.memref_slice %arg10[%add3A_19, %dma_start3A_115] : memref<10240x128xf32, #tpu.memory_space<vmem_shared>> -> memref<128x128xf32, #tpu.memory_space<vmem_shared>>
      tpu.enqueue_dma source(%arg8 : memref<128x128xf32, #tpu.memory_space<vmem>>) target(%dma_start3A_116 : memref<128x128xf32, #tpu.memory_space<vmem_shared>>) target_semaphore(%run_scoped3A : memref<!tpu.dma_semaphore, #tpu.memory_space<semaphore_mem>>)
      %dma_wait3A = arith.constant 0 : i32
      %dma_wait3A_117 = tpu.memref_slice %arg10[%add3A_19, %dma_wait3A] : memref<10240x128xf32, #tpu.memory_space<vmem_shared>> -> memref<128x128xf32, #tpu.memory_space<vmem_shared>>
      %dma_wait3A_118 = arith.constant 0 : i32
      %dma_wait3A_119 = tpu.memref_slice %arg10[%add3A_19, %dma_wait3A_118] : memref<10240x128xf32, #tpu.memory_space<vmem_shared>> -> memref<128x128xf32, #tpu.memory_space<vmem_shared>>
      tpu.wait_dma2 semaphore(%run_scoped3A : memref<!tpu.dma_semaphore, #tpu.memory_space<semaphore_mem>>) src(%arg8 : memref<128x128xf32, #tpu.memory_space<vmem>>) dst(%dma_wait3A_119 : memref<128x128xf32, #tpu.memory_space<vmem_shared>>)
      tpu.yield
    }) : () -> ()
    %mul3A_20 = arith.constant 640 : i32
    %mul3A_21 = arith.muli %arg1, %mul3A_20 : i32
    %add3A_22 = arith.constant 384 : i32
    %add3A_23 = arith.addi %mul3A_21, %add3A_22 : i32
    "tpu.region"() ({
      %run_scoped3A = tpu.sem_alloc : memref<!tpu.dma_semaphore, #tpu.memory_space<semaphore_mem>>
      %dma_start3A_113 = arith.constant 0 : i32
      %dma_start3A_114 = tpu.memref_slice %arg10[%add3A_23, %dma_start3A_113] : memref<10240x128xf32, #tpu.memory_space<vmem_shared>> -> memref<128x128xf32, #tpu.memory_space<vmem_shared>>
      %dma_start3A_115 = arith.constant 0 : i32
      %dma_start3A_116 = tpu.memref_slice %arg10[%add3A_23, %dma_start3A_115] : memref<10240x128xf32, #tpu.memory_space<vmem_shared>> -> memref<128x128xf32, #tpu.memory_space<vmem_shared>>
      tpu.enqueue_dma source(%arg8 : memref<128x128xf32, #tpu.memory_space<vmem>>) target(%dma_start3A_116 : memref<128x128xf32, #tpu.memory_space<vmem_shared>>) target_semaphore(%run_scoped3A : memref<!tpu.dma_semaphore, #tpu.memory_space<semaphore_mem>>)
      %dma_wait3A = arith.constant 0 : i32
      %dma_wait3A_117 = tpu.memref_slice %arg10[%add3A_23, %dma_wait3A] : memref<10240x128xf32, #tpu.memory_space<vmem_shared>> -> memref<128x128xf32, #tpu.memory_space<vmem_shared>>
      %dma_wait3A_118 = arith.constant 0 : i32
      %dma_wait3A_119 = tpu.memref_slice %arg10[%add3A_23, %dma_wait3A_118] : memref<10240x128xf32, #tpu.memory_space<vmem_shared>> -> memref<128x128xf32, #tpu.memory_space<vmem_shared>>
      tpu.wait_dma2 semaphore(%run_scoped3A : memref<!tpu.dma_semaphore, #tpu.memory_space<semaphore_mem>>) src(%arg8 : memref<128x128xf32, #tpu.memory_space<vmem>>) dst(%dma_wait3A_119 : memref<128x128xf32, #tpu.memory_space<vmem_shared>>)
      tpu.yield
    }) : () -> ()
    %mul3A_24 = arith.constant 640 : i32
    %mul3A_25 = arith.muli %arg1, %mul3A_24 : i32
    %add3A_26 = arith.constant 512 : i32
    %add3A_27 = arith.addi %mul3A_25, %add3A_26 : i32
    "tpu.region"() ({
      %run_scoped3A = tpu.sem_alloc : memref<!tpu.dma_semaphore, #tpu.memory_space<semaphore_mem>>
      %dma_start3A_113 = arith.constant 0 : i32
      %dma_start3A_114 = tpu.memref_slice %arg10[%add3A_27, %dma_start3A_113] : memref<10240x128xf32, #tpu.memory_space<vmem_shared>> -> memref<128x128xf32, #tpu.memory_space<vmem_shared>>
      %dma_start3A_115 = arith.constant 0 : i32
      %dma_start3A_116 = tpu.memref_slice %arg10[%add3A_27, %dma_start3A_115] : memref<10240x128xf32, #tpu.memory_space<vmem_shared>> -> memref<128x128xf32, #tpu.memory_space<vmem_shared>>
      tpu.enqueue_dma source(%arg8 : memref<128x128xf32, #tpu.memory_space<vmem>>) target(%dma_start3A_116 : memref<128x128xf32, #tpu.memory_space<vmem_shared>>) target_semaphore(%run_scoped3A : memref<!tpu.dma_semaphore, #tpu.memory_space<semaphore_mem>>)
      %dma_wait3A = arith.constant 0 : i32
      %dma_wait3A_117 = tpu.memref_slice %arg10[%add3A_27, %dma_wait3A] : memref<10240x128xf32, #tpu.memory_space<vmem_shared>> -> memref<128x128xf32, #tpu.memory_space<vmem_shared>>
      %dma_wait3A_118 = arith.constant 0 : i32
      %dma_wait3A_119 = tpu.memref_slice %arg10[%add3A_27, %dma_wait3A_118] : memref<10240x128xf32, #tpu.memory_space<vmem_shared>> -> memref<128x128xf32, #tpu.memory_space<vmem_shared>>
      tpu.wait_dma2 semaphore(%run_scoped3A : memref<!tpu.dma_semaphore, #tpu.memory_space<semaphore_mem>>) src(%arg8 : memref<128x128xf32, #tpu.memory_space<vmem>>) dst(%dma_wait3A_119 : memref<128x128xf32, #tpu.memory_space<vmem_shared>>)
      tpu.yield
    }) : () -> ()
    %barrier3A = arith.constant 0 : index
    tpu.barrier barrier_id(%barrier3A)
    %mul3A_28 = arith.constant 80 : i32
    %mul3A_29 = arith.muli %add3A, %mul3A_28 : i32
    %add3A_30 = arith.constant 0 : i32
    %add3A_31 = arith.addi %mul3A_29, %add3A_30 : i32
    "tpu.region"() ({
      %run_scoped3A = tpu.sem_alloc : memref<!tpu.dma_semaphore, #tpu.memory_space<semaphore_mem>>
      %dma_start3A_113 = arith.constant 0 : i32
      %dma_start3A_114 = tpu.memref_slice %arg3[%add3A_31, %dma_start3A_113] : memref<2560x128xi32, #tpu.memory_space<hbm>> -> memref<40x128xi32, #tpu.memory_space<hbm>>
      %dma_start3A_115 = arith.constant 0 : i32
      %dma_start3A_116 = tpu.memref_slice %arg3[%add3A_31, %dma_start3A_115] : memref<2560x128xi32, #tpu.memory_space<hbm>> -> memref<40x128xi32, #tpu.memory_space<hbm>>
      tpu.enqueue_dma source(%dma_start3A_116 : memref<40x128xi32, #tpu.memory_space<hbm>>) target(%arg6 : memref<40x128xi32, #tpu.memory_space<vmem>>) target_semaphore(%run_scoped3A : memref<!tpu.dma_semaphore, #tpu.memory_space<semaphore_mem>>)
      %dma_wait3A = arith.constant 0 : i32
      %dma_wait3A_117 = tpu.memref_slice %arg3[%add3A_31, %dma_wait3A] : memref<2560x128xi32, #tpu.memory_space<hbm>> -> memref<40x128xi32, #tpu.memory_space<hbm>>
      %dma_wait3A_118 = arith.constant 0 : i32
      %dma_wait3A_119 = tpu.memref_slice %arg3[%add3A_31, %dma_wait3A_118] : memref<2560x128xi32, #tpu.memory_space<hbm>> -> memref<40x128xi32, #tpu.memory_space<hbm>>
      tpu.wait_dma2 semaphore(%run_scoped3A : memref<!tpu.dma_semaphore, #tpu.memory_space<semaphore_mem>>) src(%dma_wait3A_119 : memref<40x128xi32, #tpu.memory_space<hbm>>) dst(%arg6 : memref<40x128xi32, #tpu.memory_space<vmem>>)
      tpu.yield
    }) : () -> ()
    "tpu.region"() ({
      %run_scoped3A = tpu.sem_alloc : memref<!tpu.dma_semaphore, #tpu.memory_space<semaphore_mem>>
      %dma_start3A_113 = arith.constant 0 : i32
      %dma_start3A_114 = tpu.memref_slice %arg4[%add3A_31, %dma_start3A_113] : memref<2560x128xi32, #tpu.memory_space<hbm>> -> memref<40x128xi32, #tpu.memory_space<hbm>>
      %dma_start3A_115 = arith.constant 0 : i32
      %dma_start3A_116 = tpu.memref_slice %arg4[%add3A_31, %dma_start3A_115] : memref<2560x128xi32, #tpu.memory_space<hbm>> -> memref<40x128xi32, #tpu.memory_space<hbm>>
      tpu.enqueue_dma source(%dma_start3A_116 : memref<40x128xi32, #tpu.memory_space<hbm>>) target(%arg7 : memref<40x128xi32, #tpu.memory_space<vmem>>) target_semaphore(%run_scoped3A : memref<!tpu.dma_semaphore, #tpu.memory_space<semaphore_mem>>)
      %dma_wait3A = arith.constant 0 : i32
      %dma_wait3A_117 = tpu.memref_slice %arg4[%add3A_31, %dma_wait3A] : memref<2560x128xi32, #tpu.memory_space<hbm>> -> memref<40x128xi32, #tpu.memory_space<hbm>>
      %dma_wait3A_118 = arith.constant 0 : i32
      %dma_wait3A_119 = tpu.memref_slice %arg4[%add3A_31, %dma_wait3A_118] : memref<2560x128xi32, #tpu.memory_space<hbm>> -> memref<40x128xi32, #tpu.memory_space<hbm>>
      tpu.wait_dma2 semaphore(%run_scoped3A : memref<!tpu.dma_semaphore, #tpu.memory_space<semaphore_mem>>) src(%dma_wait3A_119 : memref<40x128xi32, #tpu.memory_space<hbm>>) dst(%arg7 : memref<40x128xi32, #tpu.memory_space<vmem>>)
      tpu.yield
    }) : () -> ()
    %dma_start3A = arith.constant 0 : i32
    %dma_start3A_32 = arith.constant 0 : i32
    %dma_start3A_33 = tpu.memref_slice %arg6[%dma_start3A, %dma_start3A_32] : memref<40x128xi32, #tpu.memory_space<vmem>> -> memref<1x128xi32, #tpu.memory_space<vmem>>
    %dma_start3A_34 = tpu.memref_squeeze %dma_start3A_33 : memref<1x128xi32, #tpu.memory_space<vmem>> -> memref<128xi32, #tpu.memory_space<vmem>>
    %dma_start3A_35 = arith.constant 0 : i32
    %dma_start3A_36 = arith.constant 0 : i32
    %dma_start3A_37 = tpu.memref_slice %arg2[%dma_start3A_35, %dma_start3A_36] : memref<10000x128xf32, #tpu.memory_space<hbm>> -> memref<10000x128xf32, #tpu.memory_space<hbm>>
    tpu.enqueue_indirect_dma source(%dma_start3A_37 : memref<10000x128xf32, #tpu.memory_space<hbm>>) target(%arg8 : memref<128x128xf32, #tpu.memory_space<vmem>>) offsets(%dma_start3A_34 : memref<128xi32, #tpu.memory_space<vmem>>) semaphore(%arg11 : memref<!tpu.dma_semaphore, #tpu.memory_space<semaphore_mem>>)
    %dma_start3A_38 = arith.constant 1 : i32
    %dma_start3A_39 = arith.constant 0 : i32
    %dma_start3A_40 = tpu.memref_slice %arg6[%dma_start3A_38, %dma_start3A_39] : memref<40x128xi32, #tpu.memory_space<vmem>> -> memref<1x128xi32, #tpu.memory_space<vmem>>
    %dma_start3A_41 = tpu.memref_squeeze %dma_start3A_40 : memref<1x128xi32, #tpu.memory_space<vmem>> -> memref<128xi32, #tpu.memory_space<vmem>>
    %dma_start3A_42 = arith.constant 0 : i32
    %dma_start3A_43 = arith.constant 0 : i32
    %dma_start3A_44 = tpu.memref_slice %arg2[%dma_start3A_42, %dma_start3A_43] : memref<10000x128xf32, #tpu.memory_space<hbm>> -> memref<10000x128xf32, #tpu.memory_space<hbm>>
    tpu.enqueue_indirect_dma source(%dma_start3A_44 : memref<10000x128xf32, #tpu.memory_space<hbm>>) target(%arg9 : memref<128x128xf32, #tpu.memory_space<vmem>>) offsets(%dma_start3A_41 : memref<128xi32, #tpu.memory_space<vmem>>) semaphore(%arg12 : memref<!tpu.dma_semaphore, #tpu.memory_space<semaphore_mem>>)
    %scan3A_45 = arith.constant 0 : i32
    %scan3A_46 = arith.constant 0 : i32
    %scan3A_47 = arith.constant 20 : i32
    %scan3A_48 = arith.addi %scan3A_46, %scan3A_47 : i32
    %scan3A_49 = arith.constant 1 : i32
    %scan3A_50 = scf.for %scan3A_113 = %scan3A_46 to %scan3A_48 step %scan3A_49 iter_args(%scan3A_114 = %scan3A_45) -> (i32)  : i32 {
      %mul3A_115 = arith.constant 2 : i32
      %mul3A_116 = arith.muli %scan3A_113, %mul3A_115 : i32
      %add3A_117 = arith.constant 0 : i32
      %add3A_118 = arith.addi %mul3A_116, %add3A_117 : i32
      %dma_wait3A = arith.constant 0 : i32
      %dma_wait3A_119 = arith.constant 0 : i32
      %dma_wait3A_120 = tpu.memref_slice %arg2[%dma_wait3A, %dma_wait3A_119] : memref<10000x128xf32, #tpu.memory_space<hbm>> -> memref<128x128xf32, #tpu.memory_space<hbm>>
      %dma_wait3A_121 = arith.constant 0 : i32
      %dma_wait3A_122 = arith.constant 0 : i32
      %dma_wait3A_123 = tpu.memref_slice %arg2[%dma_wait3A_121, %dma_wait3A_122] : memref<10000x128xf32, #tpu.memory_space<hbm>> -> memref<128x128xf32, #tpu.memory_space<hbm>>
      tpu.wait_dma2 semaphore(%arg11 : memref<!tpu.dma_semaphore, #tpu.memory_space<semaphore_mem>>) src(%dma_wait3A_123 : memref<128x128xf32, #tpu.memory_space<hbm>>) dst(%arg8 : memref<128x128xf32, #tpu.memory_space<vmem>>)
      "tpu.region"() ({
        %run_scoped3A = tpu.sem_alloc : memref<!tpu.dma_semaphore, #tpu.memory_space<semaphore_mem>>
        %dma_start3A_146 = arith.constant 0 : i32
        %dma_start3A_147 = tpu.memref_slice %arg7[%add3A_118, %dma_start3A_146] : memref<40x128xi32, #tpu.memory_space<vmem>> -> memref<1x128xi32, #tpu.memory_space<vmem>>
        %dma_start3A_148 = tpu.memref_squeeze %dma_start3A_147 : memref<1x128xi32, #tpu.memory_space<vmem>> -> memref<128xi32, #tpu.memory_space<vmem>>
        %dma_start3A_149 = arith.constant 0 : i32
        %dma_start3A_150 = arith.constant 0 : i32
        %dma_start3A_151 = tpu.memref_slice %arg10[%dma_start3A_149, %dma_start3A_150] : memref<10240x128xf32, #tpu.memory_space<vmem_shared>> -> memref<10240x128xf32, #tpu.memory_space<vmem_shared>>
        tpu.enqueue_indirect_dma source(%arg8 : memref<128x128xf32, #tpu.memory_space<vmem>>) target(%dma_start3A_151 : memref<10240x128xf32, #tpu.memory_space<vmem_shared>>) offsets(%dma_start3A_148 : memref<128xi32, #tpu.memory_space<vmem>>) semaphore(%run_scoped3A : memref<!tpu.dma_semaphore, #tpu.memory_space<semaphore_mem>>) {add = true}
        %dma_wait3A_152 = arith.constant 0 : i32
        %dma_wait3A_153 = tpu.memref_slice %arg7[%add3A_118, %dma_wait3A_152] : memref<40x128xi32, #tpu.memory_space<vmem>> -> memref<1x128xi32, #tpu.memory_space<vmem>>
        %dma_wait3A_154 = tpu.memref_squeeze %dma_wait3A_153 : memref<1x128xi32, #tpu.memory_space<vmem>> -> memref<128xi32, #tpu.memory_space<vmem>>
        %dma_wait3A_155 = arith.constant 0 : i32
        %dma_wait3A_156 = arith.constant 0 : i32
        %dma_wait3A_157 = tpu.memref_slice %arg10[%dma_wait3A_155, %dma_wait3A_156] : memref<10240x128xf32, #tpu.memory_space<vmem_shared>> -> memref<10240x128xf32, #tpu.memory_space<vmem_shared>>
        tpu.wait_indirect_dma semaphore(%run_scoped3A : memref<!tpu.dma_semaphore, #tpu.memory_space<semaphore_mem>>) src(%arg8 : memref<128x128xf32, #tpu.memory_space<vmem>>) dst(%dma_wait3A_157 : memref<10240x128xf32, #tpu.memory_space<vmem_shared>>)
        tpu.yield
      }) : () -> ()
      %add3A_124 = arith.constant 1 : i32
      %add3A_125 = arith.addi %scan3A_113, %add3A_124 : i32
      %lt3A = arith.constant 20 : i32
      %lt3A_126 = arith.cmpi slt, %add3A_125, %lt3A : i32
      %convert_element_type3A = arith.extui %lt3A_126 : i1 to i32
      %cond3A = arith.constant 0 : i32
      %cond3A_127 = arith.cmpi ne, %convert_element_type3A, %cond3A : i32
      scf.if %cond3A_127 {
        %add3A_146 = arith.constant 2 : i32
        %add3A_147 = arith.addi %add3A_118, %add3A_146 : i32
        %dma_start3A_148 = arith.constant 0 : i32
        %dma_start3A_149 = tpu.memref_slice %arg6[%add3A_147, %dma_start3A_148] : memref<40x128xi32, #tpu.memory_space<vmem>> -> memref<1x128xi32, #tpu.memory_space<vmem>>
        %dma_start3A_150 = tpu.memref_squeeze %dma_start3A_149 : memref<1x128xi32, #tpu.memory_space<vmem>> -> memref<128xi32, #tpu.memory_space<vmem>>
        %dma_start3A_151 = arith.constant 0 : i32
        %dma_start3A_152 = arith.constant 0 : i32
        %dma_start3A_153 = tpu.memref_slice %arg2[%dma_start3A_151, %dma_start3A_152] : memref<10000x128xf32, #tpu.memory_space<hbm>> -> memref<10000x128xf32, #tpu.memory_space<hbm>>
        tpu.enqueue_indirect_dma source(%dma_start3A_153 : memref<10000x128xf32, #tpu.memory_space<hbm>>) target(%arg8 : memref<128x128xf32, #tpu.memory_space<vmem>>) offsets(%dma_start3A_150 : memref<128xi32, #tpu.memory_space<vmem>>) semaphore(%arg11 : memref<!tpu.dma_semaphore, #tpu.memory_space<semaphore_mem>>)
      } else {
      }
      %mul3A_128 = arith.constant 2 : i32
      %mul3A_129 = arith.muli %scan3A_113, %mul3A_128 : i32
      %add3A_130 = arith.constant 1 : i32
      %add3A_131 = arith.addi %mul3A_129, %add3A_130 : i32
      %dma_wait3A_132 = arith.constant 0 : i32
      %dma_wait3A_133 = arith.constant 0 : i32
      %dma_wait3A_134 = tpu.memref_slice %arg2[%dma_wait3A_132, %dma_wait3A_133] : memref<10000x128xf32, #tpu.memory_space<hbm>> -> memref<128x128xf32, #tpu.memory_space<hbm>>
      %dma_wait3A_135 = arith.constant 0 : i32
      %dma_wait3A_136 = arith.constant 0 : i32
      %dma_wait3A_137 = tpu.memref_slice %arg2[%dma_wait3A_135, %dma_wait3A_136] : memref<10000x128xf32, #tpu.memory_space<hbm>> -> memref<128x128xf32, #tpu.memory_space<hbm>>
      tpu.wait_dma2 semaphore(%arg12 : memref<!tpu.dma_semaphore, #tpu.memory_space<semaphore_mem>>) src(%dma_wait3A_137 : memref<128x128xf32, #tpu.memory_space<hbm>>) dst(%arg9 : memref<128x128xf32, #tpu.memory_space<vmem>>)
      "tpu.region"() ({
        %run_scoped3A = tpu.sem_alloc : memref<!tpu.dma_semaphore, #tpu.memory_space<semaphore_mem>>
        %dma_start3A_146 = arith.constant 0 : i32
        %dma_start3A_147 = tpu.memref_slice %arg7[%add3A_131, %dma_start3A_146] : memref<40x128xi32, #tpu.memory_space<vmem>> -> memref<1x128xi32, #tpu.memory_space<vmem>>
        %dma_start3A_148 = tpu.memref_squeeze %dma_start3A_147 : memref<1x128xi32, #tpu.memory_space<vmem>> -> memref<128xi32, #tpu.memory_space<vmem>>
        %dma_start3A_149 = arith.constant 0 : i32
        %dma_start3A_150 = arith.constant 0 : i32
        %dma_start3A_151 = tpu.memref_slice %arg10[%dma_start3A_149, %dma_start3A_150] : memref<10240x128xf32, #tpu.memory_space<vmem_shared>> -> memref<10240x128xf32, #tpu.memory_space<vmem_shared>>
        tpu.enqueue_indirect_dma source(%arg9 : memref<128x128xf32, #tpu.memory_space<vmem>>) target(%dma_start3A_151 : memref<10240x128xf32, #tpu.memory_space<vmem_shared>>) offsets(%dma_start3A_148 : memref<128xi32, #tpu.memory_space<vmem>>) semaphore(%run_scoped3A : memref<!tpu.dma_semaphore, #tpu.memory_space<semaphore_mem>>) {add = true}
        %dma_wait3A_152 = arith.constant 0 : i32
        %dma_wait3A_153 = tpu.memref_slice %arg7[%add3A_131, %dma_wait3A_152] : memref<40x128xi32, #tpu.memory_space<vmem>> -> memref<1x128xi32, #tpu.memory_space<vmem>>
        %dma_wait3A_154 = tpu.memref_squeeze %dma_wait3A_153 : memref<1x128xi32, #tpu.memory_space<vmem>> -> memref<128xi32, #tpu.memory_space<vmem>>
        %dma_wait3A_155 = arith.constant 0 : i32
        %dma_wait3A_156 = arith.constant 0 : i32
        %dma_wait3A_157 = tpu.memref_slice %arg10[%dma_wait3A_155, %dma_wait3A_156] : memref<10240x128xf32, #tpu.memory_space<vmem_shared>> -> memref<10240x128xf32, #tpu.memory_space<vmem_shared>>
        tpu.wait_indirect_dma semaphore(%run_scoped3A : memref<!tpu.dma_semaphore, #tpu.memory_space<semaphore_mem>>) src(%arg9 : memref<128x128xf32, #tpu.memory_space<vmem>>) dst(%dma_wait3A_157 : memref<10240x128xf32, #tpu.memory_space<vmem_shared>>)
        tpu.yield
      }) : () -> ()
      %add3A_138 = arith.constant 1 : i32
      %add3A_139 = arith.addi %scan3A_113, %add3A_138 : i32
      %lt3A_140 = arith.constant 20 : i32
      %lt3A_141 = arith.cmpi slt, %add3A_139, %lt3A_140 : i32
      %convert_element_type3A_142 = arith.extui %lt3A_141 : i1 to i32
      %cond3A_143 = arith.constant 0 : i32
      %cond3A_144 = arith.cmpi ne, %convert_element_type3A_142, %cond3A_143 : i32
      scf.if %cond3A_144 {
        %add3A_146 = arith.constant 2 : i32
        %add3A_147 = arith.addi %add3A_131, %add3A_146 : i32
        %dma_start3A_148 = arith.constant 0 : i32
        %dma_start3A_149 = tpu.memref_slice %arg6[%add3A_147, %dma_start3A_148] : memref<40x128xi32, #tpu.memory_space<vmem>> -> memref<1x128xi32, #tpu.memory_space<vmem>>
        %dma_start3A_150 = tpu.memref_squeeze %dma_start3A_149 : memref<1x128xi32, #tpu.memory_space<vmem>> -> memref<128xi32, #tpu.memory_space<vmem>>
        %dma_start3A_151 = arith.constant 0 : i32
        %dma_start3A_152 = arith.constant 0 : i32
        %dma_start3A_153 = tpu.memref_slice %arg2[%dma_start3A_151, %dma_start3A_152] : memref<10000x128xf32, #tpu.memory_space<hbm>> -> memref<10000x128xf32, #tpu.memory_space<hbm>>
        tpu.enqueue_indirect_dma source(%dma_start3A_153 : memref<10000x128xf32, #tpu.memory_space<hbm>>) target(%arg9 : memref<128x128xf32, #tpu.memory_space<vmem>>) offsets(%dma_start3A_150 : memref<128xi32, #tpu.memory_space<vmem>>) semaphore(%arg12 : memref<!tpu.dma_semaphore, #tpu.memory_space<semaphore_mem>>)
      } else {
      }
      %scan3A_145 = arith.constant 0 : i32
      scf.yield %scan3A_145 : i32
    }
    %scan3A_51 = arith.constant 20 : i32
    %mul3A_52 = arith.constant 80 : i32
    %mul3A_53 = arith.muli %add3A, %mul3A_52 : i32
    %add3A_54 = arith.constant 40 : i32
    %add3A_55 = arith.addi %mul3A_53, %add3A_54 : i32
    "tpu.region"() ({
      %run_scoped3A = tpu.sem_alloc : memref<!tpu.dma_semaphore, #tpu.memory_space<semaphore_mem>>
      %dma_start3A_113 = arith.constant 0 : i32
      %dma_start3A_114 = tpu.memref_slice %arg3[%add3A_55, %dma_start3A_113] : memref<2560x128xi32, #tpu.memory_space<hbm>> -> memref<40x128xi32, #tpu.memory_space<hbm>>
      %dma_start3A_115 = arith.constant 0 : i32
      %dma_start3A_116 = tpu.memref_slice %arg3[%add3A_55, %dma_start3A_115] : memref<2560x128xi32, #tpu.memory_space<hbm>> -> memref<40x128xi32, #tpu.memory_space<hbm>>
      tpu.enqueue_dma source(%dma_start3A_116 : memref<40x128xi32, #tpu.memory_space<hbm>>) target(%arg6 : memref<40x128xi32, #tpu.memory_space<vmem>>) target_semaphore(%run_scoped3A : memref<!tpu.dma_semaphore, #tpu.memory_space<semaphore_mem>>)
      %dma_wait3A = arith.constant 0 : i32
      %dma_wait3A_117 = tpu.memref_slice %arg3[%add3A_55, %dma_wait3A] : memref<2560x128xi32, #tpu.memory_space<hbm>> -> memref<40x128xi32, #tpu.memory_space<hbm>>
      %dma_wait3A_118 = arith.constant 0 : i32
      %dma_wait3A_119 = tpu.memref_slice %arg3[%add3A_55, %dma_wait3A_118] : memref<2560x128xi32, #tpu.memory_space<hbm>> -> memref<40x128xi32, #tpu.memory_space<hbm>>
      tpu.wait_dma2 semaphore(%run_scoped3A : memref<!tpu.dma_semaphore, #tpu.memory_space<semaphore_mem>>) src(%dma_wait3A_119 : memref<40x128xi32, #tpu.memory_space<hbm>>) dst(%arg6 : memref<40x128xi32, #tpu.memory_space<vmem>>)
      tpu.yield
    }) : () -> ()
    "tpu.region"() ({
      %run_scoped3A = tpu.sem_alloc : memref<!tpu.dma_semaphore, #tpu.memory_space<semaphore_mem>>
      %dma_start3A_113 = arith.constant 0 : i32
      %dma_start3A_114 = tpu.memref_slice %arg4[%add3A_55, %dma_start3A_113] : memref<2560x128xi32, #tpu.memory_space<hbm>> -> memref<40x128xi32, #tpu.memory_space<hbm>>
      %dma_start3A_115 = arith.constant 0 : i32
      %dma_start3A_116 = tpu.memref_slice %arg4[%add3A_55, %dma_start3A_115] : memref<2560x128xi32, #tpu.memory_space<hbm>> -> memref<40x128xi32, #tpu.memory_space<hbm>>
      tpu.enqueue_dma source(%dma_start3A_116 : memref<40x128xi32, #tpu.memory_space<hbm>>) target(%arg7 : memref<40x128xi32, #tpu.memory_space<vmem>>) target_semaphore(%run_scoped3A : memref<!tpu.dma_semaphore, #tpu.memory_space<semaphore_mem>>)
      %dma_wait3A = arith.constant 0 : i32
      %dma_wait3A_117 = tpu.memref_slice %arg4[%add3A_55, %dma_wait3A] : memref<2560x128xi32, #tpu.memory_space<hbm>> -> memref<40x128xi32, #tpu.memory_space<hbm>>
      %dma_wait3A_118 = arith.constant 0 : i32
      %dma_wait3A_119 = tpu.memref_slice %arg4[%add3A_55, %dma_wait3A_118] : memref<2560x128xi32, #tpu.memory_space<hbm>> -> memref<40x128xi32, #tpu.memory_space<hbm>>
      tpu.wait_dma2 semaphore(%run_scoped3A : memref<!tpu.dma_semaphore, #tpu.memory_space<semaphore_mem>>) src(%dma_wait3A_119 : memref<40x128xi32, #tpu.memory_space<hbm>>) dst(%arg7 : memref<40x128xi32, #tpu.memory_space<vmem>>)
      tpu.yield
    }) : () -> ()
    %dma_start3A_56 = arith.constant 0 : i32
    %dma_start3A_57 = arith.constant 0 : i32
    %dma_start3A_58 = tpu.memref_slice %arg6[%dma_start3A_56, %dma_start3A_57] : memref<40x128xi32, #tpu.memory_space<vmem>> -> memref<1x128xi32, #tpu.memory_space<vmem>>
    %dma_start3A_59 = tpu.memref_squeeze %dma_start3A_58 : memref<1x128xi32, #tpu.memory_space<vmem>> -> memref<128xi32, #tpu.memory_space<vmem>>
    %dma_start3A_60 = arith.constant 0 : i32
    %dma_start3A_61 = arith.constant 0 : i32
    %dma_start3A_62 = tpu.memref_slice %arg2[%dma_start3A_60, %dma_start3A_61] : memref<10000x128xf32, #tpu.memory_space<hbm>> -> memref<10000x128xf32, #tpu.memory_space<hbm>>
    tpu.enqueue_indirect_dma source(%dma_start3A_62 : memref<10000x128xf32, #tpu.memory_space<hbm>>) target(%arg8 : memref<128x128xf32, #tpu.memory_space<vmem>>) offsets(%dma_start3A_59 : memref<128xi32, #tpu.memory_space<vmem>>) semaphore(%arg11 : memref<!tpu.dma_semaphore, #tpu.memory_space<semaphore_mem>>)
    %dma_start3A_63 = arith.constant 1 : i32
    %dma_start3A_64 = arith.constant 0 : i32
    %dma_start3A_65 = tpu.memref_slice %arg6[%dma_start3A_63, %dma_start3A_64] : memref<40x128xi32, #tpu.memory_space<vmem>> -> memref<1x128xi32, #tpu.memory_space<vmem>>
    %dma_start3A_66 = tpu.memref_squeeze %dma_start3A_65 : memref<1x128xi32, #tpu.memory_space<vmem>> -> memref<128xi32, #tpu.memory_space<vmem>>
    %dma_start3A_67 = arith.constant 0 : i32
    %dma_start3A_68 = arith.constant 0 : i32
    %dma_start3A_69 = tpu.memref_slice %arg2[%dma_start3A_67, %dma_start3A_68] : memref<10000x128xf32, #tpu.memory_space<hbm>> -> memref<10000x128xf32, #tpu.memory_space<hbm>>
    tpu.enqueue_indirect_dma source(%dma_start3A_69 : memref<10000x128xf32, #tpu.memory_space<hbm>>) target(%arg9 : memref<128x128xf32, #tpu.memory_space<vmem>>) offsets(%dma_start3A_66 : memref<128xi32, #tpu.memory_space<vmem>>) semaphore(%arg12 : memref<!tpu.dma_semaphore, #tpu.memory_space<semaphore_mem>>)
    %scan3A_70 = arith.constant 0 : i32
    %scan3A_71 = arith.constant 0 : i32
    %scan3A_72 = arith.constant 20 : i32
    %scan3A_73 = arith.addi %scan3A_71, %scan3A_72 : i32
    %scan3A_74 = arith.constant 1 : i32
    %scan3A_75 = scf.for %scan3A_113 = %scan3A_71 to %scan3A_73 step %scan3A_74 iter_args(%scan3A_114 = %scan3A_70) -> (i32)  : i32 {
      %mul3A_115 = arith.constant 2 : i32
      %mul3A_116 = arith.muli %scan3A_113, %mul3A_115 : i32
      %add3A_117 = arith.constant 0 : i32
      %add3A_118 = arith.addi %mul3A_116, %add3A_117 : i32
      %dma_wait3A = arith.constant 0 : i32
      %dma_wait3A_119 = arith.constant 0 : i32
      %dma_wait3A_120 = tpu.memref_slice %arg2[%dma_wait3A, %dma_wait3A_119] : memref<10000x128xf32, #tpu.memory_space<hbm>> -> memref<128x128xf32, #tpu.memory_space<hbm>>
      %dma_wait3A_121 = arith.constant 0 : i32
      %dma_wait3A_122 = arith.constant 0 : i32
      %dma_wait3A_123 = tpu.memref_slice %arg2[%dma_wait3A_121, %dma_wait3A_122] : memref<10000x128xf32, #tpu.memory_space<hbm>> -> memref<128x128xf32, #tpu.memory_space<hbm>>
      tpu.wait_dma2 semaphore(%arg11 : memref<!tpu.dma_semaphore, #tpu.memory_space<semaphore_mem>>) src(%dma_wait3A_123 : memref<128x128xf32, #tpu.memory_space<hbm>>) dst(%arg8 : memref<128x128xf32, #tpu.memory_space<vmem>>)
      "tpu.region"() ({
        %run_scoped3A = tpu.sem_alloc : memref<!tpu.dma_semaphore, #tpu.memory_space<semaphore_mem>>
        %dma_start3A_146 = arith.constant 0 : i32
        %dma_start3A_147 = tpu.memref_slice %arg7[%add3A_118, %dma_start3A_146] : memref<40x128xi32, #tpu.memory_space<vmem>> -> memref<1x128xi32, #tpu.memory_space<vmem>>
        %dma_start3A_148 = tpu.memref_squeeze %dma_start3A_147 : memref<1x128xi32, #tpu.memory_space<vmem>> -> memref<128xi32, #tpu.memory_space<vmem>>
        %dma_start3A_149 = arith.constant 0 : i32
        %dma_start3A_150 = arith.constant 0 : i32
        %dma_start3A_151 = tpu.memref_slice %arg10[%dma_start3A_149, %dma_start3A_150] : memref<10240x128xf32, #tpu.memory_space<vmem_shared>> -> memref<10240x128xf32, #tpu.memory_space<vmem_shared>>
        tpu.enqueue_indirect_dma source(%arg8 : memref<128x128xf32, #tpu.memory_space<vmem>>) target(%dma_start3A_151 : memref<10240x128xf32, #tpu.memory_space<vmem_shared>>) offsets(%dma_start3A_148 : memref<128xi32, #tpu.memory_space<vmem>>) semaphore(%run_scoped3A : memref<!tpu.dma_semaphore, #tpu.memory_space<semaphore_mem>>) {add = true}
        %dma_wait3A_152 = arith.constant 0 : i32
        %dma_wait3A_153 = tpu.memref_slice %arg7[%add3A_118, %dma_wait3A_152] : memref<40x128xi32, #tpu.memory_space<vmem>> -> memref<1x128xi32, #tpu.memory_space<vmem>>
        %dma_wait3A_154 = tpu.memref_squeeze %dma_wait3A_153 : memref<1x128xi32, #tpu.memory_space<vmem>> -> memref<128xi32, #tpu.memory_space<vmem>>
        %dma_wait3A_155 = arith.constant 0 : i32
        %dma_wait3A_156 = arith.constant 0 : i32
        %dma_wait3A_157 = tpu.memref_slice %arg10[%dma_wait3A_155, %dma_wait3A_156] : memref<10240x128xf32, #tpu.memory_space<vmem_shared>> -> memref<10240x128xf32, #tpu.memory_space<vmem_shared>>
        tpu.wait_indirect_dma semaphore(%run_scoped3A : memref<!tpu.dma_semaphore, #tpu.memory_space<semaphore_mem>>) src(%arg8 : memref<128x128xf32, #tpu.memory_space<vmem>>) dst(%dma_wait3A_157 : memref<10240x128xf32, #tpu.memory_space<vmem_shared>>)
        tpu.yield
      }) : () -> ()
      %add3A_124 = arith.constant 1 : i32
      %add3A_125 = arith.addi %scan3A_113, %add3A_124 : i32
      %lt3A = arith.constant 20 : i32
      %lt3A_126 = arith.cmpi slt, %add3A_125, %lt3A : i32
      %convert_element_type3A = arith.extui %lt3A_126 : i1 to i32
      %cond3A = arith.constant 0 : i32
      %cond3A_127 = arith.cmpi ne, %convert_element_type3A, %cond3A : i32
      scf.if %cond3A_127 {
        %add3A_146 = arith.constant 2 : i32
        %add3A_147 = arith.addi %add3A_118, %add3A_146 : i32
        %dma_start3A_148 = arith.constant 0 : i32
        %dma_start3A_149 = tpu.memref_slice %arg6[%add3A_147, %dma_start3A_148] : memref<40x128xi32, #tpu.memory_space<vmem>> -> memref<1x128xi32, #tpu.memory_space<vmem>>
        %dma_start3A_150 = tpu.memref_squeeze %dma_start3A_149 : memref<1x128xi32, #tpu.memory_space<vmem>> -> memref<128xi32, #tpu.memory_space<vmem>>
        %dma_start3A_151 = arith.constant 0 : i32
        %dma_start3A_152 = arith.constant 0 : i32
        %dma_start3A_153 = tpu.memref_slice %arg2[%dma_start3A_151, %dma_start3A_152] : memref<10000x128xf32, #tpu.memory_space<hbm>> -> memref<10000x128xf32, #tpu.memory_space<hbm>>
        tpu.enqueue_indirect_dma source(%dma_start3A_153 : memref<10000x128xf32, #tpu.memory_space<hbm>>) target(%arg8 : memref<128x128xf32, #tpu.memory_space<vmem>>) offsets(%dma_start3A_150 : memref<128xi32, #tpu.memory_space<vmem>>) semaphore(%arg11 : memref<!tpu.dma_semaphore, #tpu.memory_space<semaphore_mem>>)
      } else {
      }
      %mul3A_128 = arith.constant 2 : i32
      %mul3A_129 = arith.muli %scan3A_113, %mul3A_128 : i32
      %add3A_130 = arith.constant 1 : i32
      %add3A_131 = arith.addi %mul3A_129, %add3A_130 : i32
      %dma_wait3A_132 = arith.constant 0 : i32
      %dma_wait3A_133 = arith.constant 0 : i32
      %dma_wait3A_134 = tpu.memref_slice %arg2[%dma_wait3A_132, %dma_wait3A_133] : memref<10000x128xf32, #tpu.memory_space<hbm>> -> memref<128x128xf32, #tpu.memory_space<hbm>>
      %dma_wait3A_135 = arith.constant 0 : i32
      %dma_wait3A_136 = arith.constant 0 : i32
      %dma_wait3A_137 = tpu.memref_slice %arg2[%dma_wait3A_135, %dma_wait3A_136] : memref<10000x128xf32, #tpu.memory_space<hbm>> -> memref<128x128xf32, #tpu.memory_space<hbm>>
      tpu.wait_dma2 semaphore(%arg12 : memref<!tpu.dma_semaphore, #tpu.memory_space<semaphore_mem>>) src(%dma_wait3A_137 : memref<128x128xf32, #tpu.memory_space<hbm>>) dst(%arg9 : memref<128x128xf32, #tpu.memory_space<vmem>>)
      "tpu.region"() ({
        %run_scoped3A = tpu.sem_alloc : memref<!tpu.dma_semaphore, #tpu.memory_space<semaphore_mem>>
        %dma_start3A_146 = arith.constant 0 : i32
        %dma_start3A_147 = tpu.memref_slice %arg7[%add3A_131, %dma_start3A_146] : memref<40x128xi32, #tpu.memory_space<vmem>> -> memref<1x128xi32, #tpu.memory_space<vmem>>
        %dma_start3A_148 = tpu.memref_squeeze %dma_start3A_147 : memref<1x128xi32, #tpu.memory_space<vmem>> -> memref<128xi32, #tpu.memory_space<vmem>>
        %dma_start3A_149 = arith.constant 0 : i32
        %dma_start3A_150 = arith.constant 0 : i32
        %dma_start3A_151 = tpu.memref_slice %arg10[%dma_start3A_149, %dma_start3A_150] : memref<10240x128xf32, #tpu.memory_space<vmem_shared>> -> memref<10240x128xf32, #tpu.memory_space<vmem_shared>>
        tpu.enqueue_indirect_dma source(%arg9 : memref<128x128xf32, #tpu.memory_space<vmem>>) target(%dma_start3A_151 : memref<10240x128xf32, #tpu.memory_space<vmem_shared>>) offsets(%dma_start3A_148 : memref<128xi32, #tpu.memory_space<vmem>>) semaphore(%run_scoped3A : memref<!tpu.dma_semaphore, #tpu.memory_space<semaphore_mem>>) {add = true}
        %dma_wait3A_152 = arith.constant 0 : i32
        %dma_wait3A_153 = tpu.memref_slice %arg7[%add3A_131, %dma_wait3A_152] : memref<40x128xi32, #tpu.memory_space<vmem>> -> memref<1x128xi32, #tpu.memory_space<vmem>>
        %dma_wait3A_154 = tpu.memref_squeeze %dma_wait3A_153 : memref<1x128xi32, #tpu.memory_space<vmem>> -> memref<128xi32, #tpu.memory_space<vmem>>
        %dma_wait3A_155 = arith.constant 0 : i32
        %dma_wait3A_156 = arith.constant 0 : i32
        %dma_wait3A_157 = tpu.memref_slice %arg10[%dma_wait3A_155, %dma_wait3A_156] : memref<10240x128xf32, #tpu.memory_space<vmem_shared>> -> memref<10240x128xf32, #tpu.memory_space<vmem_shared>>
        tpu.wait_indirect_dma semaphore(%run_scoped3A : memref<!tpu.dma_semaphore, #tpu.memory_space<semaphore_mem>>) src(%arg9 : memref<128x128xf32, #tpu.memory_space<vmem>>) dst(%dma_wait3A_157 : memref<10240x128xf32, #tpu.memory_space<vmem_shared>>)
        tpu.yield
      }) : () -> ()
      %add3A_138 = arith.constant 1 : i32
      %add3A_139 = arith.addi %scan3A_113, %add3A_138 : i32
      %lt3A_140 = arith.constant 20 : i32
      %lt3A_141 = arith.cmpi slt, %add3A_139, %lt3A_140 : i32
      %convert_element_type3A_142 = arith.extui %lt3A_141 : i1 to i32
      %cond3A_143 = arith.constant 0 : i32
      %cond3A_144 = arith.cmpi ne, %convert_element_type3A_142, %cond3A_143 : i32
      scf.if %cond3A_144 {
        %add3A_146 = arith.constant 2 : i32
        %add3A_147 = arith.addi %add3A_131, %add3A_146 : i32
        %dma_start3A_148 = arith.constant 0 : i32
        %dma_start3A_149 = tpu.memref_slice %arg6[%add3A_147, %dma_start3A_148] : memref<40x128xi32, #tpu.memory_space<vmem>> -> memref<1x128xi32, #tpu.memory_space<vmem>>
        %dma_start3A_150 = tpu.memref_squeeze %dma_start3A_149 : memref<1x128xi32, #tpu.memory_space<vmem>> -> memref<128xi32, #tpu.memory_space<vmem>>
        %dma_start3A_151 = arith.constant 0 : i32
        %dma_start3A_152 = arith.constant 0 : i32
        %dma_start3A_153 = tpu.memref_slice %arg2[%dma_start3A_151, %dma_start3A_152] : memref<10000x128xf32, #tpu.memory_space<hbm>> -> memref<10000x128xf32, #tpu.memory_space<hbm>>
        tpu.enqueue_indirect_dma source(%dma_start3A_153 : memref<10000x128xf32, #tpu.memory_space<hbm>>) target(%arg9 : memref<128x128xf32, #tpu.memory_space<vmem>>) offsets(%dma_start3A_150 : memref<128xi32, #tpu.memory_space<vmem>>) semaphore(%arg12 : memref<!tpu.dma_semaphore, #tpu.memory_space<semaphore_mem>>)
      } else {
      }
      %scan3A_145 = arith.constant 0 : i32
      scf.yield %scan3A_145 : i32
    }
    %scan3A_76 = arith.constant 20 : i32
    %barrier3A_77 = arith.constant 0 : index
    tpu.barrier barrier_id(%barrier3A_77)
    %mul3A_78 = arith.constant 640 : i32
    %mul3A_79 = arith.muli %arg1, %mul3A_78 : i32
    %add3A_80 = arith.constant 0 : i32
    %add3A_81 = arith.addi %mul3A_79, %add3A_80 : i32
    "tpu.region"() ({
      %run_scoped3A = tpu.sem_alloc : memref<!tpu.dma_semaphore, #tpu.memory_space<semaphore_mem>>
      %dma_start3A_113 = arith.constant 0 : i32
      %dma_start3A_114 = tpu.memref_slice %arg10[%add3A_81, %dma_start3A_113] : memref<10240x128xf32, #tpu.memory_space<vmem_shared>> -> memref<128x128xf32, #tpu.memory_space<vmem_shared>>
      %dma_start3A_115 = arith.constant 0 : i32
      %dma_start3A_116 = tpu.memref_slice %arg10[%add3A_81, %dma_start3A_115] : memref<10240x128xf32, #tpu.memory_space<vmem_shared>> -> memref<128x128xf32, #tpu.memory_space<vmem_shared>>
      tpu.enqueue_dma source(%dma_start3A_116 : memref<128x128xf32, #tpu.memory_space<vmem_shared>>) target(%arg8 : memref<128x128xf32, #tpu.memory_space<vmem>>) target_semaphore(%run_scoped3A : memref<!tpu.dma_semaphore, #tpu.memory_space<semaphore_mem>>)
      %dma_wait3A = arith.constant 0 : i32
      %dma_wait3A_117 = tpu.memref_slice %arg10[%add3A_81, %dma_wait3A] : memref<10240x128xf32, #tpu.memory_space<vmem_shared>> -> memref<128x128xf32, #tpu.memory_space<vmem_shared>>
      %dma_wait3A_118 = arith.constant 0 : i32
      %dma_wait3A_119 = tpu.memref_slice %arg10[%add3A_81, %dma_wait3A_118] : memref<10240x128xf32, #tpu.memory_space<vmem_shared>> -> memref<128x128xf32, #tpu.memory_space<vmem_shared>>
      tpu.wait_dma2 semaphore(%run_scoped3A : memref<!tpu.dma_semaphore, #tpu.memory_space<semaphore_mem>>) src(%dma_wait3A_119 : memref<128x128xf32, #tpu.memory_space<vmem_shared>>) dst(%arg8 : memref<128x128xf32, #tpu.memory_space<vmem>>)
      tpu.yield
    }) : () -> ()
    %mul3A_82 = arith.constant 10240 : i32
    %mul3A_83 = arith.muli %arg0, %mul3A_82 : i32
    %add3A_84 = arith.addi %mul3A_83, %add3A_81 : i32
    "tpu.region"() ({
      %run_scoped3A = tpu.sem_alloc : memref<!tpu.dma_semaphore, #tpu.memory_space<semaphore_mem>>
      %dma_start3A_113 = arith.constant 0 : i32
      %dma_start3A_114 = tpu.memref_slice %arg5[%add3A_84, %dma_start3A_113] : memref<20480x128xf32, #tpu.memory_space<hbm>> -> memref<128x128xf32, #tpu.memory_space<hbm>>
      %dma_start3A_115 = arith.constant 0 : i32
      %dma_start3A_116 = tpu.memref_slice %arg5[%add3A_84, %dma_start3A_115] : memref<20480x128xf32, #tpu.memory_space<hbm>> -> memref<128x128xf32, #tpu.memory_space<hbm>>
      tpu.enqueue_dma source(%arg8 : memref<128x128xf32, #tpu.memory_space<vmem>>) target(%dma_start3A_116 : memref<128x128xf32, #tpu.memory_space<hbm>>) target_semaphore(%run_scoped3A : memref<!tpu.dma_semaphore, #tpu.memory_space<semaphore_mem>>)
      %dma_wait3A = arith.constant 0 : i32
      %dma_wait3A_117 = tpu.memref_slice %arg5[%add3A_84, %dma_wait3A] : memref<20480x128xf32, #tpu.memory_space<hbm>> -> memref<128x128xf32, #tpu.memory_space<hbm>>
      %dma_wait3A_118 = arith.constant 0 : i32
      %dma_wait3A_119 = tpu.memref_slice %arg5[%add3A_84, %dma_wait3A_118] : memref<20480x128xf32, #tpu.memory_space<hbm>> -> memref<128x128xf32, #tpu.memory_space<hbm>>
      tpu.wait_dma2 semaphore(%run_scoped3A : memref<!tpu.dma_semaphore, #tpu.memory_space<semaphore_mem>>) src(%arg8 : memref<128x128xf32, #tpu.memory_space<vmem>>) dst(%dma_wait3A_119 : memref<128x128xf32, #tpu.memory_space<hbm>>)
      tpu.yield
    }) : () -> ()
    %mul3A_85 = arith.constant 640 : i32
    %mul3A_86 = arith.muli %arg1, %mul3A_85 : i32
    %add3A_87 = arith.constant 128 : i32
    %add3A_88 = arith.addi %mul3A_86, %add3A_87 : i32
    "tpu.region"() ({
      %run_scoped3A = tpu.sem_alloc : memref<!tpu.dma_semaphore, #tpu.memory_space<semaphore_mem>>
      %dma_start3A_113 = arith.constant 0 : i32
      %dma_start3A_114 = tpu.memref_slice %arg10[%add3A_88, %dma_start3A_113] : memref<10240x128xf32, #tpu.memory_space<vmem_shared>> -> memref<128x128xf32, #tpu.memory_space<vmem_shared>>
      %dma_start3A_115 = arith.constant 0 : i32
      %dma_start3A_116 = tpu.memref_slice %arg10[%add3A_88, %dma_start3A_115] : memref<10240x128xf32, #tpu.memory_space<vmem_shared>> -> memref<128x128xf32, #tpu.memory_space<vmem_shared>>
      tpu.enqueue_dma source(%dma_start3A_116 : memref<128x128xf32, #tpu.memory_space<vmem_shared>>) target(%arg8 : memref<128x128xf32, #tpu.memory_space<vmem>>) target_semaphore(%run_scoped3A : memref<!tpu.dma_semaphore, #tpu.memory_space<semaphore_mem>>)
      %dma_wait3A = arith.constant 0 : i32
      %dma_wait3A_117 = tpu.memref_slice %arg10[%add3A_88, %dma_wait3A] : memref<10240x128xf32, #tpu.memory_space<vmem_shared>> -> memref<128x128xf32, #tpu.memory_space<vmem_shared>>
      %dma_wait3A_118 = arith.constant 0 : i32
      %dma_wait3A_119 = tpu.memref_slice %arg10[%add3A_88, %dma_wait3A_118] : memref<10240x128xf32, #tpu.memory_space<vmem_shared>> -> memref<128x128xf32, #tpu.memory_space<vmem_shared>>
      tpu.wait_dma2 semaphore(%run_scoped3A : memref<!tpu.dma_semaphore, #tpu.memory_space<semaphore_mem>>) src(%dma_wait3A_119 : memref<128x128xf32, #tpu.memory_space<vmem_shared>>) dst(%arg8 : memref<128x128xf32, #tpu.memory_space<vmem>>)
      tpu.yield
    }) : () -> ()
    %mul3A_89 = arith.constant 10240 : i32
    %mul3A_90 = arith.muli %arg0, %mul3A_89 : i32
    %add3A_91 = arith.addi %mul3A_90, %add3A_88 : i32
    "tpu.region"() ({
      %run_scoped3A = tpu.sem_alloc : memref<!tpu.dma_semaphore, #tpu.memory_space<semaphore_mem>>
      %dma_start3A_113 = arith.constant 0 : i32
      %dma_start3A_114 = tpu.memref_slice %arg5[%add3A_91, %dma_start3A_113] : memref<20480x128xf32, #tpu.memory_space<hbm>> -> memref<128x128xf32, #tpu.memory_space<hbm>>
      %dma_start3A_115 = arith.constant 0 : i32
      %dma_start3A_116 = tpu.memref_slice %arg5[%add3A_91, %dma_start3A_115] : memref<20480x128xf32, #tpu.memory_space<hbm>> -> memref<128x128xf32, #tpu.memory_space<hbm>>
      tpu.enqueue_dma source(%arg8 : memref<128x128xf32, #tpu.memory_space<vmem>>) target(%dma_start3A_116 : memref<128x128xf32, #tpu.memory_space<hbm>>) target_semaphore(%run_scoped3A : memref<!tpu.dma_semaphore, #tpu.memory_space<semaphore_mem>>)
      %dma_wait3A = arith.constant 0 : i32
      %dma_wait3A_117 = tpu.memref_slice %arg5[%add3A_91, %dma_wait3A] : memref<20480x128xf32, #tpu.memory_space<hbm>> -> memref<128x128xf32, #tpu.memory_space<hbm>>
      %dma_wait3A_118 = arith.constant 0 : i32
      %dma_wait3A_119 = tpu.memref_slice %arg5[%add3A_91, %dma_wait3A_118] : memref<20480x128xf32, #tpu.memory_space<hbm>> -> memref<128x128xf32, #tpu.memory_space<hbm>>
      tpu.wait_dma2 semaphore(%run_scoped3A : memref<!tpu.dma_semaphore, #tpu.memory_space<semaphore_mem>>) src(%arg8 : memref<128x128xf32, #tpu.memory_space<vmem>>) dst(%dma_wait3A_119 : memref<128x128xf32, #tpu.memory_space<hbm>>)
      tpu.yield
    }) : () -> ()
    %mul3A_92 = arith.constant 640 : i32
    %mul3A_93 = arith.muli %arg1, %mul3A_92 : i32
    %add3A_94 = arith.constant 256 : i32
    %add3A_95 = arith.addi %mul3A_93, %add3A_94 : i32
    "tpu.region"() ({
      %run_scoped3A = tpu.sem_alloc : memref<!tpu.dma_semaphore, #tpu.memory_space<semaphore_mem>>
      %dma_start3A_113 = arith.constant 0 : i32
      %dma_start3A_114 = tpu.memref_slice %arg10[%add3A_95, %dma_start3A_113] : memref<10240x128xf32, #tpu.memory_space<vmem_shared>> -> memref<128x128xf32, #tpu.memory_space<vmem_shared>>
      %dma_start3A_115 = arith.constant 0 : i32
      %dma_start3A_116 = tpu.memref_slice %arg10[%add3A_95, %dma_start3A_115] : memref<10240x128xf32, #tpu.memory_space<vmem_shared>> -> memref<128x128xf32, #tpu.memory_space<vmem_shared>>
      tpu.enqueue_dma source(%dma_start3A_116 : memref<128x128xf32, #tpu.memory_space<vmem_shared>>) target(%arg8 : memref<128x128xf32, #tpu.memory_space<vmem>>) target_semaphore(%run_scoped3A : memref<!tpu.dma_semaphore, #tpu.memory_space<semaphore_mem>>)
      %dma_wait3A = arith.constant 0 : i32
      %dma_wait3A_117 = tpu.memref_slice %arg10[%add3A_95, %dma_wait3A] : memref<10240x128xf32, #tpu.memory_space<vmem_shared>> -> memref<128x128xf32, #tpu.memory_space<vmem_shared>>
      %dma_wait3A_118 = arith.constant 0 : i32
      %dma_wait3A_119 = tpu.memref_slice %arg10[%add3A_95, %dma_wait3A_118] : memref<10240x128xf32, #tpu.memory_space<vmem_shared>> -> memref<128x128xf32, #tpu.memory_space<vmem_shared>>
      tpu.wait_dma2 semaphore(%run_scoped3A : memref<!tpu.dma_semaphore, #tpu.memory_space<semaphore_mem>>) src(%dma_wait3A_119 : memref<128x128xf32, #tpu.memory_space<vmem_shared>>) dst(%arg8 : memref<128x128xf32, #tpu.memory_space<vmem>>)
      tpu.yield
    }) : () -> ()
    %mul3A_96 = arith.constant 10240 : i32
    %mul3A_97 = arith.muli %arg0, %mul3A_96 : i32
    %add3A_98 = arith.addi %mul3A_97, %add3A_95 : i32
    "tpu.region"() ({
      %run_scoped3A = tpu.sem_alloc : memref<!tpu.dma_semaphore, #tpu.memory_space<semaphore_mem>>
      %dma_start3A_113 = arith.constant 0 : i32
      %dma_start3A_114 = tpu.memref_slice %arg5[%add3A_98, %dma_start3A_113] : memref<20480x128xf32, #tpu.memory_space<hbm>> -> memref<128x128xf32, #tpu.memory_space<hbm>>
      %dma_start3A_115 = arith.constant 0 : i32
      %dma_start3A_116 = tpu.memref_slice %arg5[%add3A_98, %dma_start3A_115] : memref<20480x128xf32, #tpu.memory_space<hbm>> -> memref<128x128xf32, #tpu.memory_space<hbm>>
      tpu.enqueue_dma source(%arg8 : memref<128x128xf32, #tpu.memory_space<vmem>>) target(%dma_start3A_116 : memref<128x128xf32, #tpu.memory_space<hbm>>) target_semaphore(%run_scoped3A : memref<!tpu.dma_semaphore, #tpu.memory_space<semaphore_mem>>)
      %dma_wait3A = arith.constant 0 : i32
      %dma_wait3A_117 = tpu.memref_slice %arg5[%add3A_98, %dma_wait3A] : memref<20480x128xf32, #tpu.memory_space<hbm>> -> memref<128x128xf32, #tpu.memory_space<hbm>>
      %dma_wait3A_118 = arith.constant 0 : i32
      %dma_wait3A_119 = tpu.memref_slice %arg5[%add3A_98, %dma_wait3A_118] : memref<20480x128xf32, #tpu.memory_space<hbm>> -> memref<128x128xf32, #tpu.memory_space<hbm>>
      tpu.wait_dma2 semaphore(%run_scoped3A : memref<!tpu.dma_semaphore, #tpu.memory_space<semaphore_mem>>) src(%arg8 : memref<128x128xf32, #tpu.memory_space<vmem>>) dst(%dma_wait3A_119 : memref<128x128xf32, #tpu.memory_space<hbm>>)
      tpu.yield
    }) : () -> ()
    %mul3A_99 = arith.constant 640 : i32
    %mul3A_100 = arith.muli %arg1, %mul3A_99 : i32
    %add3A_101 = arith.constant 384 : i32
    %add3A_102 = arith.addi %mul3A_100, %add3A_101 : i32
    "tpu.region"() ({
      %run_scoped3A = tpu.sem_alloc : memref<!tpu.dma_semaphore, #tpu.memory_space<semaphore_mem>>
      %dma_start3A_113 = arith.constant 0 : i32
      %dma_start3A_114 = tpu.memref_slice %arg10[%add3A_102, %dma_start3A_113] : memref<10240x128xf32, #tpu.memory_space<vmem_shared>> -> memref<128x128xf32, #tpu.memory_space<vmem_shared>>
      %dma_start3A_115 = arith.constant 0 : i32
      %dma_start3A_116 = tpu.memref_slice %arg10[%add3A_102, %dma_start3A_115] : memref<10240x128xf32, #tpu.memory_space<vmem_shared>> -> memref<128x128xf32, #tpu.memory_space<vmem_shared>>
      tpu.enqueue_dma source(%dma_start3A_116 : memref<128x128xf32, #tpu.memory_space<vmem_shared>>) target(%arg8 : memref<128x128xf32, #tpu.memory_space<vmem>>) target_semaphore(%run_scoped3A : memref<!tpu.dma_semaphore, #tpu.memory_space<semaphore_mem>>)
      %dma_wait3A = arith.constant 0 : i32
      %dma_wait3A_117 = tpu.memref_slice %arg10[%add3A_102, %dma_wait3A] : memref<10240x128xf32, #tpu.memory_space<vmem_shared>> -> memref<128x128xf32, #tpu.memory_space<vmem_shared>>
      %dma_wait3A_118 = arith.constant 0 : i32
      %dma_wait3A_119 = tpu.memref_slice %arg10[%add3A_102, %dma_wait3A_118] : memref<10240x128xf32, #tpu.memory_space<vmem_shared>> -> memref<128x128xf32, #tpu.memory_space<vmem_shared>>
      tpu.wait_dma2 semaphore(%run_scoped3A : memref<!tpu.dma_semaphore, #tpu.memory_space<semaphore_mem>>) src(%dma_wait3A_119 : memref<128x128xf32, #tpu.memory_space<vmem_shared>>) dst(%arg8 : memref<128x128xf32, #tpu.memory_space<vmem>>)
      tpu.yield
    }) : () -> ()
    %mul3A_103 = arith.constant 10240 : i32
    %mul3A_104 = arith.muli %arg0, %mul3A_103 : i32
    %add3A_105 = arith.addi %mul3A_104, %add3A_102 : i32
    "tpu.region"() ({
      %run_scoped3A = tpu.sem_alloc : memref<!tpu.dma_semaphore, #tpu.memory_space<semaphore_mem>>
      %dma_start3A_113 = arith.constant 0 : i32
      %dma_start3A_114 = tpu.memref_slice %arg5[%add3A_105, %dma_start3A_113] : memref<20480x128xf32, #tpu.memory_space<hbm>> -> memref<128x128xf32, #tpu.memory_space<hbm>>
      %dma_start3A_115 = arith.constant 0 : i32
      %dma_start3A_116 = tpu.memref_slice %arg5[%add3A_105, %dma_start3A_115] : memref<20480x128xf32, #tpu.memory_space<hbm>> -> memref<128x128xf32, #tpu.memory_space<hbm>>
      tpu.enqueue_dma source(%arg8 : memref<128x128xf32, #tpu.memory_space<vmem>>) target(%dma_start3A_116 : memref<128x128xf32, #tpu.memory_space<hbm>>) target_semaphore(%run_scoped3A : memref<!tpu.dma_semaphore, #tpu.memory_space<semaphore_mem>>)
      %dma_wait3A = arith.constant 0 : i32
      %dma_wait3A_117 = tpu.memref_slice %arg5[%add3A_105, %dma_wait3A] : memref<20480x128xf32, #tpu.memory_space<hbm>> -> memref<128x128xf32, #tpu.memory_space<hbm>>
      %dma_wait3A_118 = arith.constant 0 : i32
      %dma_wait3A_119 = tpu.memref_slice %arg5[%add3A_105, %dma_wait3A_118] : memref<20480x128xf32, #tpu.memory_space<hbm>> -> memref<128x128xf32, #tpu.memory_space<hbm>>
      tpu.wait_dma2 semaphore(%run_scoped3A : memref<!tpu.dma_semaphore, #tpu.memory_space<semaphore_mem>>) src(%arg8 : memref<128x128xf32, #tpu.memory_space<vmem>>) dst(%dma_wait3A_119 : memref<128x128xf32, #tpu.memory_space<hbm>>)
      tpu.yield
    }) : () -> ()
    %mul3A_106 = arith.constant 640 : i32
    %mul3A_107 = arith.muli %arg1, %mul3A_106 : i32
    %add3A_108 = arith.constant 512 : i32
    %add3A_109 = arith.addi %mul3A_107, %add3A_108 : i32
    "tpu.region"() ({
      %run_scoped3A = tpu.sem_alloc : memref<!tpu.dma_semaphore, #tpu.memory_space<semaphore_mem>>
      %dma_start3A_113 = arith.constant 0 : i32
      %dma_start3A_114 = tpu.memref_slice %arg10[%add3A_109, %dma_start3A_113] : memref<10240x128xf32, #tpu.memory_space<vmem_shared>> -> memref<128x128xf32, #tpu.memory_space<vmem_shared>>
      %dma_start3A_115 = arith.constant 0 : i32
      %dma_start3A_116 = tpu.memref_slice %arg10[%add3A_109, %dma_start3A_115] : memref<10240x128xf32, #tpu.memory_space<vmem_shared>> -> memref<128x128xf32, #tpu.memory_space<vmem_shared>>
      tpu.enqueue_dma source(%dma_start3A_116 : memref<128x128xf32, #tpu.memory_space<vmem_shared>>) target(%arg8 : memref<128x128xf32, #tpu.memory_space<vmem>>) target_semaphore(%run_scoped3A : memref<!tpu.dma_semaphore, #tpu.memory_space<semaphore_mem>>)
      %dma_wait3A = arith.constant 0 : i32
      %dma_wait3A_117 = tpu.memref_slice %arg10[%add3A_109, %dma_wait3A] : memref<10240x128xf32, #tpu.memory_space<vmem_shared>> -> memref<128x128xf32, #tpu.memory_space<vmem_shared>>
      %dma_wait3A_118 = arith.constant 0 : i32
      %dma_wait3A_119 = tpu.memref_slice %arg10[%add3A_109, %dma_wait3A_118] : memref<10240x128xf32, #tpu.memory_space<vmem_shared>> -> memref<128x128xf32, #tpu.memory_space<vmem_shared>>
      tpu.wait_dma2 semaphore(%run_scoped3A : memref<!tpu.dma_semaphore, #tpu.memory_space<semaphore_mem>>) src(%dma_wait3A_119 : memref<128x128xf32, #tpu.memory_space<vmem_shared>>) dst(%arg8 : memref<128x128xf32, #tpu.memory_space<vmem>>)
      tpu.yield
    }) : () -> ()
    %mul3A_110 = arith.constant 10240 : i32
    %mul3A_111 = arith.muli %arg0, %mul3A_110 : i32
    %add3A_112 = arith.addi %mul3A_111, %add3A_109 : i32
    "tpu.region"() ({
      %run_scoped3A = tpu.sem_alloc : memref<!tpu.dma_semaphore, #tpu.memory_space<semaphore_mem>>
      %dma_start3A_113 = arith.constant 0 : i32
      %dma_start3A_114 = tpu.memref_slice %arg5[%add3A_112, %dma_start3A_113] : memref<20480x128xf32, #tpu.memory_space<hbm>> -> memref<128x128xf32, #tpu.memory_space<hbm>>
      %dma_start3A_115 = arith.constant 0 : i32
      %dma_start3A_116 = tpu.memref_slice %arg5[%add3A_112, %dma_start3A_115] : memref<20480x128xf32, #tpu.memory_space<hbm>> -> memref<128x128xf32, #tpu.memory_space<hbm>>
      tpu.enqueue_dma source(%arg8 : memref<128x128xf32, #tpu.memory_space<vmem>>) target(%dma_start3A_116 : memref<128x128xf32, #tpu.memory_space<hbm>>) target_semaphore(%run_scoped3A : memref<!tpu.dma_semaphore, #tpu.memory_space<semaphore_mem>>)
      %dma_wait3A = arith.constant 0 : i32
      %dma_wait3A_117 = tpu.memref_slice %arg5[%add3A_112, %dma_wait3A] : memref<20480x128xf32, #tpu.memory_space<hbm>> -> memref<128x128xf32, #tpu.memory_space<hbm>>
      %dma_wait3A_118 = arith.constant 0 : i32
      %dma_wait3A_119 = tpu.memref_slice %arg5[%add3A_112, %dma_wait3A_118] : memref<20480x128xf32, #tpu.memory_space<hbm>> -> memref<128x128xf32, #tpu.memory_space<hbm>>
      tpu.wait_dma2 semaphore(%run_scoped3A : memref<!tpu.dma_semaphore, #tpu.memory_space<semaphore_mem>>) src(%arg8 : memref<128x128xf32, #tpu.memory_space<vmem>>) dst(%dma_wait3A_119 : memref<128x128xf32, #tpu.memory_space<hbm>>)
      tpu.yield
    }) : () -> ()
    return
  }
}

module attributes {stable_mosaic.version = 14 : i64} {
  func.func @_mm_body(%arg0: memref<10000x128xf32, #tpu.memory_space<vmem>>, %arg1: memref<128x128xf32, #tpu.memory_space<vmem>>, %arg2: memref<10000x128xf32, #tpu.memory_space<vmem>>) attributes {dimension_semantics = [], scalar_prefetch = 0 : i64, scratch_operands = 0 : i64, tpu.core_type = #tpu.core_type<tc>} {
    %get3A = arith.constant 0 : index
    %get3A_0 = arith.constant 0 : index
    %get3A_1 = vector.load %arg0[%get3A, %get3A_0] : memref<10000x128xf32, #tpu.memory_space<vmem>>, vector<10000x128xf32>
    %get3A_2 = arith.constant 0 : index
    %get3A_3 = arith.constant 0 : index
    %get3A_4 = vector.load %arg1[%get3A_2, %get3A_3] : memref<128x128xf32, #tpu.memory_space<vmem>>, vector<128x128xf32>
    %dot_general3A = arith.constant dense<0.000000e+00> : vector<10000x128xf32>
    %dot_general3A_5 = tpu.matmul %get3A_1, %get3A_4, %dot_general3A {dimension_numbers = #tpu.dot_dimension_numbers<[1], [0], [0], [1], [0, 0, 1, 1], [], []>, transpose_lhs_hint = false} : vector<10000x128xf32>, vector<128x128xf32>, vector<10000x128xf32> -> vector<10000x128xf32>
    %swap3A = arith.constant 0 : index
    %swap3A_6 = arith.constant 0 : index
    %swap3A_7 = vector.load %arg2[%swap3A, %swap3A_6] : memref<10000x128xf32, #tpu.memory_space<vmem>>, vector<10000x128xf32>
    tpu.vector_store %arg2[%swap3A, %swap3A_6], %dot_general3A_5 {strides = array<i32>} : memref<10000x128xf32, #tpu.memory_space<vmem>>, vector<10000x128xf32>,
    return
  }
}

module attributes {stable_mosaic.version = 14 : i64} {
  func.func @_scale_body(%arg0: memref<10000x128xf32, #tpu.memory_space<vmem>>, %arg1: memref<10000x1xf32, #tpu.memory_space<vmem>>, %arg2: memref<10000x1xf32, #tpu.memory_space<vmem>>, %arg3: memref<10000x128xf32, #tpu.memory_space<vmem>>, %arg4: memref<10000x1xf32, #tpu.memory_space<vmem>>) attributes {dimension_semantics = [], scalar_prefetch = 0 : i64, scratch_operands = 0 : i64, tpu.core_type = #tpu.core_type<tc>} {
    %get3A = arith.constant 0 : index
    %get3A_0 = arith.constant 0 : index
    %get3A_1 = vector.load %arg1[%get3A, %get3A_0] : memref<10000x1xf32, #tpu.memory_space<vmem>>, vector<10000x1xf32>
    %get3A_2 = arith.constant 0 : index
    %get3A_3 = arith.constant 0 : index
    %get3A_4 = vector.load %arg2[%get3A_2, %get3A_3] : memref<10000x1xf32, #tpu.memory_space<vmem>>, vector<10000x1xf32>
    %add3A = arith.addf %get3A_1, %get3A_4 : vector<10000x1xf32>
    %add3A_5 = arith.constant 1.000000e+00 : f32
    %add3A_6 = vector.broadcast %add3A_5 : f32 to vector<10000x1xf32>
    %add3A_7 = arith.addf %add3A, %add3A_6 : vector<10000x1xf32>
    %rsqrt3A = math.rsqrt %add3A_7 : vector<10000x1xf32>
    %swap3A = arith.constant 0 : index
    %swap3A_8 = arith.constant 0 : index
    %swap3A_9 = vector.load %arg4[%swap3A, %swap3A_8] : memref<10000x1xf32, #tpu.memory_space<vmem>>, vector<10000x1xf32>
    tpu.vector_store %arg4[%swap3A, %swap3A_8], %rsqrt3A {strides = array<i32>} : memref<10000x1xf32, #tpu.memory_space<vmem>>, vector<10000x1xf32>,
    %get3A_10 = arith.constant 0 : index
    %get3A_11 = arith.constant 0 : index
    %get3A_12 = vector.load %arg0[%get3A_10, %get3A_11] : memref<10000x128xf32, #tpu.memory_space<vmem>>, vector<10000x128xf32>
    %mul3A = vector.broadcast %rsqrt3A : vector<10000x1xf32> to vector<10000x128xf32>
    %mul3A_13 = arith.mulf %get3A_12, %mul3A : vector<10000x128xf32>
    %swap3A_14 = arith.constant 0 : index
    %swap3A_15 = arith.constant 0 : index
    %swap3A_16 = vector.load %arg3[%swap3A_14, %swap3A_15] : memref<10000x128xf32, #tpu.memory_space<vmem>>, vector<10000x128xf32>
    tpu.vector_store %arg3[%swap3A_14, %swap3A_15], %mul3A_13 {strides = array<i32>} : memref<10000x128xf32, #tpu.memory_space<vmem>>, vector<10000x128xf32>,
    return
  }
}

module attributes {stable_mosaic.version = 14 : i64} {
  func.func @_mid_body(%arg0: memref<10000x128xf32, #tpu.memory_space<vmem>>, %arg1: memref<10000x128xf32, #tpu.memory_space<vmem>>, %arg2: memref<10000x128xf32, #tpu.memory_space<vmem>>, %arg3: memref<10000x1xf32, #tpu.memory_space<vmem>>, %arg4: memref<1x128xf32, #tpu.memory_space<vmem>>, %arg5: memref<10000x128xf32, #tpu.memory_space<vmem>>) attributes {dimension_semantics = [], scalar_prefetch = 0 : i64, scratch_operands = 0 : i64, tpu.core_type = #tpu.core_type<tc>} {
    %get3A = arith.constant 0 : index
    %get3A_0 = arith.constant 0 : index
    %get3A_1 = vector.load %arg0[%get3A, %get3A_0] : memref<10000x128xf32, #tpu.memory_space<vmem>>, vector<10000x128xf32>
    %get3A_2 = arith.constant 0 : index
    %get3A_3 = arith.constant 0 : index
    %get3A_4 = vector.load %arg1[%get3A_2, %get3A_3] : memref<10000x128xf32, #tpu.memory_space<vmem>>, vector<10000x128xf32>
    %add3A = arith.addf %get3A_1, %get3A_4 : vector<10000x128xf32>
    %get3A_5 = arith.constant 0 : index
    %get3A_6 = arith.constant 0 : index
    %get3A_7 = vector.load %arg2[%get3A_5, %get3A_6] : memref<10000x128xf32, #tpu.memory_space<vmem>>, vector<10000x128xf32>
    %add3A_8 = arith.addf %add3A, %get3A_7 : vector<10000x128xf32>
    %get3A_9 = arith.constant 0 : index
    %get3A_10 = arith.constant 0 : index
    %get3A_11 = vector.load %arg3[%get3A_9, %get3A_10] : memref<10000x1xf32, #tpu.memory_space<vmem>>, vector<10000x1xf32>
    %mul3A = vector.broadcast %get3A_11 : vector<10000x1xf32> to vector<10000x128xf32>
    %mul3A_12 = arith.mulf %add3A_8, %mul3A : vector<10000x128xf32>
    %get3A_13 = arith.constant 0 : index
    %get3A_14 = arith.constant 0 : index
    %get3A_15 = vector.load %arg4[%get3A_13, %get3A_14] : memref<1x128xf32, #tpu.memory_space<vmem>>, vector<1x128xf32>
    %add3A_16 = vector.broadcast %get3A_15 : vector<1x128xf32> to vector<10000x128xf32>
    %add3A_17 = arith.addf %mul3A_12, %add3A_16 : vector<10000x128xf32>
    %ge3A = arith.constant 0.000000e+00 : f32
    %ge3A_18 = vector.broadcast %ge3A : f32 to vector<10000x128xf32>
    %ge3A_19 = arith.cmpf oge, %add3A_17, %ge3A_18 : vector<10000x128xf32>
    %mul3A_20 = arith.constant 2.000000e-01 : f32
    %mul3A_21 = vector.broadcast %mul3A_20 : f32 to vector<10000x128xf32>
    %mul3A_22 = arith.mulf %mul3A_21, %add3A_17 : vector<10000x128xf32>
    %select_n3A = arith.select %ge3A_19, %add3A_17, %mul3A_22 : vector<10000x128xi1>, vector<10000x128xf32>
    %get3A_23 = arith.constant 0 : index
    %get3A_24 = arith.constant 0 : index
    %get3A_25 = vector.load %arg3[%get3A_23, %get3A_24] : memref<10000x1xf32, #tpu.memory_space<vmem>>, vector<10000x1xf32>
    %mul3A_26 = vector.broadcast %get3A_25 : vector<10000x1xf32> to vector<10000x128xf32>
    %mul3A_27 = arith.mulf %select_n3A, %mul3A_26 : vector<10000x128xf32>
    %swap3A = arith.constant 0 : index
    %swap3A_28 = arith.constant 0 : index
    %swap3A_29 = vector.load %arg5[%swap3A, %swap3A_28] : memref<10000x128xf32, #tpu.memory_space<vmem>>, vector<10000x128xf32>
    tpu.vector_store %arg5[%swap3A, %swap3A_28], %mul3A_27 {strides = array<i32>} : memref<10000x128xf32, #tpu.memory_space<vmem>>, vector<10000x128xf32>,
    return
  }
}

module attributes {stable_mosaic.version = 14 : i64} {
  func.func @_fin_body(%arg0: memref<10000x128xf32, #tpu.memory_space<vmem>>, %arg1: memref<10000x128xf32, #tpu.memory_space<vmem>>, %arg2: memref<10000x128xf32, #tpu.memory_space<vmem>>, %arg3: memref<10000x1xf32, #tpu.memory_space<vmem>>, %arg4: memref<128x16xf32, #tpu.memory_space<vmem>>, %arg5: memref<1x3xf32, #tpu.memory_space<vmem>>, %arg6: memref<10000x3xf32, #tpu.memory_space<vmem>>) attributes {dimension_semantics = [], scalar_prefetch = 0 : i64, scratch_operands = 0 : i64, tpu.core_type = #tpu.core_type<tc>} {
    %get3A = arith.constant 0 : index
    %get3A_0 = arith.constant 0 : index
    %get3A_1 = vector.load %arg0[%get3A, %get3A_0] : memref<10000x128xf32, #tpu.memory_space<vmem>>, vector<10000x128xf32>
    %get3A_2 = arith.constant 0 : index
    %get3A_3 = arith.constant 0 : index
    %get3A_4 = vector.load %arg1[%get3A_2, %get3A_3] : memref<10000x128xf32, #tpu.memory_space<vmem>>, vector<10000x128xf32>
    %add3A = arith.addf %get3A_1, %get3A_4 : vector<10000x128xf32>
    %get3A_5 = arith.constant 0 : index
    %get3A_6 = arith.constant 0 : index
    %get3A_7 = vector.load %arg2[%get3A_5, %get3A_6] : memref<10000x128xf32, #tpu.memory_space<vmem>>, vector<10000x128xf32>
    %add3A_8 = arith.addf %add3A, %get3A_7 : vector<10000x128xf32>
    %get3A_9 = arith.constant 0 : index
    %get3A_10 = arith.constant 0 : index
    %get3A_11 = vector.load %arg3[%get3A_9, %get3A_10] : memref<10000x1xf32, #tpu.memory_space<vmem>>, vector<10000x1xf32>
    %mul3A = vector.broadcast %get3A_11 : vector<10000x1xf32> to vector<10000x128xf32>
    %mul3A_12 = arith.mulf %add3A_8, %mul3A : vector<10000x128xf32>
    %get3A_13 = arith.constant 0 : index
    %get3A_14 = arith.constant 0 : index
    %get3A_15 = vector.load %arg4[%get3A_13, %get3A_14] : memref<128x16xf32, #tpu.memory_space<vmem>>, vector<128x16xf32>
    %dot_general3A = arith.constant dense<0.000000e+00> : vector<10000x16xf32>
    %dot_general3A_16 = tpu.matmul %mul3A_12, %get3A_15, %dot_general3A {dimension_numbers = #tpu.dot_dimension_numbers<[1], [0], [0], [1], [0, 0, 1, 1], [], []>, transpose_lhs_hint = false} : vector<10000x128xf32>, vector<128x16xf32>, vector<10000x16xf32> -> vector<10000x16xf32>
    %slice3A = vector.extract_strided_slice %dot_general3A_16 {offsets = [0, 0], sizes = [10000, 3], strides = [1, 1]} : vector<10000x16xf32> to vector<10000x3xf32>
    %get3A_17 = arith.constant 0 : index
    %get3A_18 = arith.constant 0 : index
    %get3A_19 = vector.load %arg5[%get3A_17, %get3A_18] : memref<1x3xf32, #tpu.memory_space<vmem>>, vector<1x3xf32>
    %add3A_20 = vector.broadcast %get3A_19 : vector<1x3xf32> to vector<10000x3xf32>
    %add3A_21 = arith.addf %slice3A, %add3A_20 : vector<10000x3xf32>
    %swap3A = arith.constant 0 : index
    %swap3A_22 = arith.constant 0 : index
    %swap3A_23 = vector.load %arg6[%swap3A, %swap3A_22] : memref<10000x3xf32, #tpu.memory_space<vmem>>, vector<10000x3xf32>
    tpu.vector_store %arg6[%swap3A, %swap3A_22], %add3A_21 {strides = array<i32>} : memref<10000x3xf32, #tpu.memory_space<vmem>>, vector<10000x3xf32>,
    return
  }
}

</mosaic_0001>

<sc_bundles>
// kernel: kernel.12.cloned.1.call-start
scs
__scs_entry_jumppad:
0x0: {  	(pc) =	sbr.rel $0x88, $3  }
0x1: {  	(tag) =	ssettag $0x0;
	lr =	simm.s32 $0x1  }
0x2: {  	[smem:$0x3F9B] =	sst lr;
	_ =	strace $0xD0000000  }
0x3: {  	_ = 	snop  }
0x4: {  	_ = 	snop  }
0x5: {  	_ = 	snop  }
0x6: {  	_ = 	snop  }
0x7: {  	_ = 	snop  }
__scs_overlays_trampoline_lowered:
0x8: {  	[smem:$0x3FAA] =	sst s0  }
0x9: {  	[smem:$0x3FAB] =	sst s1  }
0xa: {  	[smem:$0x3FAC] =	sst s2  }
0xb: {  	[smem:$0x3FAD] =	sst s3  }
0xc: {  	[smem:$0x3FAE] =	sst s4  }
0xd: {  	[smem:$0x3FAF] =	sst s5  }
0xe: {  	[smem:$0x3FB0] =	sst s6  }
0xf: {  	[smem:$0x3FB1] =	sst s7  }
0x10: {  	[smem:$0x3FB2] =	sst s8  }
0x11: {  	[smem:$0x3FB3] =	sst s9;
	s0 =	simm.s32 @!p0 $0x0  }
0x12: {  	s1 =	sld [smem:$0x3F99];
	s0 =	simm.s32 @p0 $0x1  }
0x13: {  	[smem:$0x3FB4] =	sst s0;
	s0 =	simm.s32 @!p1 $0x0  }
0x14: {  	s2 =	sld [smem:$0x3F98];
	s0 =	simm.s32 @p1 $0x1  }
0x15: {  	[smem:$0x3FB5] =	sst s0;
	s0 =	simm.s32 @!p2 $0x0  }
0x16: {  	s3 =	sld [smem:$0x3FDB];
	s0 =	simm.s32 @p2 $0x1  }
0x17: {  	s4 =	simm.s32 $0x1BF5;
	[smem:$0x3FB7] =	sst s0  }
0x18: {  	s0 =	sld [smem:$0x3F9A];
	_ =	swait.ge [sflag:s4], $0x0  }
0x19: {  	s7 =	sld [smem:$0x3F9B]  }
0x1a: {  	s8 =	sadd.s32 $0xFFFFE003, lr  }
0x1b: {  	s9 =	sadd.s32 $0xFFFFFEF7, lr;
	s5 =	simm.s32 $0xFFFFFFFF;
	p2 =	slt.u32 s8, $0xFFFFF086  }
0x1c: {  	p1 =	slt.u32 s9, $0xF7A;
	s5 =	simm.s32 @!p2 $0x0  }
0x1d: {  	s5 =	simm.s32 @p1 $0x1;
	p0 =	seq.s32 s7, s2  }
0x1e: {  	s7 =	smul.u32 @!p0 $0xF7A, s2;
	p2 =	seq.s32 @!p0 s5, $0x0  }
0x1f: {  	s9 =	smul.u32 $0xF7A, s1;
	s8 =	simm.s32 @!p0 $0x1BF5;
	p2 =	por !p2, p0  }
0x20: {  	[sflag:s8] =	ssyncset.s32 @!p0 $0xFFFFF086;
	s6 =	sadd.s32 @!p0 s3, s7;
	s7 =	simm.s32 @!p0 $0x108  }
0x21: {  	s3 =	sadd.s32 s3, s9;
	s6 =	sadd.s32 @!p0 $0x88, s6;
	s7 =	simm.s32 @p2 $0x1082  }
0x22: {  	[simem:s7], [sflag:s8] =	dma.local @!p0 [hbm:s6], $0xF7A  }
0x23: {  	s9 =	sor.u32 $0xD0000000, s2;
	s6 =	simm.s32 $0x108;
	_ =	swait.ge @!p0 [sflag:s8], $0x0  }
0x24: {  	s3 =	sadd.s32 $0x88, s3;
	s6 =	simm.s32 @!p1 $0x1082;
	[sflag:s4] =	ssyncset.s32 $0xFFFFF086  }
0x25: {  	[simem:s6], [sflag:s4] =	dma.local [hbm:s3], $0xF7A  }
0x26: {  	[smem:$0x3F9B] =	sst s1;
	(tag) =	ssettag s2;
	_ =	strace s9  }
0x27: {  	s1 =	sld [smem:$0x3FAB]  }
0x28: {  	s2 =	sld [smem:$0x3FAC]  }
0x29: {  	s4 =	sld [smem:$0x3FAE]  }
0x2a: {  	p0 =	seq.s32 s5, $0x0;
	s5 =	sld [smem:$0x3FAF]  }
0x2b: {  	s6 =	sld [smem:$0x3FB0]  }
0x2c: {  	s7 =	sld [smem:$0x3FB1]  }
0x2d: {  	s3 =	simm.s32 $0x108;
	s8 =	sld [smem:$0x3FB2]  }
0x2e: {  	s3 =	simm.s32 @!p0 $0x1082;
	s9 =	sld [smem:$0x3FB3]  }
0x2f: {  	lr =	sadd.s32 s0, s3;
	s0 =	sld [smem:$0x3FAA]  }
0x30: {  	s3 =	sld [smem:$0x3FAD]  }
0x31: {  	[smem:$0x3FB6] =	sst s10  }
0x32: {  	s10 =	sld [smem:$0x3FB4];
	_ =	sdelay $0x3  }
0x33: {  	p0 =	seq.s32 s10, $0x1;
	s10 =	sld [smem:$0x3FB6];
	_ =	sdelay $0x3  }
0x34: {  	[smem:$0x3FB6] =	sst s10  }
0x35: {  	s10 =	sld [smem:$0x3FB5];
	_ =	sdelay $0x3  }
0x36: {  	p1 =	seq.s32 s10, $0x1;
	s10 =	sld [smem:$0x3FB6];
	_ =	sdelay $0x3  }
0x37: {  	[smem:$0x3FB6] =	sst s10  }
0x38: {  	s10 =	sld [smem:$0x3FB7]  }
0x39: {  	_ = 	snop;
	(pc) =	sbr.ind lr, $3  }
0x3a: {  	_ = 	snop  }
0x3b: {  	_ = 	snop  }
0x3c: {  	p2 =	seq.s32 s10, $0x1;
	s10 =	sld [smem:$0x3FB6]  }
0x3d: {  	_ =	shalt  }
0x3e: {  	_ =	shalt  }
0x3f: {  	_ =	shalt  }
0x40: {  	_ =	shalt  }
0x41: {  	_ =	shalt  }
0x42: {  	_ =	shalt  }
0x43: {  	_ =	shalt  }
0x44: {  	_ =	shalt  }
0x45: {  	_ =	shalt  }
0x46: {  	_ =	shalt  }
0x47: {  	_ =	shalt  }
0x48: {  	_ =	shalt  }
0x49: {  	_ =	shalt  }
0x4a: {  	_ =	shalt  }
0x4b: {  	_ =	shalt  }
0x4c: {  	_ =	shalt  }
0x4d: {  	_ =	shalt  }
0x4e: {  	_ =	shalt  }
0x4f: {  	_ =	shalt  }
0x50: {  	_ =	shalt  }
0x51: {  	_ =	shalt  }
0x52: {  	_ =	shalt  }
0x53: {  	_ =	shalt  }
0x54: {  	_ =	shalt  }
0x55: {  	_ =	shalt  }
0x56: {  	_ =	shalt  }
0x57: {  	_ =	shalt  }
0x58: {  	_ =	shalt  }
0x59: {  	_ =	shalt  }
0x5a: {  	_ =	shalt  }
0x5b: {  	_ =	shalt  }
0x5c: {  	_ =	shalt  }
0x5d: {  	_ =	shalt  }
0x5e: {  	_ =	shalt  }
0x5f: {  	_ =	shalt  }
0x60: {  	_ =	shalt  }
0x61: {  	_ =	shalt  }
0x62: {  	_ =	shalt  }
0x63: {  	_ =	shalt  }
0x64: {  	_ =	shalt  }
0x65: {  	_ =	shalt  }
0x66: {  	_ =	shalt  }
0x67: {  	_ =	shalt  }
0x68: {  	_ =	shalt  }
0x69: {  	_ =	shalt  }
0x6a: {  	_ =	shalt  }
0x6b: {  	_ =	shalt  }
0x6c: {  	_ =	shalt  }
0x6d: {  	_ =	shalt  }
0x6e: {  	_ =	shalt  }
0x6f: {  	_ =	shalt  }
0x70: {  	_ =	shalt  }
0x71: {  	_ =	shalt  }
0x72: {  	_ =	shalt  }
0x73: {  	_ =	shalt  }
0x74: {  	_ =	shalt  }
0x75: {  	_ =	shalt  }
0x76: {  	_ =	shalt  }
0x77: {  	_ =	shalt  }
0x78: {  	_ =	shalt  }
0x79: {  	_ =	shalt  }
0x7a: {  	_ =	shalt  }
0x7b: {  	_ =	shalt  }
0x7c: {  	_ =	shalt  }
0x7d: {  	_ =	shalt  }
0x7e: {  	_ =	shalt  }
0x7f: {  	_ =	shalt  }
0x80: {  	_ =	shalt  }
0x81: {  	_ =	shalt  }
0x82: {  	_ =	shalt  }
0x83: {  	_ =	shalt  }
0x84: {  	_ =	shalt  }
0x85: {  	_ =	shalt  }
0x86: {  	_ =	shalt  }
0x87: {  	_ =	shalt  }
.Lfunc_end0:
.L_simem_size_0:
called_computation.1_lowered:
.L_overlay_start_0:
0x88: {  	s2 =	sld [smem:$0x3FD9]  }
0x89: {  	s3 =	sld [smem:$0x3FFE];
	_ =	sdelay $0x1  }
0x8a: {  	s1 =	srdreg.scid  }
0x8b: {  	s0 =	sand.u32 $0x1, s1  }
0x8c: {  	s16 =	sshll.u32 s0, $0xA;
	s2 =	sadd.s32 s3, s2  }
0x8d: {  	s2 =	sadd.s32 s2, s16  }
0x8e: {  	[smem:$0x3FC2] =	sst s2  }
0x8f: {  	_ = 	snop  }
0x90: {  	(tm) =	ssettm $0x1  }
0x91: {  	s17 =	sld [smem:$0x3FFB];
	_ =	sdelay $0x3  }
0x92: {  	_ =	strace s17  }
0x93: {  	s2 =	sld [smem:$0x3FFC];
	_ =	sdelay $0x3  }
0x94: {  	_ =	strace s2  }
0x95: {  	s2 =	sld [smem:$0x3FFD];
	_ =	sdelay $0x3  }
0x96: {  	_ =	strace s2  }
0x97: {  	_ =	strace $0x8FFFFFFF  }
0x98: {  	s18 =	sld [smem:$0x3FDB];
	_ =	sdelay $0x1  }
0x99: {  	s19 =	simm.s32 $_scs_section_size  }
0x9a: {  	s4 =	simm.s32 $_size__tile_overlayer_lowered;
	s5 =	simm.s32 $_tile_overlayer_lowered  }
0x9b: {  	s22 =	simm.s32 $0x1BFF;
	s21 =	sshll.u32 s5, $0x1;
	s2 =	sadd.s32 s19, s18  }
0x9c: {  	s6 =	simm.s32 $0x0;
	s20 =	sshll.u32 s4, $0x1;
	s4 =	sadd.s32 s21, s2  }
0x9d: {  	[timem:s6], [sflag:s22] =	dma.local [hbm:s4], s20  }
0x9e: {  	_ =	swait.ge [sflag:s22], s20  }
0x9f: {  	s3 =	ssub.s32 $0x0, s20;
	[sflag:s22] =	ssyncset.done $0x0  }
0xa0: {  	[sflag:s22] =	ssyncadd.s32 s3;
	_ =	sdelay $0x1  }
0xa1: {  	s23 =	simm.s32 $0x1B8B  }
0xa2: {  	_ =	swait.ge [sflag:s23], $0x1  }
0xa3: {  	[sflag:s23] =	ssyncset.done $0x0  }
0xa4: {  	s25 =	simm.s32 $0x1B8E;
	s24 =	sld [smem:$0x3FFE];
	[sflag:s23] =	ssyncadd.s32 $0xFFFFFFFF  }
0xa5: {  	s26 =	simm.s32 $execute0_lowered;
	[smem:$0x3FD2] =	sst s25  }
0xa6: {  	s4 =	sshll.u32 s26, $0x1;
	_ =	strace $0x80000049;
	[dreg:$0x1] =	wrdreg $0xFFFFFFFF  }
0xa7: {  	s28 =	simm.s32 $_size_execute0_lowered;
	s2 =	sadd.s32 s2, s4;
	[dreg:$0x0] =	wrdreg $0x0  }
0xa8: {  	s4 =	sshll.u32 s28, $0x1;
	[dreg:$0x2] =	wrdreg s2  }
0xa9: {  	[dreg:$0x3] =	wrdreg s4  }
0xaa: {  	[dreg:$0x4] =	wrdreg $0xC0  }
0xab: {  	_ =	task [dreg:s6], $0x5FFFF  }
0xac: {  	[dreg:$0x1] =	wrdreg $0xFFFFFFFF  }
0xad: {  	[dreg:$0x0] =	wrdreg $0x60  }
0xae: {  	[dreg:$0x2] =	wrdreg s24  }
0xaf: {  	[dreg:$0x3] =	wrdreg $0xA8000  }
0xb0: {  	[dreg:$0x4] =	wrdreg $0x9  }
0xb1: {  	_ =	task.clear_ibuf [dreg:s6], $0x5FFFF;
	_ =	strace $0x90000049  }
0xb2: {  	s29 =	simm.s32 $0x9;
	_ =	strace $0x8000004B  }
0xb3: {  	_ =	swait.ge [sflag:s29], $0x1  }
0xb4: {  	[sflag:s29] =	ssyncadd.s32 $0xFFFFFFFF  }
0xb5: {  	_ =	strace $0x9000004B  }
0xb6: {  	_ =	sfence  }
0xb7: {  	s30 =	sld [smem:$0x0];
	_ =	sdelay $0x2  }
0xb8: {  	s31 =	sshll.u32 s1, $0xD;
	s1 =	sshrl.u32 s1, $0x2  }
0xb9: {  	s3 =	sand.u32 $0x4000, s31;
	s1 =	sadd.s32 s1, s30  }
0xba: {  	s0 =	sor.u32 s3, s0;
	s1 =	sshll.u32 s1, $0x11  }
0xbb: {  	s0 =	sor.u32 s1, s0  }
0xbc: {  	s0 =	sadd.s32 $0x8F2B, s0  }
0xbd: {  	[sflag:s0] =	ssyncadd.remote.s32 $0x1  }
0xbe: {  	_ =	sfence.sel $0xFFFF  }
0xbf: {  	[dreg:$0x0] =	wrdreg $0xFFFFFFFF;
	(pc) =	sbr.abs _section_cstart, $3  }
0xc0: {  	[dreg:$0x1] =	wrdreg $0xFFFFFFFF  }
0xc1: {  	_ =	task.clear_ibuf [dreg:s6], $0x2FFFF;
	_ =	strace $0x9FFFFFFF  }
0xc2: {  	(tm) =	ssettm $0x7FFFFFFF  }
0xc3: {  	_ =	shalt  }
tec
execute0_lowered:
.L_overlay_start_1:
0x0: {  	(tag) =	ssettag $0x1  }
0x1: {  	s0 =	rddreg [dreg:$0x0]  }
0x2: {  	s1 =	rddreg [dreg:$0x1]  }
0x3: {  	s2 =	simm.s32 $0x0;
	s5 =	srdreg.scid;
	s3 =	stileid.u32  }
0x4: {  	s22 =	simm.s32 $0x1400;
	s28 =	simm.s32 $0x2700;
	s29 =	simm.s32 $0x2780  }
0x5: {  	s30 =	simm.s32 $0x0;
	[smem:$0x7FF] =	sst s2;
	s4 =	sadd.s32 $0x17400, s0  }
0x6: {  	s12 =	sadd.s32 $0x3400, s0;
	s13 =	sadd.s32 $0xD400, s0;
	s14 =	smul.u32 $0x280, s3  }
0x7: {  	s9 =	sand.u32 $0x1, s5;
	s0 =	sadd.s32 $0x65800, s0;
	s8 =	smul.u32 $0x50000, s3  }
0x8: {  	_ =	strace $0x8000004A;
	s5 =	ssub.s32 $0x2, s9;
	s7 =	sshll.u32 s9, $0x4  }
0x9: {  	s21 =	smul.u32 $0x2800, s9;
	s6 =	sshrl.u32 s5, $0x1;
	s10 =	sor.u32 s3, s7  }
0xa: {  	s15 =	sadd.s32 $0x80, s14;
	s23 =	sshrl.u32 s8, $0x2;
	s16 =	sadd.s32 $0x100, s14  }
0xb: {  	s17 =	sadd.s32 $0x180, s14;
	s18 =	sadd.s32 $0x200, s14;
	s19 =	ssub.s32 s5, s6  }
0xc: {  	s24 =	sshll.u32 s15, $0x7;
	s5 =	sadd.s32 s23, s1;
	s11 =	smul.u32 $0x500, s10  }
0xd: {  	s25 =	sshll.u32 s16, $0x7;
	s26 =	sshll.u32 s17, $0x7;
	s20 =	smul.u32 $0x2800, s10  }
0xe: {  	s31 =	sshll.u32 s18, $0x7;
	s14 =	sadd.s32 s14, s21;
	s15 =	sadd.s32 s21, s15  }
0xf: {  	s16 =	sadd.s32 s21, s16;
	s17 =	sadd.s32 s21, s17;
	s18 =	sadd.s32 s21, s18  }
0x10: {  	s21 =	simm.s32 $0x3;
	s23 =	simm.s32 $0x80;
	s6 =	sadd.s32 s24, s1  }
0x11: {  	s7 =	sadd.s32 s25, s1;
	s8 =	sadd.s32 s26, s1;
	s9 =	sadd.s32 s31, s1  }
0x12: {  	s14 =	sshll.u32 s14, $0x4;
	s15 =	sshll.u32 s15, $0x4;
	s16 =	sshll.u32 s16, $0x4  }
0x13: {  	s17 =	sshll.u32 s17, $0x4;
	s18 =	sshll.u32 s18, $0x4;
	s19 =	smax.u32 s19, $0x1  }
0x14: {  	s24 =	simm.s32 $0x6800;
	s25 =	simm.s32 $0x1;
	s26 =	simm.s32 $0x2  }
0x15: {  	s10 =	sadd.s32 s12, s11;
	s20 =	sshrl.u32 s20, $0x3;
	s11 =	sadd.s32 s13, s11  }
0x16: {  	s14 =	sadd.s32 s0, s14;
	s15 =	sadd.s32 s0, s15;
	s16 =	sadd.s32 s0, s16  }
0x17: {  	s17 =	sadd.s32 s0, s17;
	s18 =	sadd.s32 s0, s18;
	s20 =	sadd.s32 $0x280, s20  }
0x18: {  	v0 =	vimm.f32 $0.0e+00;
	s12 =	sadd.s32 s12, s20;
	s13 =	sadd.s32 s13, s20;
	s20 =	simm.s32 $0x2800  }
.LBB2_1:
0x19: {  	s31 =	simm.s32 $0x0;
	s0 =	simm.s32 $0x200  }
.LBB2_2:
0x1a: {  	p0 =	sne.s32 s0, $0xFE00;
	[tilespmem:s31+$0x2870] =	vst v0  }
0x1b: {  	[tilespmem:s31+$0x2800] =	vst v0  }
0x1c: {  	[tilespmem:s31+$0x2810] =	vst v0  }
.Ltmp0:
0x1d: {  	[tilespmem:s31+$0x2820] =	vst v0;
	(pc) =	sbr.rel @p0 .LBB2_2-.Ltmp0, $4  }
0x1e: {  	[tilespmem:s31+$0x2830] =	vst v0  }
0x1f: {  	[tilespmem:s31+$0x2840] =	vst v0  }
0x20: {  	[tilespmem:s31+$0x2850] =	vst v0  }
0x21: {  	[tilespmem:s31+$0x2860] =	vst v0;
	s31 =	sshra.s32 s0, $0x2;
	s0 =	sadd.s32 $0x200, s0  }
0x22: {  	[tilespmem:s31+$0x2870] =	vst v0  }
0x23: {  	[tilespmem:s31+$0x2800] =	vst v0  }
0x24: {  	[tilespmem:s31+$0x2810] =	vst v0  }
0x25: {  	[tilespmem:s31+$0x2820] =	vst v0  }
0x26: {  	[tilespmem:s31+$0x2830] =	vst v0  }
0x27: {  	[tilespmem:s31+$0x2840] =	vst v0  }
0x28: {  	[tilespmem:s31+$0x2850] =	vst v0  }
0x29: {  	[tilespmem:s31+$0x2860] =	vst v0  }
0x2a: {  	[spmem:s5] =	stream.linear.scatter [tilespmem:s20], [sflag:$0x3], $0x4000, $0x38;
	[tilespmem:$0x1E800] =	vst v63  }
0x2b: {  	_ =	swait.ge [sflag:s21], $0x4000  }
0x2c: {  	[sflag:s21] =	ssyncset.done $0x0  }
0x2d: {  	[sflag:s21] =	ssyncadd.s32 $0xFFFFC000  }
0x2e: {  	[spmem:s6] =	stream.linear.scatter [tilespmem:s20], [sflag:$0x3], $0x4000, $0x38;
	[tilespmem:$0x1E800] =	vst v63  }
0x2f: {  	_ =	swait.ge [sflag:s21], $0x4000  }
0x30: {  	[sflag:s21] =	ssyncset.done $0x0  }
0x31: {  	[sflag:s21] =	ssyncadd.s32 $0xFFFFC000  }
0x32: {  	[spmem:s7] =	stream.linear.scatter [tilespmem:s20], [sflag:$0x3], $0x4000, $0x38;
	[tilespmem:$0x1E800] =	vst v63  }
0x33: {  	_ =	swait.ge [sflag:s21], $0x4000  }
0x34: {  	[sflag:s21] =	ssyncset.done $0x0  }
0x35: {  	[sflag:s21] =	ssyncadd.s32 $0xFFFFC000  }
0x36: {  	[spmem:s8] =	stream.linear.scatter [tilespmem:s20], [sflag:$0x3], $0x4000, $0x38;
	[tilespmem:$0x1E800] =	vst v63  }
0x37: {  	_ =	swait.ge [sflag:s21], $0x4000  }
0x38: {  	[sflag:s21] =	ssyncset.done $0x0  }
0x39: {  	[sflag:s21] =	ssyncadd.s32 $0xFFFFC000  }
0x3a: {  	[spmem:s9] =	stream.linear.scatter [tilespmem:s20], [sflag:$0x3], $0x4000, $0x38;
	[tilespmem:$0x1E800] =	vst v63  }
0x3b: {  	_ =	swait.ge [sflag:s21], $0x4000  }
0x3c: {  	[sflag:s21] =	ssyncset.done $0x0  }
0x3d: {  	[sflag:s21] =	ssyncadd.s32 $0xFFFFC000  }
0x3e: {  	s0 =	simm.s32 $0x0;
	[bflag:$0x0] =	sbarrier.arrive $0xFFFF  }
0x3f: {  	[tilespmem:s0], [sflag:$0x3] =	stream.linear.gather [hbm4b:s10+s0], $0x1400, $0x38;
	[tilespmem:$0x1E800] =	vst v63  }
0x40: {  	_ =	swait.ge [sflag:s21], $0x1400  }
0x41: {  	[sflag:s21] =	ssyncset.done $0x0  }
0x42: {  	[sflag:s21] =	ssyncadd.s32 $0xFFFFEC00  }
0x43: {  	[tilespmem:s22], [sflag:$0x3] =	stream.linear.gather [hbm4b:s11+s0], $0x1400, $0x38;
	[tilespmem:$0x1E800] =	vst v63  }
0x44: {  	_ =	swait.ge [sflag:s21], $0x1400  }
0x45: {  	[sflag:s21] =	ssyncset.done $0x0  }
0x46: {  	[sflag:s21] =	ssyncadd.s32 $0xFFFFEC00  }
0x47: {  	[tilespmem:s20], [sflag:$0x1] =	stream.indirect.gather [hbm4b:s4+s23], $0x80, s0, s23, $0xb8;
	[tilespmem:$0x1E800] =	vst v63  }
0x48: {  	_ = 	snop  }
0x49: {  	[tilespmem:s24], [sflag:$0x2] =	stream.indirect.gather [hbm4b:s4+s23], $0x80, s23, s23, $0xb8;
	[tilespmem:$0x1E800] =	vst v63  }
0x4a: {  	_ =	swait.ge [sflag:s25], $0x4000  }
0x4b: {  	[sflag:s25] =	ssyncset.done $0x0  }
0x4c: {  	s3 =	simm.s32 $0x1400;
	[sflag:s25] =	ssyncadd.s32 $0xFFFFC000  }
0x4d: {  	[spmem:s1] =	stream.indirect.scatter.add.f32 [tilespmem:s20], [sflag:$0x3], $0x80, s3, s23, $0xb8;
	[tilespmem:$0x1E800] =	vst v63  }
0x4e: {  	_ =	swait.ge [sflag:s21], $0x4000  }
0x4f: {  	[sflag:s21] =	ssyncset.done $0x0  }
0x50: {  	s3 =	simm.s32 $0x100;
	[sflag:s21] =	ssyncadd.s32 $0xFFFFC000  }
0x51: {  	[tilespmem:s20], [sflag:$0x1] =	stream.indirect.gather [hbm4b:s4+s23], $0x80, s3, s23, $0xb8;
	[tilespmem:$0x1E800] =	vst v63  }
0x52: {  	_ =	swait.ge [sflag:s26], $0x4000  }
0x53: {  	[sflag:s26] =	ssyncset.done $0x0  }
0x54: {  	s3 =	simm.s32 $0x1480;
	[sflag:s26] =	ssyncadd.s32 $0xFFFFC000  }
0x55: {  	[spmem:s1] =	stream.indirect.scatter.add.f32 [tilespmem:s24], [sflag:$0x3], $0x80, s3, s23, $0xb8;
	[tilespmem:$0x1E800] =	vst v63  }
0x56: {  	_ =	swait.ge [sflag:s21], $0x4000  }
0x57: {  	[sflag:s21] =	ssyncset.done $0x0  }
0x58: {  	s31 =	simm.s32 $0x400;
	s0 =	simm.s32 $0x180;
	[sflag:s21] =	ssyncadd.s32 $0xFFFFC000  }
.LBB2_4:
0x59: {  	[tilespmem:s24], [sflag:$0x2] =	stream.indirect.gather [hbm4b:s4+s23], $0x80, s0, s23, $0xb8;
	[tilespmem:$0x1E800] =	vst v63  }
0x5a: {  	s0 =	smov.u32 s31  }
0x5b: {  	p0 =	sne.s32 s31, $0x4800;
	s31 =	sadd.s32 $0x400, s31;
	_ =	swait.ge [sflag:s25], $0x4000  }
0x5c: {  	s0 =	sshra.s32 s0, $0x2;
	[sflag:s25] =	ssyncset.done $0x0  }
0x5d: {  	s3 =	sadd.s32 $0x1400, s0;
	[sflag:s25] =	ssyncadd.s32 $0xFFFFC000  }
0x5e: {  	[spmem:s1] =	stream.indirect.scatter.add.f32 [tilespmem:s20], [sflag:$0x3], $0x80, s3, s23, $0xb8;
	[tilespmem:$0x1E800] =	vst v63  }
0x5f: {  	_ =	swait.ge [sflag:s21], $0x4000  }
0x60: {  	[sflag:s21] =	ssyncset.done $0x0  }
0x61: {  	s3 =	sadd.s32 $0x100, s0;
	[sflag:s21] =	ssyncadd.s32 $0xFFFFC000  }
0x62: {  	[tilespmem:s20], [sflag:$0x1] =	stream.indirect.gather [hbm4b:s4+s23], $0x80, s3, s23, $0xb8;
	[tilespmem:$0x1E800] =	vst v63  }
0x63: {  	_ =	swait.ge [sflag:s26], $0x4000  }
0x64: {  	[sflag:s26] =	ssyncset.done $0x0  }
.Ltmp1:
0x65: {  	s3 =	sadd.s32 $0x1480, s0;
	[sflag:s26] =	ssyncadd.s32 $0xFFFFC000;
	(pc) =	sbr.rel @p0 .LBB2_4-.Ltmp1, $4  }
0x66: {  	[spmem:s1] =	stream.indirect.scatter.add.f32 [tilespmem:s24], [sflag:$0x3], $0x80, s3, s23, $0xb8;
	[tilespmem:$0x1E800] =	vst v63  }
0x67: {  	_ =	swait.ge [sflag:s21], $0x4000  }
0x68: {  	[sflag:s21] =	ssyncset.done $0x0  }
0x69: {  	s0 =	sadd.s32 $0x180, s0;
	[sflag:s21] =	ssyncadd.s32 $0xFFFFC000  }
0x6a: {  	[tilespmem:s24], [sflag:$0x2] =	stream.indirect.gather [hbm4b:s4+s23], $0x80, s0, s23, $0xb8;
	[tilespmem:$0x1E800] =	vst v63  }
0x6b: {  	_ =	swait.ge [sflag:s25], $0x4000  }
0x6c: {  	[sflag:s25] =	ssyncset.done $0x0  }
0x6d: {  	[sflag:s25] =	ssyncadd.s32 $0xFFFFC000  }
0x6e: {  	[spmem:s1] =	stream.indirect.scatter.add.f32 [tilespmem:s20], [sflag:$0x3], $0x80, s28, s23, $0xb8;
	[tilespmem:$0x1E800] =	vst v63  }
0x6f: {  	_ =	swait.ge [sflag:s21], $0x4000  }
0x70: {  	[sflag:s21] =	ssyncset.done $0x0  }
0x71: {  	[sflag:s21] =	ssyncadd.s32 $0xFFFFC000  }
0x72: {  	_ =	swait.ge [sflag:s26], $0x4000  }
0x73: {  	[sflag:s26] =	ssyncset.done $0x0  }
0x74: {  	[sflag:s26] =	ssyncadd.s32 $0xFFFFC000  }
0x75: {  	[spmem:s1] =	stream.indirect.scatter.add.f32 [tilespmem:s24], [sflag:$0x3], $0x80, s29, s23, $0xb8;
	[tilespmem:$0x1E800] =	vst v63  }
0x76: {  	_ =	swait.ge [sflag:s21], $0x4000  }
0x77: {  	[sflag:s21] =	ssyncset.done $0x0  }
0x78: {  	s3 =	simm.s32 $0x0;
	[sflag:s21] =	ssyncadd.s32 $0xFFFFC000  }
0x79: {  	[tilespmem:s3], [sflag:$0x3] =	stream.linear.gather [hbm4b:s12+s3], $0x1400, $0x38;
	[tilespmem:$0x1E800] =	vst v63  }
0x7a: {  	_ =	swait.ge [sflag:s21], $0x1400  }
0x7b: {  	[sflag:s21] =	ssyncset.done $0x0  }
0x7c: {  	[sflag:s21] =	ssyncadd.s32 $0xFFFFEC00  }
0x7d: {  	[tilespmem:s22], [sflag:$0x3] =	stream.linear.gather [hbm4b:s13+s3], $0x1400, $0x38;
	[tilespmem:$0x1E800] =	vst v63  }
0x7e: {  	_ =	swait.ge [sflag:s21], $0x1400  }
0x7f: {  	[sflag:s21] =	ssyncset.done $0x0  }
0x80: {  	[sflag:s21] =	ssyncadd.s32 $0xFFFFEC00  }
0x81: {  	[tilespmem:s20], [sflag:$0x1] =	stream.indirect.gather [hbm4b:s4+s23], $0x80, s3, s23, $0xb8;
	[tilespmem:$0x1E800] =	vst v63  }
0x82: {  	_ = 	snop  }
0x83: {  	[tilespmem:s24], [sflag:$0x2] =	stream.indirect.gather [hbm4b:s4+s23], $0x80, s23, s23, $0xb8;
	[tilespmem:$0x1E800] =	vst v63  }
0x84: {  	_ =	swait.ge [sflag:s25], $0x4000  }
0x85: {  	[sflag:s25] =	ssyncset.done $0x0  }
0x86: {  	s3 =	simm.s32 $0x1400;
	[sflag:s25] =	ssyncadd.s32 $0xFFFFC000  }
0x87: {  	[spmem:s1] =	stream.indirect.scatter.add.f32 [tilespmem:s20], [sflag:$0x3], $0x80, s3, s23, $0xb8;
	[tilespmem:$0x1E800] =	vst v63  }
0x88: {  	_ =	swait.ge [sflag:s21], $0x4000  }
0x89: {  	[sflag:s21] =	ssyncset.done $0x0  }
0x8a: {  	s3 =	simm.s32 $0x100;
	[sflag:s21] =	ssyncadd.s32 $0xFFFFC000  }
0x8b: {  	[tilespmem:s20], [sflag:$0x1] =	stream.indirect.gather [hbm4b:s4+s23], $0x80, s3, s23, $0xb8;
	[tilespmem:$0x1E800] =	vst v63  }
0x8c: {  	_ =	swait.ge [sflag:s26], $0x4000  }
0x8d: {  	[sflag:s26] =	ssyncset.done $0x0  }
0x8e: {  	s3 =	simm.s32 $0x1480;
	[sflag:s26] =	ssyncadd.s32 $0xFFFFC000  }
0x8f: {  	[spmem:s1] =	stream.indirect.scatter.add.f32 [tilespmem:s24], [sflag:$0x3], $0x80, s3, s23, $0xb8;
	[tilespmem:$0x1E800] =	vst v63  }
0x90: {  	_ =	swait.ge [sflag:s21], $0x4000  }
0x91: {  	[sflag:s21] =	ssyncset.done $0x0  }
0x92: {  	s31 =	simm.s32 $0x400;
	s0 =	simm.s32 $0x180;
	[sflag:s21] =	ssyncadd.s32 $0xFFFFC000  }
.LBB2_6:
0x93: {  	[tilespmem:s24], [sflag:$0x2] =	stream.indirect.gather [hbm4b:s4+s23], $0x80, s0, s23, $0xb8;
	[tilespmem:$0x1E800] =	vst v63  }
0x94: {  	s0 =	smov.u32 s31  }
0x95: {  	p0 =	sne.s32 s31, $0x4800;
	s31 =	sadd.s32 $0x400, s31;
	_ =	swait.ge [sflag:s25], $0x4000  }
0x96: {  	s0 =	sshra.s32 s0, $0x2;
	[sflag:s25] =	ssyncset.done $0x0  }
0x97: {  	s3 =	sadd.s32 $0x1400, s0;
	[sflag:s25] =	ssyncadd.s32 $0xFFFFC000  }
0x98: {  	[spmem:s1] =	stream.indirect.scatter.add.f32 [tilespmem:s20], [sflag:$0x3], $0x80, s3, s23, $0xb8;
	[tilespmem:$0x1E800] =	vst v63  }
0x99: {  	_ =	swait.ge [sflag:s21], $0x4000  }
0x9a: {  	[sflag:s21] =	ssyncset.done $0x0  }
0x9b: {  	s3 =	sadd.s32 $0x100, s0;
	[sflag:s21] =	ssyncadd.s32 $0xFFFFC000  }
0x9c: {  	[tilespmem:s20], [sflag:$0x1] =	stream.indirect.gather [hbm4b:s4+s23], $0x80, s3, s23, $0xb8;
	[tilespmem:$0x1E800] =	vst v63  }
0x9d: {  	_ =	swait.ge [sflag:s26], $0x4000  }
0x9e: {  	[sflag:s26] =	ssyncset.done $0x0  }
.Ltmp2:
0x9f: {  	s3 =	sadd.s32 $0x1480, s0;
	[sflag:s26] =	ssyncadd.s32 $0xFFFFC000;
	(pc) =	sbr.rel @p0 .LBB2_6-.Ltmp2, $4  }
0xa0: {  	[spmem:s1] =	stream.indirect.scatter.add.f32 [tilespmem:s24], [sflag:$0x3], $0x80, s3, s23, $0xb8;
	[tilespmem:$0x1E800] =	vst v63  }
0xa1: {  	_ =	swait.ge [sflag:s21], $0x4000  }
0xa2: {  	[sflag:s21] =	ssyncset.done $0x0  }
0xa3: {  	s0 =	sadd.s32 $0x180, s0;
	[sflag:s21] =	ssyncadd.s32 $0xFFFFC000  }
0xa4: {  	[tilespmem:s24], [sflag:$0x2] =	stream.indirect.gather [hbm4b:s4+s23], $0x80, s0, s23, $0xb8;
	[tilespmem:$0x1E800] =	vst v63  }
0xa5: {  	_ =	swait.ge [sflag:s25], $0x4000  }
0xa6: {  	[sflag:s25] =	ssyncset.done $0x0  }
0xa7: {  	[sflag:s25] =	ssyncadd.s32 $0xFFFFC000  }
0xa8: {  	[spmem:s1] =	stream.indirect.scatter.add.f32 [tilespmem:s20], [sflag:$0x3], $0x80, s28, s23, $0xb8;
	[tilespmem:$0x1E800] =	vst v63  }
0xa9: {  	_ =	swait.ge [sflag:s21], $0x4000  }
0xaa: {  	[sflag:s21] =	ssyncset.done $0x0  }
0xab: {  	[sflag:s21] =	ssyncadd.s32 $0xFFFFC000  }
0xac: {  	_ =	swait.ge [sflag:s26], $0x4000  }
0xad: {  	[sflag:s26] =	ssyncset.done $0x0  }
0xae: {  	[sflag:s26] =	ssyncadd.s32 $0xFFFFC000  }
0xaf: {  	[spmem:s1] =	stream.indirect.scatter.add.f32 [tilespmem:s24], [sflag:$0x3], $0x80, s29, s23, $0xb8;
	[tilespmem:$0x1E800] =	vst v63  }
0xb0: {  	_ =	swait.ge [sflag:s21], $0x4000  }
0xb1: {  	[sflag:s21] =	ssyncset.done $0x0  }
0xb2: {  	[sflag:s21] =	ssyncadd.s32 $0xFFFFC000  }
0xb3: {  	[bflag:$0x0] =	sbarrier.arrive $0xFFFF  }
0xb4: {  	[tilespmem:s20], [sflag:$0x3] =	stream.linear.gather [spmem:s5], $0x4000, $0x38;
	[tilespmem:$0x1E800] =	vst v63  }
0xb5: {  	_ =	swait.ge [sflag:s21], $0x4000  }
0xb6: {  	[sflag:s21] =	ssyncset.done $0x0  }
0xb7: {  	[sflag:s21] =	ssyncadd.s32 $0xFFFFC000  }
0xb8: {  	[hbm4b:s14+s2] =	stream.linear.scatter [tilespmem:s20], [sflag:$0x3], $0x4000, $0x38;
	[tilespmem:$0x1E800] =	vst v63  }
0xb9: {  	_ =	swait.ge [sflag:s21], $0x4000  }
0xba: {  	[sflag:s21] =	ssyncset.done $0x0  }
0xbb: {  	[sflag:s21] =	ssyncadd.s32 $0xFFFFC000  }
0xbc: {  	[tilespmem:s20], [sflag:$0x3] =	stream.linear.gather [spmem:s6], $0x4000, $0x38;
	[tilespmem:$0x1E800] =	vst v63  }
0xbd: {  	_ =	swait.ge [sflag:s21], $0x4000  }
0xbe: {  	[sflag:s21] =	ssyncset.done $0x0  }
0xbf: {  	[sflag:s21] =	ssyncadd.s32 $0xFFFFC000  }
0xc0: {  	[hbm4b:s15+s2] =	stream.linear.scatter [tilespmem:s20], [sflag:$0x3], $0x4000, $0x38;
	[tilespmem:$0x1E800] =	vst v63  }
0xc1: {  	_ =	swait.ge [sflag:s21], $0x4000  }
0xc2: {  	[sflag:s21] =	ssyncset.done $0x0  }
0xc3: {  	[sflag:s21] =	ssyncadd.s32 $0xFFFFC000  }
0xc4: {  	[tilespmem:s20], [sflag:$0x3] =	stream.linear.gather [spmem:s7], $0x4000, $0x38;
	[tilespmem:$0x1E800] =	vst v63  }
0xc5: {  	_ =	swait.ge [sflag:s21], $0x4000  }
0xc6: {  	[sflag:s21] =	ssyncset.done $0x0  }
0xc7: {  	[sflag:s21] =	ssyncadd.s32 $0xFFFFC000  }
0xc8: {  	[hbm4b:s16+s2] =	stream.linear.scatter [tilespmem:s20], [sflag:$0x3], $0x4000, $0x38;
	[tilespmem:$0x1E800] =	vst v63  }
0xc9: {  	_ =	swait.ge [sflag:s21], $0x4000  }
0xca: {  	[sflag:s21] =	ssyncset.done $0x0  }
0xcb: {  	[sflag:s21] =	ssyncadd.s32 $0xFFFFC000  }
0xcc: {  	[tilespmem:s20], [sflag:$0x3] =	stream.linear.gather [spmem:s8], $0x4000, $0x38;
	[tilespmem:$0x1E800] =	vst v63  }
0xcd: {  	_ =	swait.ge [sflag:s21], $0x4000  }
0xce: {  	[sflag:s21] =	ssyncset.done $0x0  }
0xcf: {  	[sflag:s21] =	ssyncadd.s32 $0xFFFFC000  }
0xd0: {  	[hbm4b:s17+s2] =	stream.linear.scatter [tilespmem:s20], [sflag:$0x3], $0x4000, $0x38;
	[tilespmem:$0x1E800] =	vst v63  }
0xd1: {  	_ =	swait.ge [sflag:s21], $0x4000  }
0xd2: {  	[sflag:s21] =	ssyncset.done $0x0  }
0xd3: {  	[sflag:s21] =	ssyncadd.s32 $0xFFFFC000  }
0xd4: {  	[tilespmem:s20], [sflag:$0x3] =	stream.linear.gather [spmem:s9], $0x4000, $0x38;
	[tilespmem:$0x1E800] =	vst v63  }
0xd5: {  	s30 =	sadd.s32 $0x1, s30;
	_ =	swait.ge [sflag:s21], $0x4000  }
0xd6: {  	p0 =	sne.s32 s30, s19;
	[sflag:s21] =	ssyncset.done $0x0  }
.Ltmp3:
0xd7: {  	[sflag:s21] =	ssyncadd.s32 $0xFFFFC000;
	(pc) =	sbr.rel @p0 .LBB2_1-.Ltmp3, $4  }
0xd8: {  	[hbm4b:s18+s2] =	stream.linear.scatter [tilespmem:s20], [sflag:$0x3], $0x4000, $0x38;
	[tilespmem:$0x1E800] =	vst v63  }
0xd9: {  	_ =	swait.ge [sflag:s21], $0x4000  }
0xda: {  	[sflag:s21] =	ssyncset.done $0x0  }
0xdb: {  	[sflag:s21] =	ssyncadd.s32 $0xFFFFC000  }
0xdc: {  	_ =	sfence.sel $0x180000  }
0xdd: {  	[bflag:$0x0] =	sbarrier.arrive $0xFFFF  }
0xde: {  	_ =	strace $0x9000004A  }
0xdf: {  	s0 =	stileid.u32;
	[bflag:$0x2] =	sbarrier.arrive $0xFFFF  }
0xe0: {  	p0 =	sne.s32 s0, $0x0;
	s0 =	rddreg [dreg:$0x2]  }
0xe1: {  	s0 =	sadd.s32 @!p0 $0x100000, s0  }
0xe2: {  	[sflag:s0] =	ssyncadd.tile.s32 @!p0 $0x1;
	_ =	shalt  }
.Lfunc_end2:
_tile_overlayer_lowered:
.L_overlay_start_2:
0xe3: {  	(tag) =	ssettag $0x2  }
0xe4: {  	s0 =	rddreg [dreg:$0x0];
	s2 =	stileid.u32  }
0xe5: {  	s1 =	rddreg [dreg:$0x1];
	p0 =	sne.s32 s2, $0x0  }
0xe6: {  	s3 =	rddreg [dreg:$0x2];
	[bflag:$0x3] =	sbarrier.arrive $0xFFFF;
	s2 =	simm.s32 @!p0 $0x1C03  }
0xe7: {  	[timem:s3], [sflag:s2] =	dma.local @!p0 [hbm:s0], s1  }
0xe8: {  	s0 =	simm.s32 @!p0 $0x3  }
0xe9: {  	_ =	swait.ge @!p0 [sflag:s0], s1  }
0xea: {  	s1 =	ssub.s32 @!p0 $0x0, s1;
	[sflag:s0] =	ssyncset.done @!p0 $0x0  }
0xeb: {  	[sflag:s0] =	ssyncadd.s32 @!p0 s1  }
0xec: {  	[bflag:$0x3] =	sbarrier.arrive $0xFFFF  }
0xed: {  	_ =	shalt  }

// kernel: kernel.15.cloned.1.call-start
scs
__scs_entry_jumppad:
0x0: {  	(pc) =	sbr.rel $0x88, $3  }
0x1: {  	(tag) =	ssettag $0x0;
	lr =	simm.s32 $0x1  }
0x2: {  	[smem:$0x3F9B] =	sst lr;
	_ =	strace $0xD0000000  }
0x3: {  	_ = 	snop  }
0x4: {  	_ = 	snop  }
0x5: {  	_ = 	snop  }
0x6: {  	_ = 	snop  }
0x7: {  	_ = 	snop  }
__scs_overlays_trampoline_lowered:
0x8: {  	[smem:$0x3FAA] =	sst s0  }
0x9: {  	[smem:$0x3FAB] =	sst s1  }
0xa: {  	[smem:$0x3FAC] =	sst s2  }
0xb: {  	[smem:$0x3FAD] =	sst s3  }
0xc: {  	[smem:$0x3FAE] =	sst s4  }
0xd: {  	[smem:$0x3FAF] =	sst s5  }
0xe: {  	[smem:$0x3FB0] =	sst s6  }
0xf: {  	[smem:$0x3FB1] =	sst s7  }
0x10: {  	[smem:$0x3FB2] =	sst s8  }
0x11: {  	[smem:$0x3FB3] =	sst s9;
	s0 =	simm.s32 @!p0 $0x0  }
0x12: {  	s1 =	sld [smem:$0x3F99];
	s0 =	simm.s32 @p0 $0x1  }
0x13: {  	[smem:$0x3FB4] =	sst s0;
	s0 =	simm.s32 @!p1 $0x0  }
0x14: {  	s2 =	sld [smem:$0x3F98];
	s0 =	simm.s32 @p1 $0x1  }
0x15: {  	[smem:$0x3FB5] =	sst s0;
	s0 =	simm.s32 @!p2 $0x0  }
0x16: {  	s3 =	sld [smem:$0x3FDB];
	s0 =	simm.s32 @p2 $0x1  }
0x17: {  	s4 =	simm.s32 $0x1BF5;
	[smem:$0x3FB7] =	sst s0  }
0x18: {  	s0 =	sld [smem:$0x3F9A];
	_ =	swait.ge [sflag:s4], $0x0  }
0x19: {  	s7 =	sld [smem:$0x3F9B]  }
0x1a: {  	s8 =	sadd.s32 $0xFFFFE003, lr  }
0x1b: {  	s9 =	sadd.s32 $0xFFFFFEF7, lr;
	s5 =	simm.s32 $0xFFFFFFFF;
	p2 =	slt.u32 s8, $0xFFFFF086  }
0x1c: {  	p1 =	slt.u32 s9, $0xF7A;
	s5 =	simm.s32 @!p2 $0x0  }
0x1d: {  	s5 =	simm.s32 @p1 $0x1;
	p0 =	seq.s32 s7, s2  }
0x1e: {  	s7 =	smul.u32 @!p0 $0xF7A, s2;
	p2 =	seq.s32 @!p0 s5, $0x0  }
0x1f: {  	s9 =	smul.u32 $0xF7A, s1;
	s8 =	simm.s32 @!p0 $0x1BF5;
	p2 =	por !p2, p0  }
0x20: {  	[sflag:s8] =	ssyncset.s32 @!p0 $0xFFFFF086;
	s6 =	sadd.s32 @!p0 s3, s7;
	s7 =	simm.s32 @!p0 $0x108  }
0x21: {  	s3 =	sadd.s32 s3, s9;
	s6 =	sadd.s32 @!p0 $0x88, s6;
	s7 =	simm.s32 @p2 $0x1082  }
0x22: {  	[simem:s7], [sflag:s8] =	dma.local @!p0 [hbm:s6], $0xF7A  }
0x23: {  	s9 =	sor.u32 $0xD0000000, s2;
	s6 =	simm.s32 $0x108;
	_ =	swait.ge @!p0 [sflag:s8], $0x0  }
0x24: {  	s3 =	sadd.s32 $0x88, s3;
	s6 =	simm.s32 @!p1 $0x1082;
	[sflag:s4] =	ssyncset.s32 $0xFFFFF086  }
0x25: {  	[simem:s6], [sflag:s4] =	dma.local [hbm:s3], $0xF7A  }
0x26: {  	[smem:$0x3F9B] =	sst s1;
	(tag) =	ssettag s2;
	_ =	strace s9  }
0x27: {  	s1 =	sld [smem:$0x3FAB]  }
0x28: {  	s2 =	sld [smem:$0x3FAC]  }
0x29: {  	s4 =	sld [smem:$0x3FAE]  }
0x2a: {  	p0 =	seq.s32 s5, $0x0;
	s5 =	sld [smem:$0x3FAF]  }
0x2b: {  	s6 =	sld [smem:$0x3FB0]  }
0x2c: {  	s7 =	sld [smem:$0x3FB1]  }
0x2d: {  	s3 =	simm.s32 $0x108;
	s8 =	sld [smem:$0x3FB2]  }
0x2e: {  	s3 =	simm.s32 @!p0 $0x1082;
	s9 =	sld [smem:$0x3FB3]  }
0x2f: {  	lr =	sadd.s32 s0, s3;
	s0 =	sld [smem:$0x3FAA]  }
0x30: {  	s3 =	sld [smem:$0x3FAD]  }
0x31: {  	[smem:$0x3FB6] =	sst s10  }
0x32: {  	s10 =	sld [smem:$0x3FB4];
	_ =	sdelay $0x3  }
0x33: {  	p0 =	seq.s32 s10, $0x1;
	s10 =	sld [smem:$0x3FB6];
	_ =	sdelay $0x3  }
0x34: {  	[smem:$0x3FB6] =	sst s10  }
0x35: {  	s10 =	sld [smem:$0x3FB5];
	_ =	sdelay $0x3  }
0x36: {  	p1 =	seq.s32 s10, $0x1;
	s10 =	sld [smem:$0x3FB6];
	_ =	sdelay $0x3  }
0x37: {  	[smem:$0x3FB6] =	sst s10  }
0x38: {  	s10 =	sld [smem:$0x3FB7]  }
0x39: {  	_ = 	snop;
	(pc) =	sbr.ind lr, $3  }
0x3a: {  	_ = 	snop  }
0x3b: {  	_ = 	snop  }
0x3c: {  	p2 =	seq.s32 s10, $0x1;
	s10 =	sld [smem:$0x3FB6]  }
0x3d: {  	_ =	shalt  }
0x3e: {  	_ =	shalt  }
0x3f: {  	_ =	shalt  }
0x40: {  	_ =	shalt  }
0x41: {  	_ =	shalt  }
0x42: {  	_ =	shalt  }
0x43: {  	_ =	shalt  }
0x44: {  	_ =	shalt  }
0x45: {  	_ =	shalt  }
0x46: {  	_ =	shalt  }
0x47: {  	_ =	shalt  }
0x48: {  	_ =	shalt  }
0x49: {  	_ =	shalt  }
0x4a: {  	_ =	shalt  }
0x4b: {  	_ =	shalt  }
0x4c: {  	_ =	shalt  }
0x4d: {  	_ =	shalt  }
0x4e: {  	_ =	shalt  }
0x4f: {  	_ =	shalt  }
0x50: {  	_ =	shalt  }
0x51: {  	_ =	shalt  }
0x52: {  	_ =	shalt  }
0x53: {  	_ =	shalt  }
0x54: {  	_ =	shalt  }
0x55: {  	_ =	shalt  }
0x56: {  	_ =	shalt  }
0x57: {  	_ =	shalt  }
0x58: {  	_ =	shalt  }
0x59: {  	_ =	shalt  }
0x5a: {  	_ =	shalt  }
0x5b: {  	_ =	shalt  }
0x5c: {  	_ =	shalt  }
0x5d: {  	_ =	shalt  }
0x5e: {  	_ =	shalt  }
0x5f: {  	_ =	shalt  }
0x60: {  	_ =	shalt  }
0x61: {  	_ =	shalt  }
0x62: {  	_ =	shalt  }
0x63: {  	_ =	shalt  }
0x64: {  	_ =	shalt  }
0x65: {  	_ =	shalt  }
0x66: {  	_ =	shalt  }
0x67: {  	_ =	shalt  }
0x68: {  	_ =	shalt  }
0x69: {  	_ =	shalt  }
0x6a: {  	_ =	shalt  }
0x6b: {  	_ =	shalt  }
0x6c: {  	_ =	shalt  }
0x6d: {  	_ =	shalt  }
0x6e: {  	_ =	shalt  }
0x6f: {  	_ =	shalt  }
0x70: {  	_ =	shalt  }
0x71: {  	_ =	shalt  }
0x72: {  	_ =	shalt  }
0x73: {  	_ =	shalt  }
0x74: {  	_ =	shalt  }
0x75: {  	_ =	shalt  }
0x76: {  	_ =	shalt  }
0x77: {  	_ =	shalt  }
0x78: {  	_ =	shalt  }
0x79: {  	_ =	shalt  }
0x7a: {  	_ =	shalt  }
0x7b: {  	_ =	shalt  }
0x7c: {  	_ =	shalt  }
0x7d: {  	_ =	shalt  }
0x7e: {  	_ =	shalt  }
0x7f: {  	_ =	shalt  }
0x80: {  	_ =	shalt  }
0x81: {  	_ =	shalt  }
0x82: {  	_ =	shalt  }
0x83: {  	_ =	shalt  }
0x84: {  	_ =	shalt  }
0x85: {  	_ =	shalt  }
0x86: {  	_ =	shalt  }
0x87: {  	_ =	shalt  }
.Lfunc_end0:
.L_simem_size_0:
called_computation.2_lowered:
.L_overlay_start_0:
0x88: {  	s2 =	sld [smem:$0x3FD9]  }
0x89: {  	s3 =	sld [smem:$0x3FFE];
	_ =	sdelay $0x1  }
0x8a: {  	s1 =	srdreg.scid  }
0x8b: {  	s0 =	sand.u32 $0x1, s1  }
0x8c: {  	s16 =	sshll.u32 s0, $0xA;
	s2 =	sadd.s32 s3, s2  }
0x8d: {  	s2 =	sadd.s32 s2, s16  }
0x8e: {  	[smem:$0x3FC2] =	sst s2  }
0x8f: {  	_ = 	snop  }
0x90: {  	(tm) =	ssettm $0x1  }
0x91: {  	s17 =	sld [smem:$0x3FFB];
	_ =	sdelay $0x3  }
0x92: {  	_ =	strace s17  }
0x93: {  	s2 =	sld [smem:$0x3FFC];
	_ =	sdelay $0x3  }
0x94: {  	_ =	strace s2  }
0x95: {  	s2 =	sld [smem:$0x3FFD];
	_ =	sdelay $0x3  }
0x96: {  	_ =	strace s2  }
0x97: {  	_ =	strace $0x8FFFFFFF  }
0x98: {  	s18 =	sld [smem:$0x3FDB];
	_ =	sdelay $0x1  }
0x99: {  	s19 =	simm.s32 $_scs_section_size  }
0x9a: {  	s4 =	simm.s32 $_size__tile_overlayer_lowered;
	s5 =	simm.s32 $_tile_overlayer_lowered  }
0x9b: {  	s22 =	simm.s32 $0x1BFF;
	s21 =	sshll.u32 s5, $0x1;
	s2 =	sadd.s32 s19, s18  }
0x9c: {  	s6 =	simm.s32 $0x0;
	s20 =	sshll.u32 s4, $0x1;
	s4 =	sadd.s32 s21, s2  }
0x9d: {  	[timem:s6], [sflag:s22] =	dma.local [hbm:s4], s20  }
0x9e: {  	_ =	swait.ge [sflag:s22], s20  }
0x9f: {  	s3 =	ssub.s32 $0x0, s20;
	[sflag:s22] =	ssyncset.done $0x0  }
0xa0: {  	[sflag:s22] =	ssyncadd.s32 s3;
	_ =	sdelay $0x1  }
0xa1: {  	s23 =	simm.s32 $0x1B8B  }
0xa2: {  	_ =	swait.ge [sflag:s23], $0x1  }
0xa3: {  	[sflag:s23] =	ssyncset.done $0x0  }
0xa4: {  	s25 =	simm.s32 $0x1B8E;
	s24 =	sld [smem:$0x3FFE];
	[sflag:s23] =	ssyncadd.s32 $0xFFFFFFFF  }
0xa5: {  	s26 =	simm.s32 $execute0_lowered;
	[smem:$0x3FD2] =	sst s25  }
0xa6: {  	s4 =	sshll.u32 s26, $0x1;
	_ =	strace $0x8000004C;
	[dreg:$0x1] =	wrdreg $0xFFFFFFFF  }
0xa7: {  	s28 =	simm.s32 $_size_execute0_lowered;
	s2 =	sadd.s32 s2, s4;
	[dreg:$0x0] =	wrdreg $0x0  }
0xa8: {  	s4 =	sshll.u32 s28, $0x1;
	[dreg:$0x2] =	wrdreg s2  }
0xa9: {  	[dreg:$0x3] =	wrdreg s4  }
0xaa: {  	[dreg:$0x4] =	wrdreg $0xC0  }
0xab: {  	_ =	task [dreg:s6], $0x5FFFF  }
0xac: {  	[dreg:$0x1] =	wrdreg $0xFFFFFFFF  }
0xad: {  	[dreg:$0x0] =	wrdreg $0x60  }
0xae: {  	[dreg:$0x2] =	wrdreg s24  }
0xaf: {  	[dreg:$0x3] =	wrdreg $0xA8000  }
0xb0: {  	[dreg:$0x4] =	wrdreg $0x9  }
0xb1: {  	_ =	task.clear_ibuf [dreg:s6], $0x5FFFF;
	_ =	strace $0x9000004C  }
0xb2: {  	s29 =	simm.s32 $0x9;
	_ =	strace $0x8000004E  }
0xb3: {  	_ =	swait.ge [sflag:s29], $0x1  }
0xb4: {  	[sflag:s29] =	ssyncadd.s32 $0xFFFFFFFF  }
0xb5: {  	_ =	strace $0x9000004E  }
0xb6: {  	_ =	sfence  }
0xb7: {  	s30 =	sld [smem:$0x0];
	_ =	sdelay $0x2  }
0xb8: {  	s31 =	sshll.u32 s1, $0xD;
	s1 =	sshrl.u32 s1, $0x2  }
0xb9: {  	s3 =	sand.u32 $0x4000, s31;
	s1 =	sadd.s32 s1, s30  }
0xba: {  	s0 =	sor.u32 s3, s0;
	s1 =	sshll.u32 s1, $0x11  }
0xbb: {  	s0 =	sor.u32 s1, s0  }
0xbc: {  	s0 =	sadd.s32 $0x8F2B, s0  }
0xbd: {  	[sflag:s0] =	ssyncadd.remote.s32 $0x1  }
0xbe: {  	_ =	sfence.sel $0xFFFF  }
0xbf: {  	[dreg:$0x0] =	wrdreg $0xFFFFFFFF;
	(pc) =	sbr.abs _section_cstart, $3  }
0xc0: {  	[dreg:$0x1] =	wrdreg $0xFFFFFFFF  }
0xc1: {  	_ =	task.clear_ibuf [dreg:s6], $0x2FFFF;
	_ =	strace $0x9FFFFFFF  }
0xc2: {  	(tm) =	ssettm $0x7FFFFFFF  }
0xc3: {  	_ =	shalt  }
tec
execute0_lowered:
.L_overlay_start_1:
0x0: {  	(tag) =	ssettag $0x1  }
0x1: {  	s0 =	rddreg [dreg:$0x0]  }
0x2: {  	s1 =	rddreg [dreg:$0x1]  }
0x3: {  	s2 =	simm.s32 $0x0;
	s5 =	srdreg.scid;
	s3 =	stileid.u32  }
0x4: {  	s22 =	simm.s32 $0x1400;
	s28 =	simm.s32 $0x2700;
	s29 =	simm.s32 $0x2780  }
0x5: {  	s30 =	simm.s32 $0x0;
	[smem:$0x7FF] =	sst s2;
	s4 =	sadd.s32 $0x17400, s0  }
0x6: {  	s12 =	sadd.s32 $0x3400, s0;
	s13 =	sadd.s32 $0xD400, s0;
	s14 =	smul.u32 $0x280, s3  }
0x7: {  	s9 =	sand.u32 $0x1, s5;
	s0 =	sadd.s32 $0x65800, s0;
	s8 =	smul.u32 $0x50000, s3  }
0x8: {  	_ =	strace $0x8000004D;
	s5 =	ssub.s32 $0x2, s9;
	s7 =	sshll.u32 s9, $0x4  }
0x9: {  	s21 =	smul.u32 $0x2800, s9;
	s6 =	sshrl.u32 s5, $0x1;
	s10 =	sor.u32 s3, s7  }
0xa: {  	s15 =	sadd.s32 $0x80, s14;
	s23 =	sshrl.u32 s8, $0x2;
	s16 =	sadd.s32 $0x100, s14  }
0xb: {  	s17 =	sadd.s32 $0x180, s14;
	s18 =	sadd.s32 $0x200, s14;
	s19 =	ssub.s32 s5, s6  }
0xc: {  	s24 =	sshll.u32 s15, $0x7;
	s5 =	sadd.s32 s23, s1;
	s11 =	smul.u32 $0x500, s10  }
0xd: {  	s25 =	sshll.u32 s16, $0x7;
	s26 =	sshll.u32 s17, $0x7;
	s20 =	smul.u32 $0x2800, s10  }
0xe: {  	s31 =	sshll.u32 s18, $0x7;
	s14 =	sadd.s32 s14, s21;
	s15 =	sadd.s32 s21, s15  }
0xf: {  	s16 =	sadd.s32 s21, s16;
	s17 =	sadd.s32 s21, s17;
	s18 =	sadd.s32 s21, s18  }
0x10: {  	s21 =	simm.s32 $0x3;
	s23 =	simm.s32 $0x80;
	s6 =	sadd.s32 s24, s1  }
0x11: {  	s7 =	sadd.s32 s25, s1;
	s8 =	sadd.s32 s26, s1;
	s9 =	sadd.s32 s31, s1  }
0x12: {  	s14 =	sshll.u32 s14, $0x4;
	s15 =	sshll.u32 s15, $0x4;
	s16 =	sshll.u32 s16, $0x4  }
0x13: {  	s17 =	sshll.u32 s17, $0x4;
	s18 =	sshll.u32 s18, $0x4;
	s19 =	smax.u32 s19, $0x1  }
0x14: {  	s24 =	simm.s32 $0x6800;
	s25 =	simm.s32 $0x1;
	s26 =	simm.s32 $0x2  }
0x15: {  	s10 =	sadd.s32 s12, s11;
	s20 =	sshrl.u32 s20, $0x3;
	s11 =	sadd.s32 s13, s11  }
0x16: {  	s14 =	sadd.s32 s0, s14;
	s15 =	sadd.s32 s0, s15;
	s16 =	sadd.s32 s0, s16  }
0x17: {  	s17 =	sadd.s32 s0, s17;
	s18 =	sadd.s32 s0, s18;
	s20 =	sadd.s32 $0x280, s20  }
0x18: {  	v0 =	vimm.f32 $0.0e+00;
	s12 =	sadd.s32 s12, s20;
	s13 =	sadd.s32 s13, s20;
	s20 =	simm.s32 $0x2800  }
.LBB2_1:
0x19: {  	s31 =	simm.s32 $0x0;
	s0 =	simm.s32 $0x200  }
.LBB2_2:
0x1a: {  	p0 =	sne.s32 s0, $0xFE00;
	[tilespmem:s31+$0x2870] =	vst v0  }
0x1b: {  	[tilespmem:s31+$0x2800] =	vst v0  }
0x1c: {  	[tilespmem:s31+$0x2810] =	vst v0  }
.Ltmp0:
0x1d: {  	[tilespmem:s31+$0x2820] =	vst v0;
	(pc) =	sbr.rel @p0 .LBB2_2-.Ltmp0, $4  }
0x1e: {  	[tilespmem:s31+$0x2830] =	vst v0  }
0x1f: {  	[tilespmem:s31+$0x2840] =	vst v0  }
0x20: {  	[tilespmem:s31+$0x2850] =	vst v0  }
0x21: {  	[tilespmem:s31+$0x2860] =	vst v0;
	s31 =	sshra.s32 s0, $0x2;
	s0 =	sadd.s32 $0x200, s0  }
0x22: {  	[tilespmem:s31+$0x2870] =	vst v0  }
0x23: {  	[tilespmem:s31+$0x2800] =	vst v0  }
0x24: {  	[tilespmem:s31+$0x2810] =	vst v0  }
0x25: {  	[tilespmem:s31+$0x2820] =	vst v0  }
0x26: {  	[tilespmem:s31+$0x2830] =	vst v0  }
0x27: {  	[tilespmem:s31+$0x2840] =	vst v0  }
0x28: {  	[tilespmem:s31+$0x2850] =	vst v0  }
0x29: {  	[tilespmem:s31+$0x2860] =	vst v0  }
0x2a: {  	[spmem:s5] =	stream.linear.scatter [tilespmem:s20], [sflag:$0x3], $0x4000, $0x38;
	[tilespmem:$0x1E800] =	vst v63  }
0x2b: {  	_ =	swait.ge [sflag:s21], $0x4000  }
0x2c: {  	[sflag:s21] =	ssyncset.done $0x0  }
0x2d: {  	[sflag:s21] =	ssyncadd.s32 $0xFFFFC000  }
0x2e: {  	[spmem:s6] =	stream.linear.scatter [tilespmem:s20], [sflag:$0x3], $0x4000, $0x38;
	[tilespmem:$0x1E800] =	vst v63  }
0x2f: {  	_ =	swait.ge [sflag:s21], $0x4000  }
0x30: {  	[sflag:s21] =	ssyncset.done $0x0  }
0x31: {  	[sflag:s21] =	ssyncadd.s32 $0xFFFFC000  }
0x32: {  	[spmem:s7] =	stream.linear.scatter [tilespmem:s20], [sflag:$0x3], $0x4000, $0x38;
	[tilespmem:$0x1E800] =	vst v63  }
0x33: {  	_ =	swait.ge [sflag:s21], $0x4000  }
0x34: {  	[sflag:s21] =	ssyncset.done $0x0  }
0x35: {  	[sflag:s21] =	ssyncadd.s32 $0xFFFFC000  }
0x36: {  	[spmem:s8] =	stream.linear.scatter [tilespmem:s20], [sflag:$0x3], $0x4000, $0x38;
	[tilespmem:$0x1E800] =	vst v63  }
0x37: {  	_ =	swait.ge [sflag:s21], $0x4000  }
0x38: {  	[sflag:s21] =	ssyncset.done $0x0  }
0x39: {  	[sflag:s21] =	ssyncadd.s32 $0xFFFFC000  }
0x3a: {  	[spmem:s9] =	stream.linear.scatter [tilespmem:s20], [sflag:$0x3], $0x4000, $0x38;
	[tilespmem:$0x1E800] =	vst v63  }
0x3b: {  	_ =	swait.ge [sflag:s21], $0x4000  }
0x3c: {  	[sflag:s21] =	ssyncset.done $0x0  }
0x3d: {  	[sflag:s21] =	ssyncadd.s32 $0xFFFFC000  }
0x3e: {  	s0 =	simm.s32 $0x0;
	[bflag:$0x0] =	sbarrier.arrive $0xFFFF  }
0x3f: {  	[tilespmem:s0], [sflag:$0x3] =	stream.linear.gather [hbm4b:s10+s0], $0x1400, $0x38;
	[tilespmem:$0x1E800] =	vst v63  }
0x40: {  	_ =	swait.ge [sflag:s21], $0x1400  }
0x41: {  	[sflag:s21] =	ssyncset.done $0x0  }
0x42: {  	[sflag:s21] =	ssyncadd.s32 $0xFFFFEC00  }
0x43: {  	[tilespmem:s22], [sflag:$0x3] =	stream.linear.gather [hbm4b:s11+s0], $0x1400, $0x38;
	[tilespmem:$0x1E800] =	vst v63  }
0x44: {  	_ =	swait.ge [sflag:s21], $0x1400  }
0x45: {  	[sflag:s21] =	ssyncset.done $0x0  }
0x46: {  	[sflag:s21] =	ssyncadd.s32 $0xFFFFEC00  }
0x47: {  	[tilespmem:s20], [sflag:$0x1] =	stream.indirect.gather [hbm4b:s4+s23], $0x80, s0, s23, $0xb8;
	[tilespmem:$0x1E800] =	vst v63  }
0x48: {  	_ = 	snop  }
0x49: {  	[tilespmem:s24], [sflag:$0x2] =	stream.indirect.gather [hbm4b:s4+s23], $0x80, s23, s23, $0xb8;
	[tilespmem:$0x1E800] =	vst v63  }
0x4a: {  	_ =	swait.ge [sflag:s25], $0x4000  }
0x4b: {  	[sflag:s25] =	ssyncset.done $0x0  }
0x4c: {  	s3 =	simm.s32 $0x1400;
	[sflag:s25] =	ssyncadd.s32 $0xFFFFC000  }
0x4d: {  	[spmem:s1] =	stream.indirect.scatter.add.f32 [tilespmem:s20], [sflag:$0x3], $0x80, s3, s23, $0xb8;
	[tilespmem:$0x1E800] =	vst v63  }
0x4e: {  	_ =	swait.ge [sflag:s21], $0x4000  }
0x4f: {  	[sflag:s21] =	ssyncset.done $0x0  }
0x50: {  	s3 =	simm.s32 $0x100;
	[sflag:s21] =	ssyncadd.s32 $0xFFFFC000  }
0x51: {  	[tilespmem:s20], [sflag:$0x1] =	stream.indirect.gather [hbm4b:s4+s23], $0x80, s3, s23, $0xb8;
	[tilespmem:$0x1E800] =	vst v63  }
0x52: {  	_ =	swait.ge [sflag:s26], $0x4000  }
0x53: {  	[sflag:s26] =	ssyncset.done $0x0  }
0x54: {  	s3 =	simm.s32 $0x1480;
	[sflag:s26] =	ssyncadd.s32 $0xFFFFC000  }
0x55: {  	[spmem:s1] =	stream.indirect.scatter.add.f32 [tilespmem:s24], [sflag:$0x3], $0x80, s3, s23, $0xb8;
	[tilespmem:$0x1E800] =	vst v63  }
0x56: {  	_ =	swait.ge [sflag:s21], $0x4000  }
0x57: {  	[sflag:s21] =	ssyncset.done $0x0  }
0x58: {  	s31 =	simm.s32 $0x400;
	s0 =	simm.s32 $0x180;
	[sflag:s21] =	ssyncadd.s32 $0xFFFFC000  }
.LBB2_4:
0x59: {  	[tilespmem:s24], [sflag:$0x2] =	stream.indirect.gather [hbm4b:s4+s23], $0x80, s0, s23, $0xb8;
	[tilespmem:$0x1E800] =	vst v63  }
0x5a: {  	s0 =	smov.u32 s31  }
0x5b: {  	p0 =	sne.s32 s31, $0x4800;
	s31 =	sadd.s32 $0x400, s31;
	_ =	swait.ge [sflag:s25], $0x4000  }
0x5c: {  	s0 =	sshra.s32 s0, $0x2;
	[sflag:s25] =	ssyncset.done $0x0  }
0x5d: {  	s3 =	sadd.s32 $0x1400, s0;
	[sflag:s25] =	ssyncadd.s32 $0xFFFFC000  }
0x5e: {  	[spmem:s1] =	stream.indirect.scatter.add.f32 [tilespmem:s20], [sflag:$0x3], $0x80, s3, s23, $0xb8;
	[tilespmem:$0x1E800] =	vst v63  }
0x5f: {  	_ =	swait.ge [sflag:s21], $0x4000  }
0x60: {  	[sflag:s21] =	ssyncset.done $0x0  }
0x61: {  	s3 =	sadd.s32 $0x100, s0;
	[sflag:s21] =	ssyncadd.s32 $0xFFFFC000  }
0x62: {  	[tilespmem:s20], [sflag:$0x1] =	stream.indirect.gather [hbm4b:s4+s23], $0x80, s3, s23, $0xb8;
	[tilespmem:$0x1E800] =	vst v63  }
0x63: {  	_ =	swait.ge [sflag:s26], $0x4000  }
0x64: {  	[sflag:s26] =	ssyncset.done $0x0  }
.Ltmp1:
0x65: {  	s3 =	sadd.s32 $0x1480, s0;
	[sflag:s26] =	ssyncadd.s32 $0xFFFFC000;
	(pc) =	sbr.rel @p0 .LBB2_4-.Ltmp1, $4  }
0x66: {  	[spmem:s1] =	stream.indirect.scatter.add.f32 [tilespmem:s24], [sflag:$0x3], $0x80, s3, s23, $0xb8;
	[tilespmem:$0x1E800] =	vst v63  }
0x67: {  	_ =	swait.ge [sflag:s21], $0x4000  }
0x68: {  	[sflag:s21] =	ssyncset.done $0x0  }
0x69: {  	s0 =	sadd.s32 $0x180, s0;
	[sflag:s21] =	ssyncadd.s32 $0xFFFFC000  }
0x6a: {  	[tilespmem:s24], [sflag:$0x2] =	stream.indirect.gather [hbm4b:s4+s23], $0x80, s0, s23, $0xb8;
	[tilespmem:$0x1E800] =	vst v63  }
0x6b: {  	_ =	swait.ge [sflag:s25], $0x4000  }
0x6c: {  	[sflag:s25] =	ssyncset.done $0x0  }
0x6d: {  	[sflag:s25] =	ssyncadd.s32 $0xFFFFC000  }
0x6e: {  	[spmem:s1] =	stream.indirect.scatter.add.f32 [tilespmem:s20], [sflag:$0x3], $0x80, s28, s23, $0xb8;
	[tilespmem:$0x1E800] =	vst v63  }
0x6f: {  	_ =	swait.ge [sflag:s21], $0x4000  }
0x70: {  	[sflag:s21] =	ssyncset.done $0x0  }
0x71: {  	[sflag:s21] =	ssyncadd.s32 $0xFFFFC000  }
0x72: {  	_ =	swait.ge [sflag:s26], $0x4000  }
0x73: {  	[sflag:s26] =	ssyncset.done $0x0  }
0x74: {  	[sflag:s26] =	ssyncadd.s32 $0xFFFFC000  }
0x75: {  	[spmem:s1] =	stream.indirect.scatter.add.f32 [tilespmem:s24], [sflag:$0x3], $0x80, s29, s23, $0xb8;
	[tilespmem:$0x1E800] =	vst v63  }
0x76: {  	_ =	swait.ge [sflag:s21], $0x4000  }
0x77: {  	[sflag:s21] =	ssyncset.done $0x0  }
0x78: {  	s3 =	simm.s32 $0x0;
	[sflag:s21] =	ssyncadd.s32 $0xFFFFC000  }
0x79: {  	[tilespmem:s3], [sflag:$0x3] =	stream.linear.gather [hbm4b:s12+s3], $0x1400, $0x38;
	[tilespmem:$0x1E800] =	vst v63  }
0x7a: {  	_ =	swait.ge [sflag:s21], $0x1400  }
0x7b: {  	[sflag:s21] =	ssyncset.done $0x0  }
0x7c: {  	[sflag:s21] =	ssyncadd.s32 $0xFFFFEC00  }
0x7d: {  	[tilespmem:s22], [sflag:$0x3] =	stream.linear.gather [hbm4b:s13+s3], $0x1400, $0x38;
	[tilespmem:$0x1E800] =	vst v63  }
0x7e: {  	_ =	swait.ge [sflag:s21], $0x1400  }
0x7f: {  	[sflag:s21] =	ssyncset.done $0x0  }
0x80: {  	[sflag:s21] =	ssyncadd.s32 $0xFFFFEC00  }
0x81: {  	[tilespmem:s20], [sflag:$0x1] =	stream.indirect.gather [hbm4b:s4+s23], $0x80, s3, s23, $0xb8;
	[tilespmem:$0x1E800] =	vst v63  }
0x82: {  	_ = 	snop  }
0x83: {  	[tilespmem:s24], [sflag:$0x2] =	stream.indirect.gather [hbm4b:s4+s23], $0x80, s23, s23, $0xb8;
	[tilespmem:$0x1E800] =	vst v63  }
0x84: {  	_ =	swait.ge [sflag:s25], $0x4000  }
0x85: {  	[sflag:s25] =	ssyncset.done $0x0  }
0x86: {  	s3 =	simm.s32 $0x1400;
	[sflag:s25] =	ssyncadd.s32 $0xFFFFC000  }
0x87: {  	[spmem:s1] =	stream.indirect.scatter.add.f32 [tilespmem:s20], [sflag:$0x3], $0x80, s3, s23, $0xb8;
	[tilespmem:$0x1E800] =	vst v63  }
0x88: {  	_ =	swait.ge [sflag:s21], $0x4000  }
0x89: {  	[sflag:s21] =	ssyncset.done $0x0  }
0x8a: {  	s3 =	simm.s32 $0x100;
	[sflag:s21] =	ssyncadd.s32 $0xFFFFC000  }
0x8b: {  	[tilespmem:s20], [sflag:$0x1] =	stream.indirect.gather [hbm4b:s4+s23], $0x80, s3, s23, $0xb8;
	[tilespmem:$0x1E800] =	vst v63  }
0x8c: {  	_ =	swait.ge [sflag:s26], $0x4000  }
0x8d: {  	[sflag:s26] =	ssyncset.done $0x0  }
0x8e: {  	s3 =	simm.s32 $0x1480;
	[sflag:s26] =	ssyncadd.s32 $0xFFFFC000  }
0x8f: {  	[spmem:s1] =	stream.indirect.scatter.add.f32 [tilespmem:s24], [sflag:$0x3], $0x80, s3, s23, $0xb8;
	[tilespmem:$0x1E800] =	vst v63  }
0x90: {  	_ =	swait.ge [sflag:s21], $0x4000  }
0x91: {  	[sflag:s21] =	ssyncset.done $0x0  }
0x92: {  	s31 =	simm.s32 $0x400;
	s0 =	simm.s32 $0x180;
	[sflag:s21] =	ssyncadd.s32 $0xFFFFC000  }
.LBB2_6:
0x93: {  	[tilespmem:s24], [sflag:$0x2] =	stream.indirect.gather [hbm4b:s4+s23], $0x80, s0, s23, $0xb8;
	[tilespmem:$0x1E800] =	vst v63  }
0x94: {  	s0 =	smov.u32 s31  }
0x95: {  	p0 =	sne.s32 s31, $0x4800;
	s31 =	sadd.s32 $0x400, s31;
	_ =	swait.ge [sflag:s25], $0x4000  }
0x96: {  	s0 =	sshra.s32 s0, $0x2;
	[sflag:s25] =	ssyncset.done $0x0  }
0x97: {  	s3 =	sadd.s32 $0x1400, s0;
	[sflag:s25] =	ssyncadd.s32 $0xFFFFC000  }
0x98: {  	[spmem:s1] =	stream.indirect.scatter.add.f32 [tilespmem:s20], [sflag:$0x3], $0x80, s3, s23, $0xb8;
	[tilespmem:$0x1E800] =	vst v63  }
0x99: {  	_ =	swait.ge [sflag:s21], $0x4000  }
0x9a: {  	[sflag:s21] =	ssyncset.done $0x0  }
0x9b: {  	s3 =	sadd.s32 $0x100, s0;
	[sflag:s21] =	ssyncadd.s32 $0xFFFFC000  }
0x9c: {  	[tilespmem:s20], [sflag:$0x1] =	stream.indirect.gather [hbm4b:s4+s23], $0x80, s3, s23, $0xb8;
	[tilespmem:$0x1E800] =	vst v63  }
0x9d: {  	_ =	swait.ge [sflag:s26], $0x4000  }
0x9e: {  	[sflag:s26] =	ssyncset.done $0x0  }
.Ltmp2:
0x9f: {  	s3 =	sadd.s32 $0x1480, s0;
	[sflag:s26] =	ssyncadd.s32 $0xFFFFC000;
	(pc) =	sbr.rel @p0 .LBB2_6-.Ltmp2, $4  }
0xa0: {  	[spmem:s1] =	stream.indirect.scatter.add.f32 [tilespmem:s24], [sflag:$0x3], $0x80, s3, s23, $0xb8;
	[tilespmem:$0x1E800] =	vst v63  }
0xa1: {  	_ =	swait.ge [sflag:s21], $0x4000  }
0xa2: {  	[sflag:s21] =	ssyncset.done $0x0  }
0xa3: {  	s0 =	sadd.s32 $0x180, s0;
	[sflag:s21] =	ssyncadd.s32 $0xFFFFC000  }
0xa4: {  	[tilespmem:s24], [sflag:$0x2] =	stream.indirect.gather [hbm4b:s4+s23], $0x80, s0, s23, $0xb8;
	[tilespmem:$0x1E800] =	vst v63  }
0xa5: {  	_ =	swait.ge [sflag:s25], $0x4000  }
0xa6: {  	[sflag:s25] =	ssyncset.done $0x0  }
0xa7: {  	[sflag:s25] =	ssyncadd.s32 $0xFFFFC000  }
0xa8: {  	[spmem:s1] =	stream.indirect.scatter.add.f32 [tilespmem:s20], [sflag:$0x3], $0x80, s28, s23, $0xb8;
	[tilespmem:$0x1E800] =	vst v63  }
0xa9: {  	_ =	swait.ge [sflag:s21], $0x4000  }
0xaa: {  	[sflag:s21] =	ssyncset.done $0x0  }
0xab: {  	[sflag:s21] =	ssyncadd.s32 $0xFFFFC000  }
0xac: {  	_ =	swait.ge [sflag:s26], $0x4000  }
0xad: {  	[sflag:s26] =	ssyncset.done $0x0  }
0xae: {  	[sflag:s26] =	ssyncadd.s32 $0xFFFFC000  }
0xaf: {  	[spmem:s1] =	stream.indirect.scatter.add.f32 [tilespmem:s24], [sflag:$0x3], $0x80, s29, s23, $0xb8;
	[tilespmem:$0x1E800] =	vst v63  }
0xb0: {  	_ =	swait.ge [sflag:s21], $0x4000  }
0xb1: {  	[sflag:s21] =	ssyncset.done $0x0  }
0xb2: {  	[sflag:s21] =	ssyncadd.s32 $0xFFFFC000  }
0xb3: {  	[bflag:$0x0] =	sbarrier.arrive $0xFFFF  }
0xb4: {  	[tilespmem:s20], [sflag:$0x3] =	stream.linear.gather [spmem:s5], $0x4000, $0x38;
	[tilespmem:$0x1E800] =	vst v63  }
0xb5: {  	_ =	swait.ge [sflag:s21], $0x4000  }
0xb6: {  	[sflag:s21] =	ssyncset.done $0x0  }
0xb7: {  	[sflag:s21] =	ssyncadd.s32 $0xFFFFC000  }
0xb8: {  	[hbm4b:s14+s2] =	stream.linear.scatter [tilespmem:s20], [sflag:$0x3], $0x4000, $0x38;
	[tilespmem:$0x1E800] =	vst v63  }
0xb9: {  	_ =	swait.ge [sflag:s21], $0x4000  }
0xba: {  	[sflag:s21] =	ssyncset.done $0x0  }
0xbb: {  	[sflag:s21] =	ssyncadd.s32 $0xFFFFC000  }
0xbc: {  	[tilespmem:s20], [sflag:$0x3] =	stream.linear.gather [spmem:s6], $0x4000, $0x38;
	[tilespmem:$0x1E800] =	vst v63  }
0xbd: {  	_ =	swait.ge [sflag:s21], $0x4000  }
0xbe: {  	[sflag:s21] =	ssyncset.done $0x0  }
0xbf: {  	[sflag:s21] =	ssyncadd.s32 $0xFFFFC000  }
0xc0: {  	[hbm4b:s15+s2] =	stream.linear.scatter [tilespmem:s20], [sflag:$0x3], $0x4000, $0x38;
	[tilespmem:$0x1E800] =	vst v63  }
0xc1: {  	_ =	swait.ge [sflag:s21], $0x4000  }
0xc2: {  	[sflag:s21] =	ssyncset.done $0x0  }
0xc3: {  	[sflag:s21] =	ssyncadd.s32 $0xFFFFC000  }
0xc4: {  	[tilespmem:s20], [sflag:$0x3] =	stream.linear.gather [spmem:s7], $0x4000, $0x38;
	[tilespmem:$0x1E800] =	vst v63  }
0xc5: {  	_ =	swait.ge [sflag:s21], $0x4000  }
0xc6: {  	[sflag:s21] =	ssyncset.done $0x0  }
0xc7: {  	[sflag:s21] =	ssyncadd.s32 $0xFFFFC000  }
0xc8: {  	[hbm4b:s16+s2] =	stream.linear.scatter [tilespmem:s20], [sflag:$0x3], $0x4000, $0x38;
	[tilespmem:$0x1E800] =	vst v63  }
0xc9: {  	_ =	swait.ge [sflag:s21], $0x4000  }
0xca: {  	[sflag:s21] =	ssyncset.done $0x0  }
0xcb: {  	[sflag:s21] =	ssyncadd.s32 $0xFFFFC000  }
0xcc: {  	[tilespmem:s20], [sflag:$0x3] =	stream.linear.gather [spmem:s8], $0x4000, $0x38;
	[tilespmem:$0x1E800] =	vst v63  }
0xcd: {  	_ =	swait.ge [sflag:s21], $0x4000  }
0xce: {  	[sflag:s21] =	ssyncset.done $0x0  }
0xcf: {  	[sflag:s21] =	ssyncadd.s32 $0xFFFFC000  }
0xd0: {  	[hbm4b:s17+s2] =	stream.linear.scatter [tilespmem:s20], [sflag:$0x3], $0x4000, $0x38;
	[tilespmem:$0x1E800] =	vst v63  }
0xd1: {  	_ =	swait.ge [sflag:s21], $0x4000  }
0xd2: {  	[sflag:s21] =	ssyncset.done $0x0  }
0xd3: {  	[sflag:s21] =	ssyncadd.s32 $0xFFFFC000  }
0xd4: {  	[tilespmem:s20], [sflag:$0x3] =	stream.linear.gather [spmem:s9], $0x4000, $0x38;
	[tilespmem:$0x1E800] =	vst v63  }
0xd5: {  	s30 =	sadd.s32 $0x1, s30;
	_ =	swait.ge [sflag:s21], $0x4000  }
0xd6: {  	p0 =	sne.s32 s30, s19;
	[sflag:s21] =	ssyncset.done $0x0  }
.Ltmp3:
0xd7: {  	[sflag:s21] =	ssyncadd.s32 $0xFFFFC000;
	(pc) =	sbr.rel @p0 .LBB2_1-.Ltmp3, $4  }
0xd8: {  	[hbm4b:s18+s2] =	stream.linear.scatter [tilespmem:s20], [sflag:$0x3], $0x4000, $0x38;
	[tilespmem:$0x1E800] =	vst v63  }
0xd9: {  	_ =	swait.ge [sflag:s21], $0x4000  }
0xda: {  	[sflag:s21] =	ssyncset.done $0x0  }
0xdb: {  	[sflag:s21] =	ssyncadd.s32 $0xFFFFC000  }
0xdc: {  	_ =	sfence.sel $0x180000  }
0xdd: {  	[bflag:$0x0] =	sbarrier.arrive $0xFFFF  }
0xde: {  	_ =	strace $0x9000004D  }
0xdf: {  	s0 =	stileid.u32;
	[bflag:$0x2] =	sbarrier.arrive $0xFFFF  }
0xe0: {  	p0 =	sne.s32 s0, $0x0;
	s0 =	rddreg [dreg:$0x2]  }
0xe1: {  	s0 =	sadd.s32 @!p0 $0x100000, s0  }
0xe2: {  	[sflag:s0] =	ssyncadd.tile.s32 @!p0 $0x1;
	_ =	shalt  }
.Lfunc_end2:
_tile_overlayer_lowered:
.L_overlay_start_2:
0xe3: {  	(tag) =	ssettag $0x2  }
0xe4: {  	s0 =	rddreg [dreg:$0x0];
	s2 =	stileid.u32  }
0xe5: {  	s1 =	rddreg [dreg:$0x1];
	p0 =	sne.s32 s2, $0x0  }
0xe6: {  	s3 =	rddreg [dreg:$0x2];
	[bflag:$0x3] =	sbarrier.arrive $0xFFFF;
	s2 =	simm.s32 @!p0 $0x1C03  }
0xe7: {  	[timem:s3], [sflag:s2] =	dma.local @!p0 [hbm:s0], s1  }
0xe8: {  	s0 =	simm.s32 @!p0 $0x3  }
0xe9: {  	_ =	swait.ge @!p0 [sflag:s0], s1  }
0xea: {  	s1 =	ssub.s32 @!p0 $0x0, s1;
	[sflag:s0] =	ssyncset.done @!p0 $0x0  }
0xeb: {  	[sflag:s0] =	ssyncadd.s32 @!p0 s1  }
0xec: {  	[bflag:$0x3] =	sbarrier.arrive $0xFFFF  }
0xed: {  	_ =	shalt  }

// kernel: kernel.9.cloned.1.call-start
scs
__scs_entry_jumppad:
0x0: {  	(pc) =	sbr.rel $0x88, $3  }
0x1: {  	(tag) =	ssettag $0x0;
	lr =	simm.s32 $0x1  }
0x2: {  	[smem:$0x3F9B] =	sst lr;
	_ =	strace $0xD0000000  }
0x3: {  	_ = 	snop  }
0x4: {  	_ = 	snop  }
0x5: {  	_ = 	snop  }
0x6: {  	_ = 	snop  }
0x7: {  	_ = 	snop  }
__scs_overlays_trampoline_lowered:
0x8: {  	[smem:$0x3FAA] =	sst s0  }
0x9: {  	[smem:$0x3FAB] =	sst s1  }
0xa: {  	[smem:$0x3FAC] =	sst s2  }
0xb: {  	[smem:$0x3FAD] =	sst s3  }
0xc: {  	[smem:$0x3FAE] =	sst s4  }
0xd: {  	[smem:$0x3FAF] =	sst s5  }
0xe: {  	[smem:$0x3FB0] =	sst s6  }
0xf: {  	[smem:$0x3FB1] =	sst s7  }
0x10: {  	[smem:$0x3FB2] =	sst s8  }
0x11: {  	[smem:$0x3FB3] =	sst s9;
	s0 =	simm.s32 @!p0 $0x0  }
0x12: {  	s1 =	sld [smem:$0x3F99];
	s0 =	simm.s32 @p0 $0x1  }
0x13: {  	[smem:$0x3FB4] =	sst s0;
	s0 =	simm.s32 @!p1 $0x0  }
0x14: {  	s2 =	sld [smem:$0x3F98];
	s0 =	simm.s32 @p1 $0x1  }
0x15: {  	[smem:$0x3FB5] =	sst s0;
	s0 =	simm.s32 @!p2 $0x0  }
0x16: {  	s3 =	sld [smem:$0x3FDB];
	s0 =	simm.s32 @p2 $0x1  }
0x17: {  	s4 =	simm.s32 $0x1BF5;
	[smem:$0x3FB7] =	sst s0  }
0x18: {  	s0 =	sld [smem:$0x3F9A];
	_ =	swait.ge [sflag:s4], $0x0  }
0x19: {  	s7 =	sld [smem:$0x3F9B]  }
0x1a: {  	s8 =	sadd.s32 $0xFFFFE003, lr  }
0x1b: {  	s9 =	sadd.s32 $0xFFFFFEF7, lr;
	s5 =	simm.s32 $0xFFFFFFFF;
	p2 =	slt.u32 s8, $0xFFFFF086  }
0x1c: {  	p1 =	slt.u32 s9, $0xF7A;
	s5 =	simm.s32 @!p2 $0x0  }
0x1d: {  	s5 =	simm.s32 @p1 $0x1;
	p0 =	seq.s32 s7, s2  }
0x1e: {  	s7 =	smul.u32 @!p0 $0xF7A, s2;
	p2 =	seq.s32 @!p0 s5, $0x0  }
0x1f: {  	s9 =	smul.u32 $0xF7A, s1;
	s8 =	simm.s32 @!p0 $0x1BF5;
	p2 =	por !p2, p0  }
0x20: {  	[sflag:s8] =	ssyncset.s32 @!p0 $0xFFFFF086;
	s6 =	sadd.s32 @!p0 s3, s7;
	s7 =	simm.s32 @!p0 $0x108  }
0x21: {  	s3 =	sadd.s32 s3, s9;
	s6 =	sadd.s32 @!p0 $0x88, s6;
	s7 =	simm.s32 @p2 $0x1082  }
0x22: {  	[simem:s7], [sflag:s8] =	dma.local @!p0 [hbm:s6], $0xF7A  }
0x23: {  	s9 =	sor.u32 $0xD0000000, s2;
	s6 =	simm.s32 $0x108;
	_ =	swait.ge @!p0 [sflag:s8], $0x0  }
0x24: {  	s3 =	sadd.s32 $0x88, s3;
	s6 =	simm.s32 @!p1 $0x1082;
	[sflag:s4] =	ssyncset.s32 $0xFFFFF086  }
0x25: {  	[simem:s6], [sflag:s4] =	dma.local [hbm:s3], $0xF7A  }
0x26: {  	[smem:$0x3F9B] =	sst s1;
	(tag) =	ssettag s2;
	_ =	strace s9  }
0x27: {  	s1 =	sld [smem:$0x3FAB]  }
0x28: {  	s2 =	sld [smem:$0x3FAC]  }
0x29: {  	s4 =	sld [smem:$0x3FAE]  }
0x2a: {  	p0 =	seq.s32 s5, $0x0;
	s5 =	sld [smem:$0x3FAF]  }
0x2b: {  	s6 =	sld [smem:$0x3FB0]  }
0x2c: {  	s7 =	sld [smem:$0x3FB1]  }
0x2d: {  	s3 =	simm.s32 $0x108;
	s8 =	sld [smem:$0x3FB2]  }
0x2e: {  	s3 =	simm.s32 @!p0 $0x1082;
	s9 =	sld [smem:$0x3FB3]  }
0x2f: {  	lr =	sadd.s32 s0, s3;
	s0 =	sld [smem:$0x3FAA]  }
0x30: {  	s3 =	sld [smem:$0x3FAD]  }
0x31: {  	[smem:$0x3FB6] =	sst s10  }
0x32: {  	s10 =	sld [smem:$0x3FB4];
	_ =	sdelay $0x3  }
0x33: {  	p0 =	seq.s32 s10, $0x1;
	s10 =	sld [smem:$0x3FB6];
	_ =	sdelay $0x3  }
0x34: {  	[smem:$0x3FB6] =	sst s10  }
0x35: {  	s10 =	sld [smem:$0x3FB5];
	_ =	sdelay $0x3  }
0x36: {  	p1 =	seq.s32 s10, $0x1;
	s10 =	sld [smem:$0x3FB6];
	_ =	sdelay $0x3  }
0x37: {  	[smem:$0x3FB6] =	sst s10  }
0x38: {  	s10 =	sld [smem:$0x3FB7]  }
0x39: {  	_ = 	snop;
	(pc) =	sbr.ind lr, $3  }
0x3a: {  	_ = 	snop  }
0x3b: {  	_ = 	snop  }
0x3c: {  	p2 =	seq.s32 s10, $0x1;
	s10 =	sld [smem:$0x3FB6]  }
0x3d: {  	_ =	shalt  }
0x3e: {  	_ =	shalt  }
0x3f: {  	_ =	shalt  }
0x40: {  	_ =	shalt  }
0x41: {  	_ =	shalt  }
0x42: {  	_ =	shalt  }
0x43: {  	_ =	shalt  }
0x44: {  	_ =	shalt  }
0x45: {  	_ =	shalt  }
0x46: {  	_ =	shalt  }
0x47: {  	_ =	shalt  }
0x48: {  	_ =	shalt  }
0x49: {  	_ =	shalt  }
0x4a: {  	_ =	shalt  }
0x4b: {  	_ =	shalt  }
0x4c: {  	_ =	shalt  }
0x4d: {  	_ =	shalt  }
0x4e: {  	_ =	shalt  }
0x4f: {  	_ =	shalt  }
0x50: {  	_ =	shalt  }
0x51: {  	_ =	shalt  }
0x52: {  	_ =	shalt  }
0x53: {  	_ =	shalt  }
0x54: {  	_ =	shalt  }
0x55: {  	_ =	shalt  }
0x56: {  	_ =	shalt  }
0x57: {  	_ =	shalt  }
0x58: {  	_ =	shalt  }
0x59: {  	_ =	shalt  }
0x5a: {  	_ =	shalt  }
0x5b: {  	_ =	shalt  }
0x5c: {  	_ =	shalt  }
0x5d: {  	_ =	shalt  }
0x5e: {  	_ =	shalt  }
0x5f: {  	_ =	shalt  }
0x60: {  	_ =	shalt  }
0x61: {  	_ =	shalt  }
0x62: {  	_ =	shalt  }
0x63: {  	_ =	shalt  }
0x64: {  	_ =	shalt  }
0x65: {  	_ =	shalt  }
0x66: {  	_ =	shalt  }
0x67: {  	_ =	shalt  }
0x68: {  	_ =	shalt  }
0x69: {  	_ =	shalt  }
0x6a: {  	_ =	shalt  }
0x6b: {  	_ =	shalt  }
0x6c: {  	_ =	shalt  }
0x6d: {  	_ =	shalt  }
0x6e: {  	_ =	shalt  }
0x6f: {  	_ =	shalt  }
0x70: {  	_ =	shalt  }
0x71: {  	_ =	shalt  }
0x72: {  	_ =	shalt  }
0x73: {  	_ =	shalt  }
0x74: {  	_ =	shalt  }
0x75: {  	_ =	shalt  }
0x76: {  	_ =	shalt  }
0x77: {  	_ =	shalt  }
0x78: {  	_ =	shalt  }
0x79: {  	_ =	shalt  }
0x7a: {  	_ =	shalt  }
0x7b: {  	_ =	shalt  }
0x7c: {  	_ =	shalt  }
0x7d: {  	_ =	shalt  }
0x7e: {  	_ =	shalt  }
0x7f: {  	_ =	shalt  }
0x80: {  	_ =	shalt  }
0x81: {  	_ =	shalt  }
0x82: {  	_ =	shalt  }
0x83: {  	_ =	shalt  }
0x84: {  	_ =	shalt  }
0x85: {  	_ =	shalt  }
0x86: {  	_ =	shalt  }
0x87: {  	_ =	shalt  }
.Lfunc_end0:
.L_simem_size_0:
called_computation_lowered:
.L_overlay_start_0:
0x88: {  	s2 =	sld [smem:$0x3FD9]  }
0x89: {  	s3 =	sld [smem:$0x3FFE];
	_ =	sdelay $0x1  }
0x8a: {  	s1 =	srdreg.scid  }
0x8b: {  	s0 =	sand.u32 $0x1, s1  }
0x8c: {  	s17 =	sshll.u32 s0, $0xA;
	s2 =	sadd.s32 s3, s2  }
0x8d: {  	s2 =	sadd.s32 s2, s17  }
0x8e: {  	[smem:$0x3FC2] =	sst s2  }
0x8f: {  	_ = 	snop  }
0x90: {  	s2 =	sld [smem:$0x3FD0];
	(tm) =	ssettm $0x1  }
0x91: {  	s18 =	sld [smem:$0x3FFB];
	_ =	sdelay $0x3  }
0x92: {  	_ =	strace s18  }
0x93: {  	s3 =	sld [smem:$0x3FFC];
	_ =	sdelay $0x3  }
0x94: {  	_ =	strace s3  }
0x95: {  	s3 =	sld [smem:$0x3FFD];
	_ =	sdelay $0x3  }
0x96: {  	_ =	strace s3  }
0x97: {  	_ =	strace $0x8FFFFFFF  }
0x98: {  	s19 =	sld [smem:$0x3FDB];
	_ =	sdelay $0x1  }
0x99: {  	s4 =	simm.s32 $_scs_section_size  }
0x9a: {  	s5 =	simm.s32 $_size__tile_overlayer_lowered;
	s6 =	simm.s32 $_tile_overlayer_lowered  }
0x9b: {  	s22 =	simm.s32 $0x1BFF;
	s21 =	sshll.u32 s6, $0x1;
	s3 =	sadd.s32 s4, s19  }
0x9c: {  	s7 =	simm.s32 $0x0;
	s20 =	sshll.u32 s5, $0x1;
	s5 =	sadd.s32 s21, s3  }
0x9d: {  	[timem:s7], [sflag:s22] =	dma.local [hbm:s5], s20  }
0x9e: {  	_ =	swait.ge [sflag:s22], s20  }
0x9f: {  	s4 =	ssub.s32 $0x0, s20;
	[sflag:s22] =	ssyncset.done $0x0  }
0xa0: {  	[sflag:s22] =	ssyncadd.s32 s4;
	_ =	sdelay $0x1  }
0xa1: {  	s23 =	simm.s32 $0x1B8B  }
0xa2: {  	_ =	swait.ge [sflag:s23], $0x1  }
0xa3: {  	[sflag:s23] =	ssyncset.done $0x0  }
0xa4: {  	s25 =	simm.s32 $0x1B8E;
	s24 =	sld [smem:$0x3FFE];
	[sflag:s23] =	ssyncadd.s32 $0xFFFFFFFF  }
0xa5: {  	s26 =	simm.s32 $execute0_lowered;
	[smem:$0x3FD2] =	sst s25  }
0xa6: {  	s5 =	sshll.u32 s26, $0x1;
	_ =	strace $0x80000046;
	[dreg:$0x1] =	wrdreg $0xFFFFFFFF  }
0xa7: {  	s28 =	simm.s32 $_size_execute0_lowered;
	s3 =	sadd.s32 s3, s5;
	[dreg:$0x0] =	wrdreg $0x0  }
0xa8: {  	s5 =	sshll.u32 s28, $0x1;
	[dreg:$0x2] =	wrdreg s3  }
0xa9: {  	[dreg:$0x3] =	wrdreg s5  }
0xaa: {  	[dreg:$0x4] =	wrdreg $0xC0  }
0xab: {  	_ =	task [dreg:s7], $0x5FFFF  }
0xac: {  	[dreg:$0x1] =	wrdreg $0xFFFFFFFF  }
0xad: {  	[dreg:$0x0] =	wrdreg $0x60  }
0xae: {  	[dreg:$0x2] =	wrdreg s24  }
0xaf: {  	[dreg:$0x3] =	wrdreg s2  }
0xb0: {  	[dreg:$0x4] =	wrdreg $0x28800  }
0xb1: {  	[dreg:$0x5] =	wrdreg $0x9  }
0xb2: {  	_ =	task.clear_ibuf [dreg:s7], $0x6FFFF;
	_ =	strace $0x90000046  }
0xb3: {  	s29 =	simm.s32 $0x9;
	_ =	strace $0x80000048  }
0xb4: {  	_ =	swait.ge [sflag:s29], $0x1  }
0xb5: {  	[sflag:s29] =	ssyncadd.s32 $0xFFFFFFFF  }
0xb6: {  	_ =	strace $0x90000048  }
0xb7: {  	_ =	sfence  }
0xb8: {  	s30 =	sld [smem:$0x0];
	_ =	sdelay $0x2  }
0xb9: {  	s31 =	sshll.u32 s1, $0xD;
	s1 =	sshrl.u32 s1, $0x2  }
0xba: {  	s3 =	sand.u32 $0x4000, s31;
	s1 =	sadd.s32 s1, s30  }
0xbb: {  	s0 =	sor.u32 s3, s0;
	s1 =	sshll.u32 s1, $0x11  }
0xbc: {  	s0 =	sor.u32 s1, s0  }
0xbd: {  	s0 =	sadd.s32 $0x8F2B, s0  }
0xbe: {  	[sflag:s0] =	ssyncadd.remote.s32 $0x1  }
0xbf: {  	_ =	sfence.sel $0xFFFF  }
0xc0: {  	[dreg:$0x0] =	wrdreg $0xFFFFFFFF;
	(pc) =	sbr.abs _section_cstart, $3  }
0xc1: {  	[dreg:$0x1] =	wrdreg $0xFFFFFFFF  }
0xc2: {  	_ =	task.clear_ibuf [dreg:s7], $0x2FFFF;
	_ =	strace $0x9FFFFFFF  }
0xc3: {  	(tm) =	ssettm $0x7FFFFFFF  }
tec
execute0_lowered:
.L_overlay_start_1:
0x0: {  	(tag) =	ssettag $0x1  }
0x1: {  	s4 =	rddreg [dreg:$0x0]  }
0x2: {  	s14 =	rddreg [dreg:$0x1]  }
0x3: {  	s0 =	srdreg.scid;
	s2 =	rddreg [dreg:$0x2]  }
0x4: {  	s3 =	simm.s32 $0x0;
	s5 =	sand.u32 $0x1, s0;
	s0 =	stileid.u32  }
0x5: {  	s19 =	simm.s32 $0x0;
	[smem:$0x7FF] =	sst s3;
	s8 =	smul.u32 $0x280, s0  }
0x6: {  	s1 =	sshll.u32 s5, $0x4;
	s7 =	ssub.s32 $0x2, s5;
	s13 =	smul.u32 $0x2800, s5  }
0x7: {  	s6 =	sor.u32 s0, s1;
	s1 =	rddreg [dreg:$0x3];
	s9 =	sshrl.u32 s7, $0x1  }
0x8: {  	_ =	strace $0x80000047;
	s6 =	smul.u32 $0x500, s6;
	s15 =	ssub.s32 s7, s9  }
0x9: {  	s29 =	sadd.s32 $0x80, s8;
	s12 =	sadd.s32 $0x100, s8;
	s16 =	sadd.s32 $0x180, s8  }
0xa: {  	s17 =	sadd.s32 $0x200, s8;
	s11 =	sadd.s32 s8, s13;
	s5 =	sadd.s32 s29, s2  }
0xb: {  	s7 =	sadd.s32 s16, s2;
	s11 =	sshrl.u32 s11, $0x3;
	s18 =	sadd.s32 s13, s29  }
0xc: {  	s16 =	sadd.s32 s13, s16;
	s15 =	smax.u32 s15, $0x1;
	s10 =	sadd.s32 s6, s4  }
0xd: {  	s4 =	sadd.s32 s8, s2;
	s6 =	sadd.s32 s12, s2;
	s8 =	sadd.s32 s17, s2  }
0xe: {  	s30 =	sshrl.u32 s18, $0x3;
	s12 =	sadd.s32 s13, s12;
	s16 =	sshrl.u32 s16, $0x3  }
0xf: {  	s17 =	sadd.s32 s13, s17;
	s18 =	simm.s32 $0x80;
	s9 =	sadd.s32 $0xD400, s10  }
0x10: {  	s10 =	sadd.s32 s14, s11;
	s11 =	sadd.s32 s14, s30;
	s12 =	sshrl.u32 s12, $0x3  }
0x11: {  	s13 =	sadd.s32 s14, s16;
	s31 =	sshrl.u32 s17, $0x3;
	s16 =	simm.s32 $0x2800  }
0x12: {  	v0 =	vimm.f32 $0.0e+00;
	v1 =	vimm.f32 $1.000000000e+00;
	s17 =	simm.s32 $0x1;
	s12 =	sadd.s32 s14, s12;
	s14 =	sadd.s32 s14, s31  }
.LBB2_1:
0x13: {  	[tilespmem:$0x2800] =	vst v0  }
0x14: {  	[tilespmem:$0x2810] =	vst v0  }
0x15: {  	[tilespmem:$0x2820] =	vst v0  }
0x16: {  	[tilespmem:$0x2830] =	vst v0  }
0x17: {  	[tilespmem:$0x2840] =	vst v0  }
0x18: {  	[tilespmem:$0x2850] =	vst v0  }
0x19: {  	[tilespmem:$0x2860] =	vst v0  }
0x1a: {  	[tilespmem:$0x2870] =	vst v0  }
0x1b: {  	[spmem:s4] =	stream.linear.scatter [tilespmem:s16], [sflag:$0x1], $0x80, $0x38;
	[tilespmem:$0x2B00] =	vst v63  }
0x1c: {  	_ =	swait.ge [sflag:s17], $0x80  }
0x1d: {  	[sflag:s17] =	ssyncset.done $0x0  }
0x1e: {  	[sflag:s17] =	ssyncadd.s32 $0xFFFFFF80  }
0x1f: {  	[spmem:s5] =	stream.linear.scatter [tilespmem:s16], [sflag:$0x1], $0x80, $0x38;
	[tilespmem:$0x2B00] =	vst v63  }
0x20: {  	_ =	swait.ge [sflag:s17], $0x80  }
0x21: {  	[sflag:s17] =	ssyncset.done $0x0  }
0x22: {  	[sflag:s17] =	ssyncadd.s32 $0xFFFFFF80  }
0x23: {  	[spmem:s6] =	stream.linear.scatter [tilespmem:s16], [sflag:$0x1], $0x80, $0x38;
	[tilespmem:$0x2B00] =	vst v63  }
0x24: {  	_ =	swait.ge [sflag:s17], $0x80  }
0x25: {  	[sflag:s17] =	ssyncset.done $0x0  }
0x26: {  	[sflag:s17] =	ssyncadd.s32 $0xFFFFFF80  }
0x27: {  	[spmem:s7] =	stream.linear.scatter [tilespmem:s16], [sflag:$0x1], $0x80, $0x38;
	[tilespmem:$0x2B00] =	vst v63  }
0x28: {  	_ =	swait.ge [sflag:s17], $0x80  }
0x29: {  	[sflag:s17] =	ssyncset.done $0x0  }
0x2a: {  	[sflag:s17] =	ssyncadd.s32 $0xFFFFFF80  }
0x2b: {  	[spmem:s8] =	stream.linear.scatter [tilespmem:s16], [sflag:$0x1], $0x80, $0x38;
	[tilespmem:$0x2B00] =	vst v63  }
0x2c: {  	_ =	swait.ge [sflag:s17], $0x80  }
0x2d: {  	[sflag:s17] =	ssyncset.done $0x0  }
0x2e: {  	[sflag:s17] =	ssyncadd.s32 $0xFFFFFF80  }
0x2f: {  	[tilespmem:$0x2800] =	vst v1  }
0x30: {  	[tilespmem:$0x2810] =	vst v1  }
0x31: {  	[tilespmem:$0x2820] =	vst v1  }
0x32: {  	[tilespmem:$0x2830] =	vst v1  }
0x33: {  	[tilespmem:$0x2840] =	vst v1  }
0x34: {  	[tilespmem:$0x2850] =	vst v1  }
0x35: {  	[tilespmem:$0x2860] =	vst v1  }
0x36: {  	[tilespmem:$0x2870] =	vst v1  }
0x37: {  	[bflag:$0x0] =	sbarrier.arrive $0xFFFF  }
0x38: {  	[tilespmem:s3], [sflag:$0x1] =	stream.linear.gather [hbm4b:s9+s3], $0x2800, $0x38;
	[tilespmem:$0x2B00] =	vst v63  }
0x39: {  	_ =	swait.ge [sflag:s17], $0x2800  }
0x3a: {  	[sflag:s17] =	ssyncset.done $0x0  }
0x3b: {  	s20 =	simm.s32 $0x0;
	[sflag:s17] =	ssyncadd.s32 $0xFFFFD800  }
0x3c: {  	[spmem:s2] =	stream.indirect.scatter.add.f32 [tilespmem:s16], [sflag:$0x1], $0x1, s20, s18, $0xb8;
	[tilespmem:$0x2B00] =	vst v63  }
0x3d: {  	_ =	swait.ge [sflag:s17], $0x80  }
0x3e: {  	s20 =	simm.s32 $0x200;
	[sflag:s17] =	ssyncset.done $0x0  }
.LBB2_2:
0x3f: {  	s21 =	sshra.s32 s20, $0x2;
	[sflag:s17] =	ssyncadd.s32 $0xFFFFFF80;
	p0 =	sne.s32 s20, $0x9E00  }
0x40: {  	[spmem:s2] =	stream.indirect.scatter.add.f32 [tilespmem:s16], [sflag:$0x1], $0x1, s21, s18, $0xb8;
	[tilespmem:$0x2B00] =	vst v63  }
.Ltmp0:
0x41: {  	_ = 	snop;
	(pc) =	sbr.rel @p0 .LBB2_2-.Ltmp0, $4  }
0x42: {  	_ = 	snop  }
0x43: {  	s20 =	sadd.s32 $0x200, s20  }
0x44: {  	_ =	swait.ge [sflag:s17], $0x80  }
0x45: {  	[sflag:s17] =	ssyncset.done $0x0  }
0x46: {  	[sflag:s17] =	ssyncadd.s32 $0xFFFFFF80  }
0x47: {  	[bflag:$0x0] =	sbarrier.arrive $0xFFFF  }
0x48: {  	[tilespmem:s16], [sflag:$0x1] =	stream.linear.gather [spmem:s4], $0x80, $0x38;
	[tilespmem:$0x2B00] =	vst v63  }
0x49: {  	_ =	swait.ge [sflag:s17], $0x80  }
0x4a: {  	[sflag:s17] =	ssyncset.done $0x0  }
0x4b: {  	[sflag:s17] =	ssyncadd.s32 $0xFFFFFF80  }
0x4c: {  	[hbm4b:s10+s3] =	stream.linear.scatter [tilespmem:s16], [sflag:$0x1], $0x80, $0x38;
	[tilespmem:$0x2B00] =	vst v63  }
0x4d: {  	_ =	swait.ge [sflag:s17], $0x80  }
0x4e: {  	[sflag:s17] =	ssyncset.done $0x0  }
0x4f: {  	[sflag:s17] =	ssyncadd.s32 $0xFFFFFF80  }
0x50: {  	[tilespmem:s16], [sflag:$0x1] =	stream.linear.gather [spmem:s5], $0x80, $0x38;
	[tilespmem:$0x2B00] =	vst v63  }
0x51: {  	_ =	swait.ge [sflag:s17], $0x80  }
0x52: {  	[sflag:s17] =	ssyncset.done $0x0  }
0x53: {  	[sflag:s17] =	ssyncadd.s32 $0xFFFFFF80  }
0x54: {  	[hbm4b:s11+s3] =	stream.linear.scatter [tilespmem:s16], [sflag:$0x1], $0x80, $0x38;
	[tilespmem:$0x2B00] =	vst v63  }
0x55: {  	_ =	swait.ge [sflag:s17], $0x80  }
0x56: {  	[sflag:s17] =	ssyncset.done $0x0  }
0x57: {  	[sflag:s17] =	ssyncadd.s32 $0xFFFFFF80  }
0x58: {  	[tilespmem:s16], [sflag:$0x1] =	stream.linear.gather [spmem:s6], $0x80, $0x38;
	[tilespmem:$0x2B00] =	vst v63  }
0x59: {  	_ =	swait.ge [sflag:s17], $0x80  }
0x5a: {  	[sflag:s17] =	ssyncset.done $0x0  }
0x5b: {  	[sflag:s17] =	ssyncadd.s32 $0xFFFFFF80  }
0x5c: {  	[hbm4b:s12+s3] =	stream.linear.scatter [tilespmem:s16], [sflag:$0x1], $0x80, $0x38;
	[tilespmem:$0x2B00] =	vst v63  }
0x5d: {  	_ =	swait.ge [sflag:s17], $0x80  }
0x5e: {  	[sflag:s17] =	ssyncset.done $0x0  }
0x5f: {  	[sflag:s17] =	ssyncadd.s32 $0xFFFFFF80  }
0x60: {  	[tilespmem:s16], [sflag:$0x1] =	stream.linear.gather [spmem:s7], $0x80, $0x38;
	[tilespmem:$0x2B00] =	vst v63  }
0x61: {  	_ =	swait.ge [sflag:s17], $0x80  }
0x62: {  	[sflag:s17] =	ssyncset.done $0x0  }
0x63: {  	[sflag:s17] =	ssyncadd.s32 $0xFFFFFF80  }
0x64: {  	[hbm4b:s13+s3] =	stream.linear.scatter [tilespmem:s16], [sflag:$0x1], $0x80, $0x38;
	[tilespmem:$0x2B00] =	vst v63  }
0x65: {  	_ =	swait.ge [sflag:s17], $0x80  }
0x66: {  	[sflag:s17] =	ssyncset.done $0x0  }
0x67: {  	[sflag:s17] =	ssyncadd.s32 $0xFFFFFF80  }
0x68: {  	[tilespmem:s16], [sflag:$0x1] =	stream.linear.gather [spmem:s8], $0x80, $0x38;
	[tilespmem:$0x2B00] =	vst v63  }
0x69: {  	s19 =	sadd.s32 $0x1, s19;
	_ =	swait.ge [sflag:s17], $0x80  }
0x6a: {  	p0 =	sne.s32 s19, s15;
	[sflag:s17] =	ssyncset.done $0x0  }
.Ltmp1:
0x6b: {  	[sflag:s17] =	ssyncadd.s32 $0xFFFFFF80;
	(pc) =	sbr.rel @p0 .LBB2_1-.Ltmp1, $4  }
0x6c: {  	[hbm4b:s14+s3] =	stream.linear.scatter [tilespmem:s16], [sflag:$0x1], $0x80, $0x38;
	[tilespmem:$0x2B00] =	vst v63  }
0x6d: {  	_ =	swait.ge [sflag:s17], $0x80  }
0x6e: {  	[sflag:s17] =	ssyncset.done $0x0  }
0x6f: {  	[sflag:s17] =	ssyncadd.s32 $0xFFFFFF80  }
0x70: {  	_ =	sfence.sel $0x180000  }
0x71: {  	[bflag:$0x0] =	sbarrier.arrive $0xFFFF  }
0x72: {  	p0 =	sne.s32 s0, $0x0;
	_ =	strace $0x90000047  }
0x73: {  	s0 =	sadd.s32 @!p0 $0x100000, s1;
	[bflag:$0x2] =	sbarrier.arrive $0xFFFF  }
0x74: {  	[sflag:s0] =	ssyncadd.tile.s32 @!p0 $0x1;
	_ =	shalt  }
.Lfunc_end2:
_tile_overlayer_lowered:
.L_overlay_start_2:
0x75: {  	(tag) =	ssettag $0x2  }
0x76: {  	s0 =	rddreg [dreg:$0x0];
	s2 =	stileid.u32  }
0x77: {  	s1 =	rddreg [dreg:$0x1];
	p0 =	sne.s32 s2, $0x0  }
0x78: {  	s3 =	rddreg [dreg:$0x2];
	[bflag:$0x3] =	sbarrier.arrive $0xFFFF;
	s2 =	simm.s32 @!p0 $0x1C01  }
0x79: {  	[timem:s3], [sflag:s2] =	dma.local @!p0 [hbm:s0], s1  }
0x7a: {  	s0 =	simm.s32 @!p0 $0x1  }
0x7b: {  	_ =	swait.ge @!p0 [sflag:s0], s1  }
0x7c: {  	s1 =	ssub.s32 @!p0 $0x0, s1;
	[sflag:s0] =	ssyncset.done @!p0 $0x0  }
0x7d: {  	[sflag:s0] =	ssyncadd.s32 @!p0 s1  }
0x7e: {  	[bflag:$0x3] =	sbarrier.arrive $0xFFFF  }
0x7f: {  	_ =	shalt  }

</sc_bundles>
